<compile_context>
chip_gen: v7x
topology: tpu7x:2x2x1
jax: 0.10.2.dev20260603
libtpu: 0.0.44.dev20260713+nightly
codegen_flags: <defaults>
</compile_context>

<pallas_src>
import functools

import jax
import jax.numpy as jnp
from jax import lax
from jax.experimental import pallas as pl
from jax.experimental.pallas import tpu as pltpu
from jax.experimental.pallas import tpu_sc as plsc

_NC = 2
_NS = 16
_RCH = 32


def kernel(inputs, embed_weight):
    B, S = inputs.shape
    E = embed_weight.shape[1]
    NW = _NC * _NS
    rows_per_w = S // NW
    n_chunks = rows_per_w // _RCH

    mesh = plsc.VectorSubcoreMesh(core_axis_name="c", subcore_axis_name="s")

    @functools.partial(
        pl.kernel,
        out_type=jax.ShapeDtypeStruct((B, S, E), embed_weight.dtype),
        mesh=mesh,
        scratch_types=[
            pltpu.VMEM((2, _RCH, E), embed_weight.dtype),
            pltpu.SemaphoreType.DMA((2,)),
            pltpu.SemaphoreType.DMA((2, B)),
        ],
    )
    def sc_copy(w_hbm, o_hbm, buf, in_sem, out_sem):
        wid = lax.axis_index("s") * _NC + lax.axis_index("c")
        base = wid * rows_per_w

        def in_cp(j, slot):
            return pltpu.make_async_copy(
                w_hbm.at[pl.ds(base + j * _RCH, _RCH), :],
                buf.at[slot],
                in_sem.at[slot],
            )

        def out_cp(j, b, slot):
            return pltpu.make_async_copy(
                buf.at[slot],
                o_hbm.at[b, pl.ds(base + j * _RCH, _RCH), :],
                out_sem.at[slot, b],
            )

        for j in range(n_chunks):
            slot = j % 2
            if j >= 2:
                for b in range(B):
                    out_cp(j - 2, b, slot).wait()
            in_cp(j, slot).start()
            in_cp(j, slot).wait()
            for b in range(B):
                out_cp(j, b, slot).start()
        for j in (n_chunks - 2, n_chunks - 1):
            for b in range(B):
                out_cp(j, b, j % 2).wait()

    return sc_copy(embed_weight)

# --- scband reference (transcript-rebuilt; emitter-appended) ---
"""Pipeline reference for scband-position-embedding-3667902071031 (READ-ONLY COPY).

The authoritative reference and input builder live on the scoring server;
editing this copy changes nothing except your own understanding.
"""

import jax, jax.numpy as jnp
import numpy as np

EMBED_DIM = 1024
NUM_POSITION = 8192
BATCH = 4
SEQ = 8192

def setup_inputs(seed: int = 0) -> dict:
    key = jax.random.key(seed)
    k1, k2 = jax.random.split(key)
    inputs = jax.random.randint(k1, (BATCH, SEQ), 0, 1000, dtype=jnp.int64 if jax.config.jax_enable_x64 else jnp.int32)
    # nn.init.uniform_ -> U[0,1)
    embed_weight = jax.random.uniform(k2, (NUM_POSITION, EMBED_DIM), dtype=jnp.float32)
    return {"inputs": inputs, "embed_weight": embed_weight}

def reference(inputs, embed_weight):
    # Faithful translation of PositionEmbedding.forward
    B = inputs.shape[0]
    S = inputs.shape[1]
    i = jnp.arange(S)
    emb = jnp.take(embed_weight, i, axis=0)  # embedding lookup
    pos = jnp.tile(emb[None, :, :], (B, 1, 1))  # emb.repeat(B, 1, 1)
    return pos

if __name__ == "__main__":
    import jax
    _d = setup_inputs()
    print(jax.jit(kernel)(*tuple(_d.values())))

</pallas_src>

<mosaic_0001>
#map = affine_map<(d0, d1) -> (0, 0)>
#map1 = affine_map<(d0, d1) -> (0, 0, 0)>
module attributes {stable_mosaic.version = 14 : i64} {
  func.func @sc_copy(%arg0: i32, %arg1: i32, %arg2: memref<8192x1024xf32, #tpu.memory_space<hbm>>, %arg3: memref<4x8192x1024xf32, #tpu.memory_space<hbm>>, %arg4: memref<2x32x1024xf32, #tpu.memory_space<vmem>>, %arg5: memref<2x!tpu.dma_semaphore, #tpu.memory_space<semaphore_mem>>, %arg6: memref<2x4x!tpu.dma_semaphore, #tpu.memory_space<semaphore_mem>>) attributes {dimension_semantics = [#tpu.dimension_semantics<core_parallel>, #tpu.dimension_semantics<subcore_parallel>], iteration_bounds = array<i64: 2, 16>, scalar_prefetch = 0 : i64, scratch_operands = 3 : i64, tpu.core_type = #tpu.core_type<sc_vector_subcore>, window_params = [{transform_indices = #map}, {transform_indices = #map1}]} {
    %mul3A = arith.constant 2 : i32
    %mul3A_0 = arith.muli %arg1, %mul3A : i32
    %add3A = arith.addi %mul3A_0, %arg0 : i32
    %mul3A_1 = arith.constant 256 : i32
    %mul3A_2 = arith.muli %add3A, %mul3A_1 : i32
    %add3A_3 = arith.constant 0 : i32
    %add3A_4 = arith.addi %mul3A_2, %add3A_3 : i32
    %dma_start3A = arith.constant 0 : i32
    %dma_start3A_5 = arith.constant 0 : i32
    %dma_start3A_6 = arith.constant 0 : i32
    %dma_start3A_7 = arith.constant 0 : i32
    %dma_start3A_8 = tpu.memref_slice %arg4[%dma_start3A, %dma_start3A_6, %dma_start3A_7] : memref<2x32x1024xf32, #tpu.memory_space<vmem>> -> memref<1x32x1024xf32, #tpu.memory_space<vmem>>
    %dma_start3A_9 = tpu.memref_squeeze %dma_start3A_8 : memref<1x32x1024xf32, #tpu.memory_space<vmem>> -> memref<32x1024xf32, #tpu.memory_space<vmem>>
    %dma_start3A_10 = arith.constant 0 : i32
    %dma_start3A_11 = tpu.memref_slice %arg2[%add3A_4, %dma_start3A_10] : memref<8192x1024xf32, #tpu.memory_space<hbm>> -> memref<32x1024xf32, #tpu.memory_space<hbm>>
    %dma_start3A_12 = tpu.memref_slice %arg5[%dma_start3A_5] : memref<2x!tpu.dma_semaphore, #tpu.memory_space<semaphore_mem>> -> memref<1x!tpu.dma_semaphore, #tpu.memory_space<semaphore_mem>>
    %dma_start3A_13 = tpu.memref_squeeze %dma_start3A_12 : memref<1x!tpu.dma_semaphore, #tpu.memory_space<semaphore_mem>> -> memref<!tpu.dma_semaphore, #tpu.memory_space<semaphore_mem>>
    %dma_start3A_14 = arith.constant 0 : i32
    %dma_start3A_15 = arith.constant 0 : i32
    %dma_start3A_16 = tpu.memref_slice %arg4[%dma_start3A, %dma_start3A_14, %dma_start3A_15] : memref<2x32x1024xf32, #tpu.memory_space<vmem>> -> memref<1x32x1024xf32, #tpu.memory_space<vmem>>
    %dma_start3A_17 = tpu.memref_squeeze %dma_start3A_16 : memref<1x32x1024xf32, #tpu.memory_space<vmem>> -> memref<32x1024xf32, #tpu.memory_space<vmem>>
    %dma_start3A_18 = arith.constant 0 : i32
    %dma_start3A_19 = tpu.memref_slice %arg2[%add3A_4, %dma_start3A_18] : memref<8192x1024xf32, #tpu.memory_space<hbm>> -> memref<32x1024xf32, #tpu.memory_space<hbm>>
    tpu.enqueue_dma source(%dma_start3A_19 : memref<32x1024xf32, #tpu.memory_space<hbm>>) target(%dma_start3A_17 : memref<32x1024xf32, #tpu.memory_space<vmem>>) target_semaphore(%dma_start3A_13 : memref<!tpu.dma_semaphore, #tpu.memory_space<semaphore_mem>>)
    %add3A_20 = arith.constant 0 : i32
    %add3A_21 = arith.addi %mul3A_2, %add3A_20 : i32
    %dma_wait3A = arith.constant 0 : i32
    %dma_wait3A_22 = arith.constant 0 : i32
    %dma_wait3A_23 = arith.constant 0 : i32
    %dma_wait3A_24 = arith.constant 0 : i32
    %dma_wait3A_25 = tpu.memref_slice %arg4[%dma_wait3A, %dma_wait3A_23, %dma_wait3A_24] : memref<2x32x1024xf32, #tpu.memory_space<vmem>> -> memref<1x32x1024xf32, #tpu.memory_space<vmem>>
    %dma_wait3A_26 = tpu.memref_squeeze %dma_wait3A_25 : memref<1x32x1024xf32, #tpu.memory_space<vmem>> -> memref<32x1024xf32, #tpu.memory_space<vmem>>
    %dma_wait3A_27 = arith.constant 0 : i32
    %dma_wait3A_28 = tpu.memref_slice %arg2[%add3A_21, %dma_wait3A_27] : memref<8192x1024xf32, #tpu.memory_space<hbm>> -> memref<32x1024xf32, #tpu.memory_space<hbm>>
    %dma_wait3A_29 = tpu.memref_slice %arg5[%dma_wait3A_22] : memref<2x!tpu.dma_semaphore, #tpu.memory_space<semaphore_mem>> -> memref<1x!tpu.dma_semaphore, #tpu.memory_space<semaphore_mem>>
    %dma_wait3A_30 = tpu.memref_squeeze %dma_wait3A_29 : memref<1x!tpu.dma_semaphore, #tpu.memory_space<semaphore_mem>> -> memref<!tpu.dma_semaphore, #tpu.memory_space<semaphore_mem>>
    %dma_wait3A_31 = arith.constant 0 : i32
    %dma_wait3A_32 = arith.constant 0 : i32
    %dma_wait3A_33 = tpu.memref_slice %arg4[%dma_wait3A, %dma_wait3A_31, %dma_wait3A_32] : memref<2x32x1024xf32, #tpu.memory_space<vmem>> -> memref<1x32x1024xf32, #tpu.memory_space<vmem>>
    %dma_wait3A_34 = tpu.memref_squeeze %dma_wait3A_33 : memref<1x32x1024xf32, #tpu.memory_space<vmem>> -> memref<32x1024xf32, #tpu.memory_space<vmem>>
    %dma_wait3A_35 = arith.constant 0 : i32
    %dma_wait3A_36 = tpu.memref_slice %arg2[%add3A_21, %dma_wait3A_35] : memref<8192x1024xf32, #tpu.memory_space<hbm>> -> memref<32x1024xf32, #tpu.memory_space<hbm>>
    tpu.wait_dma2 semaphore(%dma_wait3A_30 : memref<!tpu.dma_semaphore, #tpu.memory_space<semaphore_mem>>) src(%dma_wait3A_36 : memref<32x1024xf32, #tpu.memory_space<hbm>>) dst(%dma_wait3A_34 : memref<32x1024xf32, #tpu.memory_space<vmem>>)
    %add3A_37 = arith.constant 0 : i32
    %add3A_38 = arith.addi %mul3A_2, %add3A_37 : i32
    %dma_start3A_39 = arith.constant 0 : i32
    %dma_start3A_40 = arith.constant 0 : i32
    %dma_start3A_41 = arith.constant 0 : i32
    %dma_start3A_42 = arith.constant 0 : i32
    %dma_start3A_43 = arith.constant 0 : i32
    %dma_start3A_44 = arith.constant 0 : i32
    %dma_start3A_45 = tpu.memref_slice %arg4[%dma_start3A_39, %dma_start3A_43, %dma_start3A_44] : memref<2x32x1024xf32, #tpu.memory_space<vmem>> -> memref<1x32x1024xf32, #tpu.memory_space<vmem>>
    %dma_start3A_46 = tpu.memref_squeeze %dma_start3A_45 : memref<1x32x1024xf32, #tpu.memory_space<vmem>> -> memref<32x1024xf32, #tpu.memory_space<vmem>>
    %dma_start3A_47 = arith.constant 0 : i32
    %dma_start3A_48 = tpu.memref_slice %arg3[%dma_start3A_40, %add3A_38, %dma_start3A_47] : memref<4x8192x1024xf32, #tpu.memory_space<hbm>> -> memref<1x32x1024xf32, #tpu.memory_space<hbm>>
    %dma_start3A_49 = tpu.memref_squeeze %dma_start3A_48 : memref<1x32x1024xf32, #tpu.memory_space<hbm>> -> memref<32x1024xf32, #tpu.memory_space<hbm>>
    %dma_start3A_50 = tpu.memref_slice %arg6[%dma_start3A_41, %dma_start3A_42] : memref<2x4x!tpu.dma_semaphore, #tpu.memory_space<semaphore_mem>> -> memref<1x1x!tpu.dma_semaphore, #tpu.memory_space<semaphore_mem>>
    %dma_start3A_51 = tpu.memref_squeeze %dma_start3A_50 : memref<1x1x!tpu.dma_semaphore, #tpu.memory_space<semaphore_mem>> -> memref<!tpu.dma_semaphore, #tpu.memory_space<semaphore_mem>>
    %dma_start3A_52 = arith.constant 0 : i32
    %dma_start3A_53 = tpu.memref_slice %arg3[%dma_start3A_40, %add3A_38, %dma_start3A_52] : memref<4x8192x1024xf32, #tpu.memory_space<hbm>> -> memref<1x32x1024xf32, #tpu.memory_space<hbm>>
    %dma_start3A_54 = tpu.memref_squeeze %dma_start3A_53 : memref<1x32x1024xf32, #tpu.memory_space<hbm>> -> memref<32x1024xf32, #tpu.memory_space<hbm>>
    %dma_start3A_55 = arith.constant 0 : i32
    %dma_start3A_56 = arith.constant 0 : i32
    %dma_start3A_57 = tpu.memref_slice %arg4[%dma_start3A_39, %dma_start3A_55, %dma_start3A_56] : memref<2x32x1024xf32, #tpu.memory_space<vmem>> -> memref<1x32x1024xf32, #tpu.memory_space<vmem>>
    %dma_start3A_58 = tpu.memref_squeeze %dma_start3A_57 : memref<1x32x1024xf32, #tpu.memory_space<vmem>> -> memref<32x1024xf32, #tpu.memory_space<vmem>>
    tpu.enqueue_dma source(%dma_start3A_58 : memref<32x1024xf32, #tpu.memory_space<vmem>>) target(%dma_start3A_54 : memref<32x1024xf32, #tpu.memory_space<hbm>>) target_semaphore(%dma_start3A_51 : memref<!tpu.dma_semaphore, #tpu.memory_space<semaphore_mem>>)
    %add3A_59 = arith.constant 0 : i32
    %add3A_60 = arith.addi %mul3A_2, %add3A_59 : i32
    %dma_start3A_61 = arith.constant 0 : i32
    %dma_start3A_62 = arith.constant 1 : i32
    %dma_start3A_63 = arith.constant 0 : i32
    %dma_start3A_64 = arith.constant 1 : i32
    %dma_start3A_65 = arith.constant 0 : i32
    %dma_start3A_66 = arith.constant 0 : i32
    %dma_start3A_67 = tpu.memref_slice %arg4[%dma_start3A_61, %dma_start3A_65, %dma_start3A_66] : memref<2x32x1024xf32, #tpu.memory_space<vmem>> -> memref<1x32x1024xf32, #tpu.memory_space<vmem>>
    %dma_start3A_68 = tpu.memref_squeeze %dma_start3A_67 : memref<1x32x1024xf32, #tpu.memory_space<vmem>> -> memref<32x1024xf32, #tpu.memory_space<vmem>>
    %dma_start3A_69 = arith.constant 0 : i32
    %dma_start3A_70 = tpu.memref_slice %arg3[%dma_start3A_62, %add3A_60, %dma_start3A_69] : memref<4x8192x1024xf32, #tpu.memory_space<hbm>> -> memref<1x32x1024xf32, #tpu.memory_space<hbm>>
    %dma_start3A_71 = tpu.memref_squeeze %dma_start3A_70 : memref<1x32x1024xf32, #tpu.memory_space<hbm>> -> memref<32x1024xf32, #tpu.memory_space<hbm>>
    %dma_start3A_72 = tpu.memref_slice %arg6[%dma_start3A_63, %dma_start3A_64] : memref<2x4x!tpu.dma_semaphore, #tpu.memory_space<semaphore_mem>> -> memref<1x1x!tpu.dma_semaphore, #tpu.memory_space<semaphore_mem>>
    %dma_start3A_73 = tpu.memref_squeeze %dma_start3A_72 : memref<1x1x!tpu.dma_semaphore, #tpu.memory_space<semaphore_mem>> -> memref<!tpu.dma_semaphore, #tpu.memory_space<semaphore_mem>>
    %dma_start3A_74 = arith.constant 0 : i32
    %dma_start3A_75 = tpu.memref_slice %arg3[%dma_start3A_62, %add3A_60, %dma_start3A_74] : memref<4x8192x1024xf32, #tpu.memory_space<hbm>> -> memref<1x32x1024xf32, #tpu.memory_space<hbm>>
    %dma_start3A_76 = tpu.memref_squeeze %dma_start3A_75 : memref<1x32x1024xf32, #tpu.memory_space<hbm>> -> memref<32x1024xf32, #tpu.memory_space<hbm>>
    %dma_start3A_77 = arith.constant 0 : i32
    %dma_start3A_78 = arith.constant 0 : i32
    %dma_start3A_79 = tpu.memref_slice %arg4[%dma_start3A_61, %dma_start3A_77, %dma_start3A_78] : memref<2x32x1024xf32, #tpu.memory_space<vmem>> -> memref<1x32x1024xf32, #tpu.memory_space<vmem>>
    %dma_start3A_80 = tpu.memref_squeeze %dma_start3A_79 : memref<1x32x1024xf32, #tpu.memory_space<vmem>> -> memref<32x1024xf32, #tpu.memory_space<vmem>>
    tpu.enqueue_dma source(%dma_start3A_80 : memref<32x1024xf32, #tpu.memory_space<vmem>>) target(%dma_start3A_76 : memref<32x1024xf32, #tpu.memory_space<hbm>>) target_semaphore(%dma_start3A_73 : memref<!tpu.dma_semaphore, #tpu.memory_space<semaphore_mem>>)
    %add3A_81 = arith.constant 0 : i32
    %add3A_82 = arith.addi %mul3A_2, %add3A_81 : i32
    %dma_start3A_83 = arith.constant 0 : i32
    %dma_start3A_84 = arith.constant 2 : i32
    %dma_start3A_85 = arith.constant 0 : i32
    %dma_start3A_86 = arith.constant 2 : i32
    %dma_start3A_87 = arith.constant 0 : i32
    %dma_start3A_88 = arith.constant 0 : i32
    %dma_start3A_89 = tpu.memref_slice %arg4[%dma_start3A_83, %dma_start3A_87, %dma_start3A_88] : memref<2x32x1024xf32, #tpu.memory_space<vmem>> -> memref<1x32x1024xf32, #tpu.memory_space<vmem>>
    %dma_start3A_90 = tpu.memref_squeeze %dma_start3A_89 : memref<1x32x1024xf32, #tpu.memory_space<vmem>> -> memref<32x1024xf32, #tpu.memory_space<vmem>>
    %dma_start3A_91 = arith.constant 0 : i32
    %dma_start3A_92 = tpu.memref_slice %arg3[%dma_start3A_84, %add3A_82, %dma_start3A_91] : memref<4x8192x1024xf32, #tpu.memory_space<hbm>> -> memref<1x32x1024xf32, #tpu.memory_space<hbm>>
    %dma_start3A_93 = tpu.memref_squeeze %dma_start3A_92 : memref<1x32x1024xf32, #tpu.memory_space<hbm>> -> memref<32x1024xf32, #tpu.memory_space<hbm>>
    %dma_start3A_94 = tpu.memref_slice %arg6[%dma_start3A_85, %dma_start3A_86] : memref<2x4x!tpu.dma_semaphore, #tpu.memory_space<semaphore_mem>> -> memref<1x1x!tpu.dma_semaphore, #tpu.memory_space<semaphore_mem>>
    %dma_start3A_95 = tpu.memref_squeeze %dma_start3A_94 : memref<1x1x!tpu.dma_semaphore, #tpu.memory_space<semaphore_mem>> -> memref<!tpu.dma_semaphore, #tpu.memory_space<semaphore_mem>>
    %dma_start3A_96 = arith.constant 0 : i32
    %dma_start3A_97 = tpu.memref_slice %arg3[%dma_start3A_84, %add3A_82, %dma_start3A_96] : memref<4x8192x1024xf32, #tpu.memory_space<hbm>> -> memref<1x32x1024xf32, #tpu.memory_space<hbm>>
    %dma_start3A_98 = tpu.memref_squeeze %dma_start3A_97 : memref<1x32x1024xf32, #tpu.memory_space<hbm>> -> memref<32x1024xf32, #tpu.memory_space<hbm>>
    %dma_start3A_99 = arith.constant 0 : i32
    %dma_start3A_100 = arith.constant 0 : i32
    %dma_start3A_101 = tpu.memref_slice %arg4[%dma_start3A_83, %dma_start3A_99, %dma_start3A_100] : memref<2x32x1024xf32, #tpu.memory_space<vmem>> -> memref<1x32x1024xf32, #tpu.memory_space<vmem>>
    %dma_start3A_102 = tpu.memref_squeeze %dma_start3A_101 : memref<1x32x1024xf32, #tpu.memory_space<vmem>> -> memref<32x1024xf32, #tpu.memory_space<vmem>>
    tpu.enqueue_dma source(%dma_start3A_102 : memref<32x1024xf32, #tpu.memory_space<vmem>>) target(%dma_start3A_98 : memref<32x1024xf32, #tpu.memory_space<hbm>>) target_semaphore(%dma_start3A_95 : memref<!tpu.dma_semaphore, #tpu.memory_space<semaphore_mem>>)
    %add3A_103 = arith.constant 0 : i32
    %add3A_104 = arith.addi %mul3A_2, %add3A_103 : i32
    %dma_start3A_105 = arith.constant 0 : i32
    %dma_start3A_106 = arith.constant 3 : i32
    %dma_start3A_107 = arith.constant 0 : i32
    %dma_start3A_108 = arith.constant 3 : i32
    %dma_start3A_109 = arith.constant 0 : i32
    %dma_start3A_110 = arith.constant 0 : i32
    %dma_start3A_111 = tpu.memref_slice %arg4[%dma_start3A_105, %dma_start3A_109, %dma_start3A_110] : memref<2x32x1024xf32, #tpu.memory_space<vmem>> -> memref<1x32x1024xf32, #tpu.memory_space<vmem>>
    %dma_start3A_112 = tpu.memref_squeeze %dma_start3A_111 : memref<1x32x1024xf32, #tpu.memory_space<vmem>> -> memref<32x1024xf32, #tpu.memory_space<vmem>>
    %dma_start3A_113 = arith.constant 0 : i32
    %dma_start3A_114 = tpu.memref_slice %arg3[%dma_start3A_106, %add3A_104, %dma_start3A_113] : memref<4x8192x1024xf32, #tpu.memory_space<hbm>> -> memref<1x32x1024xf32, #tpu.memory_space<hbm>>
    %dma_start3A_115 = tpu.memref_squeeze %dma_start3A_114 : memref<1x32x1024xf32, #tpu.memory_space<hbm>> -> memref<32x1024xf32, #tpu.memory_space<hbm>>
    %dma_start3A_116 = tpu.memref_slice %arg6[%dma_start3A_107, %dma_start3A_108] : memref<2x4x!tpu.dma_semaphore, #tpu.memory_space<semaphore_mem>> -> memref<1x1x!tpu.dma_semaphore, #tpu.memory_space<semaphore_mem>>
    %dma_start3A_117 = tpu.memref_squeeze %dma_start3A_116 : memref<1x1x!tpu.dma_semaphore, #tpu.memory_space<semaphore_mem>> -> memref<!tpu.dma_semaphore, #tpu.memory_space<semaphore_mem>>
    %dma_start3A_118 = arith.constant 0 : i32
    %dma_start3A_119 = tpu.memref_slice %arg3[%dma_start3A_106, %add3A_104, %dma_start3A_118] : memref<4x8192x1024xf32, #tpu.memory_space<hbm>> -> memref<1x32x1024xf32, #tpu.memory_space<hbm>>
    %dma_start3A_120 = tpu.memref_squeeze %dma_start3A_119 : memref<1x32x1024xf32, #tpu.memory_space<hbm>> -> memref<32x1024xf32, #tpu.memory_space<hbm>>
    %dma_start3A_121 = arith.constant 0 : i32
    %dma_start3A_122 = arith.constant 0 : i32
    %dma_start3A_123 = tpu.memref_slice %arg4[%dma_start3A_105, %dma_start3A_121, %dma_start3A_122] : memref<2x32x1024xf32, #tpu.memory_space<vmem>> -> memref<1x32x1024xf32, #tpu.memory_space<vmem>>
    %dma_start3A_124 = tpu.memref_squeeze %dma_start3A_123 : memref<1x32x1024xf32, #tpu.memory_space<vmem>> -> memref<32x1024xf32, #tpu.memory_space<vmem>>
    tpu.enqueue_dma source(%dma_start3A_124 : memref<32x1024xf32, #tpu.memory_space<vmem>>) target(%dma_start3A_120 : memref<32x1024xf32, #tpu.memory_space<hbm>>) target_semaphore(%dma_start3A_117 : memref<!tpu.dma_semaphore, #tpu.memory_space<semaphore_mem>>)
    %add3A_125 = arith.constant 32 : i32
    %add3A_126 = arith.addi %mul3A_2, %add3A_125 : i32
    %dma_start3A_127 = arith.constant 1 : i32
    %dma_start3A_128 = arith.constant 1 : i32
    %dma_start3A_129 = arith.constant 0 : i32
    %dma_start3A_130 = arith.constant 0 : i32
    %dma_start3A_131 = tpu.memref_slice %arg4[%dma_start3A_127, %dma_start3A_129, %dma_start3A_130] : memref<2x32x1024xf32, #tpu.memory_space<vmem>> -> memref<1x32x1024xf32, #tpu.memory_space<vmem>>
    %dma_start3A_132 = tpu.memref_squeeze %dma_start3A_131 : memref<1x32x1024xf32, #tpu.memory_space<vmem>> -> memref<32x1024xf32, #tpu.memory_space<vmem>>
    %dma_start3A_133 = arith.constant 0 : i32
    %dma_start3A_134 = tpu.memref_slice %arg2[%add3A_126, %dma_start3A_133] : memref<8192x1024xf32, #tpu.memory_space<hbm>> -> memref<32x1024xf32, #tpu.memory_space<hbm>>
    %dma_start3A_135 = tpu.memref_slice %arg5[%dma_start3A_128] : memref<2x!tpu.dma_semaphore, #tpu.memory_space<semaphore_mem>> -> memref<1x!tpu.dma_semaphore, #tpu.memory_space<semaphore_mem>>
    %dma_start3A_136 = tpu.memref_squeeze %dma_start3A_135 : memref<1x!tpu.dma_semaphore, #tpu.memory_space<semaphore_mem>> -> memref<!tpu.dma_semaphore, #tpu.memory_space<semaphore_mem>>
    %dma_start3A_137 = arith.constant 0 : i32
    %dma_start3A_138 = arith.constant 0 : i32
    %dma_start3A_139 = tpu.memref_slice %arg4[%dma_start3A_127, %dma_start3A_137, %dma_start3A_138] : memref<2x32x1024xf32, #tpu.memory_space<vmem>> -> memref<1x32x1024xf32, #tpu.memory_space<vmem>>
    %dma_start3A_140 = tpu.memref_squeeze %dma_start3A_139 : memref<1x32x1024xf32, #tpu.memory_space<vmem>> -> memref<32x1024xf32, #tpu.memory_space<vmem>>
    %dma_start3A_141 = arith.constant 0 : i32
    %dma_start3A_142 = tpu.memref_slice %arg2[%add3A_126, %dma_start3A_141] : memref<8192x1024xf32, #tpu.memory_space<hbm>> -> memref<32x1024xf32, #tpu.memory_space<hbm>>
    tpu.enqueue_dma source(%dma_start3A_142 : memref<32x1024xf32, #tpu.memory_space<hbm>>) target(%dma_start3A_140 : memref<32x1024xf32, #tpu.memory_space<vmem>>) target_semaphore(%dma_start3A_136 : memref<!tpu.dma_semaphore, #tpu.memory_space<semaphore_mem>>)
    %add3A_143 = arith.constant 32 : i32
    %add3A_144 = arith.addi %mul3A_2, %add3A_143 : i32
    %dma_wait3A_145 = arith.constant 1 : i32
    %dma_wait3A_146 = arith.constant 1 : i32
    %dma_wait3A_147 = arith.constant 0 : i32
    %dma_wait3A_148 = arith.constant 0 : i32
    %dma_wait3A_149 = tpu.memref_slice %arg4[%dma_wait3A_145, %dma_wait3A_147, %dma_wait3A_148] : memref<2x32x1024xf32, #tpu.memory_space<vmem>> -> memref<1x32x1024xf32, #tpu.memory_space<vmem>>
    %dma_wait3A_150 = tpu.memref_squeeze %dma_wait3A_149 : memref<1x32x1024xf32, #tpu.memory_space<vmem>> -> memref<32x1024xf32, #tpu.memory_space<vmem>>
    %dma_wait3A_151 = arith.constant 0 : i32
    %dma_wait3A_152 = tpu.memref_slice %arg2[%add3A_144, %dma_wait3A_151] : memref<8192x1024xf32, #tpu.memory_space<hbm>> -> memref<32x1024xf32, #tpu.memory_space<hbm>>
    %dma_wait3A_153 = tpu.memref_slice %arg5[%dma_wait3A_146] : memref<2x!tpu.dma_semaphore, #tpu.memory_space<semaphore_mem>> -> memref<1x!tpu.dma_semaphore, #tpu.memory_space<semaphore_mem>>
    %dma_wait3A_154 = tpu.memref_squeeze %dma_wait3A_153 : memref<1x!tpu.dma_semaphore, #tpu.memory_space<semaphore_mem>> -> memref<!tpu.dma_semaphore, #tpu.memory_space<semaphore_mem>>
    %dma_wait3A_155 = arith.constant 0 : i32
    %dma_wait3A_156 = arith.constant 0 : i32
    %dma_wait3A_157 = tpu.memref_slice %arg4[%dma_wait3A_145, %dma_wait3A_155, %dma_wait3A_156] : memref<2x32x1024xf32, #tpu.memory_space<vmem>> -> memref<1x32x1024xf32, #tpu.memory_space<vmem>>
    %dma_wait3A_158 = tpu.memref_squeeze %dma_wait3A_157 : memref<1x32x1024xf32, #tpu.memory_space<vmem>> -> memref<32x1024xf32, #tpu.memory_space<vmem>>
    %dma_wait3A_159 = arith.constant 0 : i32
    %dma_wait3A_160 = tpu.memref_slice %arg2[%add3A_144, %dma_wait3A_159] : memref<8192x1024xf32, #tpu.memory_space<hbm>> -> memref<32x1024xf32, #tpu.memory_space<hbm>>
    tpu.wait_dma2 semaphore(%dma_wait3A_154 : memref<!tpu.dma_semaphore, #tpu.memory_space<semaphore_mem>>) src(%dma_wait3A_160 : memref<32x1024xf32, #tpu.memory_space<hbm>>) dst(%dma_wait3A_158 : memref<32x1024xf32, #tpu.memory_space<vmem>>)
    %add3A_161 = arith.constant 32 : i32
    %add3A_162 = arith.addi %mul3A_2, %add3A_161 : i32
    %dma_start3A_163 = arith.constant 1 : i32
    %dma_start3A_164 = arith.constant 0 : i32
    %dma_start3A_165 = arith.constant 1 : i32
    %dma_start3A_166 = arith.constant 0 : i32
    %dma_start3A_167 = arith.constant 0 : i32
    %dma_start3A_168 = arith.constant 0 : i32
    %dma_start3A_169 = tpu.memref_slice %arg4[%dma_start3A_163, %dma_start3A_167, %dma_start3A_168] : memref<2x32x1024xf32, #tpu.memory_space<vmem>> -> memref<1x32x1024xf32, #tpu.memory_space<vmem>>
    %dma_start3A_170 = tpu.memref_squeeze %dma_start3A_169 : memref<1x32x1024xf32, #tpu.memory_space<vmem>> -> memref<32x1024xf32, #tpu.memory_space<vmem>>
    %dma_start3A_171 = arith.constant 0 : i32
    %dma_start3A_172 = tpu.memref_slice %arg3[%dma_start3A_164, %add3A_162, %dma_start3A_171] : memref<4x8192x1024xf32, #tpu.memory_space<hbm>> -> memref<1x32x1024xf32, #tpu.memory_space<hbm>>
    %dma_start3A_173 = tpu.memref_squeeze %dma_start3A_172 : memref<1x32x1024xf32, #tpu.memory_space<hbm>> -> memref<32x1024xf32, #tpu.memory_space<hbm>>
    %dma_start3A_174 = tpu.memref_slice %arg6[%dma_start3A_165, %dma_start3A_166] : memref<2x4x!tpu.dma_semaphore, #tpu.memory_space<semaphore_mem>> -> memref<1x1x!tpu.dma_semaphore, #tpu.memory_space<semaphore_mem>>
    %dma_start3A_175 = tpu.memref_squeeze %dma_start3A_174 : memref<1x1x!tpu.dma_semaphore, #tpu.memory_space<semaphore_mem>> -> memref<!tpu.dma_semaphore, #tpu.memory_space<semaphore_mem>>
    %dma_start3A_176 = arith.constant 0 : i32
    %dma_start3A_177 = tpu.memref_slice %arg3[%dma_start3A_164, %add3A_162, %dma_start3A_176] : memref<4x8192x1024xf32, #tpu.memory_space<hbm>> -> memref<1x32x1024xf32, #tpu.memory_space<hbm>>
    %dma_start3A_178 = tpu.memref_squeeze %dma_start3A_177 : memref<1x32x1024xf32, #tpu.memory_space<hbm>> -> memref<32x1024xf32, #tpu.memory_space<hbm>>
    %dma_start3A_179 = arith.constant 0 : i32
    %dma_start3A_180 = arith.constant 0 : i32
    %dma_start3A_181 = tpu.memref_slice %arg4[%dma_start3A_163, %dma_start3A_179, %dma_start3A_180] : memref<2x32x1024xf32, #tpu.memory_space<vmem>> -> memref<1x32x1024xf32, #tpu.memory_space<vmem>>
    %dma_start3A_182 = tpu.memref_squeeze %dma_start3A_181 : memref<1x32x1024xf32, #tpu.memory_space<vmem>> -> memref<32x1024xf32, #tpu.memory_space<vmem>>
    tpu.enqueue_dma source(%dma_start3A_182 : memref<32x1024xf32, #tpu.memory_space<vmem>>) target(%dma_start3A_178 : memref<32x1024xf32, #tpu.memory_space<hbm>>) target_semaphore(%dma_start3A_175 : memref<!tpu.dma_semaphore, #tpu.memory_space<semaphore_mem>>)
    %add3A_183 = arith.constant 32 : i32
    %add3A_184 = arith.addi %mul3A_2, %add3A_183 : i32
    %dma_start3A_185 = arith.constant 1 : i32
    %dma_start3A_186 = arith.constant 1 : i32
    %dma_start3A_187 = arith.constant 1 : i32
    %dma_start3A_188 = arith.constant 1 : i32
    %dma_start3A_189 = arith.constant 0 : i32
    %dma_start3A_190 = arith.constant 0 : i32
    %dma_start3A_191 = tpu.memref_slice %arg4[%dma_start3A_185, %dma_start3A_189, %dma_start3A_190] : memref<2x32x1024xf32, #tpu.memory_space<vmem>> -> memref<1x32x1024xf32, #tpu.memory_space<vmem>>
    %dma_start3A_192 = tpu.memref_squeeze %dma_start3A_191 : memref<1x32x1024xf32, #tpu.memory_space<vmem>> -> memref<32x1024xf32, #tpu.memory_space<vmem>>
    %dma_start3A_193 = arith.constant 0 : i32
    %dma_start3A_194 = tpu.memref_slice %arg3[%dma_start3A_186, %add3A_184, %dma_start3A_193] : memref<4x8192x1024xf32, #tpu.memory_space<hbm>> -> memref<1x32x1024xf32, #tpu.memory_space<hbm>>
    %dma_start3A_195 = tpu.memref_squeeze %dma_start3A_194 : memref<1x32x1024xf32, #tpu.memory_space<hbm>> -> memref<32x1024xf32, #tpu.memory_space<hbm>>
    %dma_start3A_196 = tpu.memref_slice %arg6[%dma_start3A_187, %dma_start3A_188] : memref<2x4x!tpu.dma_semaphore, #tpu.memory_space<semaphore_mem>> -> memref<1x1x!tpu.dma_semaphore, #tpu.memory_space<semaphore_mem>>
    %dma_start3A_197 = tpu.memref_squeeze %dma_start3A_196 : memref<1x1x!tpu.dma_semaphore, #tpu.memory_space<semaphore_mem>> -> memref<!tpu.dma_semaphore, #tpu.memory_space<semaphore_mem>>
    %dma_start3A_198 = arith.constant 0 : i32
    %dma_start3A_199 = tpu.memref_slice %arg3[%dma_start3A_186, %add3A_184, %dma_start3A_198] : memref<4x8192x1024xf32, #tpu.memory_space<hbm>> -> memref<1x32x1024xf32, #tpu.memory_space<hbm>>
    %dma_start3A_200 = tpu.memref_squeeze %dma_start3A_199 : memref<1x32x1024xf32, #tpu.memory_space<hbm>> -> memref<32x1024xf32, #tpu.memory_space<hbm>>
    %dma_start3A_201 = arith.constant 0 : i32
    %dma_start3A_202 = arith.constant 0 : i32
    %dma_start3A_203 = tpu.memref_slice %arg4[%dma_start3A_185, %dma_start3A_201, %dma_start3A_202] : memref<2x32x1024xf32, #tpu.memory_space<vmem>> -> memref<1x32x1024xf32, #tpu.memory_space<vmem>>
    %dma_start3A_204 = tpu.memref_squeeze %dma_start3A_203 : memref<1x32x1024xf32, #tpu.memory_space<vmem>> -> memref<32x1024xf32, #tpu.memory_space<vmem>>
    tpu.enqueue_dma source(%dma_start3A_204 : memref<32x1024xf32, #tpu.memory_space<vmem>>) target(%dma_start3A_200 : memref<32x1024xf32, #tpu.memory_space<hbm>>) target_semaphore(%dma_start3A_197 : memref<!tpu.dma_semaphore, #tpu.memory_space<semaphore_mem>>)
    %add3A_205 = arith.constant 32 : i32
    %add3A_206 = arith.addi %mul3A_2, %add3A_205 : i32
    %dma_start3A_207 = arith.constant 1 : i32
    %dma_start3A_208 = arith.constant 2 : i32
    %dma_start3A_209 = arith.constant 1 : i32
    %dma_start3A_210 = arith.constant 2 : i32
    %dma_start3A_211 = arith.constant 0 : i32
    %dma_start3A_212 = arith.constant 0 : i32
    %dma_start3A_213 = tpu.memref_slice %arg4[%dma_start3A_207, %dma_start3A_211, %dma_start3A_212] : memref<2x32x1024xf32, #tpu.memory_space<vmem>> -> memref<1x32x1024xf32, #tpu.memory_space<vmem>>
    %dma_start3A_214 = tpu.memref_squeeze %dma_start3A_213 : memref<1x32x1024xf32, #tpu.memory_space<vmem>> -> memref<32x1024xf32, #tpu.memory_space<vmem>>
    %dma_start3A_215 = arith.constant 0 : i32
    %dma_start3A_216 = tpu.memref_slice %arg3[%dma_start3A_208, %add3A_206, %dma_start3A_215] : memref<4x8192x1024xf32, #tpu.memory_space<hbm>> -> memref<1x32x1024xf32, #tpu.memory_space<hbm>>
    %dma_start3A_217 = tpu.memref_squeeze %dma_start3A_216 : memref<1x32x1024xf32, #tpu.memory_space<hbm>> -> memref<32x1024xf32, #tpu.memory_space<hbm>>
    %dma_start3A_218 = tpu.memref_slice %arg6[%dma_start3A_209, %dma_start3A_210] : memref<2x4x!tpu.dma_semaphore, #tpu.memory_space<semaphore_mem>> -> memref<1x1x!tpu.dma_semaphore, #tpu.memory_space<semaphore_mem>>
    %dma_start3A_219 = tpu.memref_squeeze %dma_start3A_218 : memref<1x1x!tpu.dma_semaphore, #tpu.memory_space<semaphore_mem>> -> memref<!tpu.dma_semaphore, #tpu.memory_space<semaphore_mem>>
    %dma_start3A_220 = arith.constant 0 : i32
    %dma_start3A_221 = tpu.memref_slice %arg3[%dma_start3A_208, %add3A_206, %dma_start3A_220] : memref<4x8192x1024xf32, #tpu.memory_space<hbm>> -> memref<1x32x1024xf32, #tpu.memory_space<hbm>>
    %dma_start3A_222 = tpu.memref_squeeze %dma_start3A_221 : memref<1x32x1024xf32, #tpu.memory_space<hbm>> -> memref<32x1024xf32, #tpu.memory_space<hbm>>
    %dma_start3A_223 = arith.constant 0 : i32
    %dma_start3A_224 = arith.constant 0 : i32
    %dma_start3A_225 = tpu.memref_slice %arg4[%dma_start3A_207, %dma_start3A_223, %dma_start3A_224] : memref<2x32x1024xf32, #tpu.memory_space<vmem>> -> memref<1x32x1024xf32, #tpu.memory_space<vmem>>
    %dma_start3A_226 = tpu.memref_squeeze %dma_start3A_225 : memref<1x32x1024xf32, #tpu.memory_space<vmem>> -> memref<32x1024xf32, #tpu.memory_space<vmem>>
    tpu.enqueue_dma source(%dma_start3A_226 : memref<32x1024xf32, #tpu.memory_space<vmem>>) target(%dma_start3A_222 : memref<32x1024xf32, #tpu.memory_space<hbm>>) target_semaphore(%dma_start3A_219 : memref<!tpu.dma_semaphore, #tpu.memory_space<semaphore_mem>>)
    %add3A_227 = arith.constant 32 : i32
    %add3A_228 = arith.addi %mul3A_2, %add3A_227 : i32
    %dma_start3A_229 = arith.constant 1 : i32
    %dma_start3A_230 = arith.constant 3 : i32
    %dma_start3A_231 = arith.constant 1 : i32
    %dma_start3A_232 = arith.constant 3 : i32
    %dma_start3A_233 = arith.constant 0 : i32
    %dma_start3A_234 = arith.constant 0 : i32
    %dma_start3A_235 = tpu.memref_slice %arg4[%dma_start3A_229, %dma_start3A_233, %dma_start3A_234] : memref<2x32x1024xf32, #tpu.memory_space<vmem>> -> memref<1x32x1024xf32, #tpu.memory_space<vmem>>
    %dma_start3A_236 = tpu.memref_squeeze %dma_start3A_235 : memref<1x32x1024xf32, #tpu.memory_space<vmem>> -> memref<32x1024xf32, #tpu.memory_space<vmem>>
    %dma_start3A_237 = arith.constant 0 : i32
    %dma_start3A_238 = tpu.memref_slice %arg3[%dma_start3A_230, %add3A_228, %dma_start3A_237] : memref<4x8192x1024xf32, #tpu.memory_space<hbm>> -> memref<1x32x1024xf32, #tpu.memory_space<hbm>>
    %dma_start3A_239 = tpu.memref_squeeze %dma_start3A_238 : memref<1x32x1024xf32, #tpu.memory_space<hbm>> -> memref<32x1024xf32, #tpu.memory_space<hbm>>
    %dma_start3A_240 = tpu.memref_slice %arg6[%dma_start3A_231, %dma_start3A_232] : memref<2x4x!tpu.dma_semaphore, #tpu.memory_space<semaphore_mem>> -> memref<1x1x!tpu.dma_semaphore, #tpu.memory_space<semaphore_mem>>
    %dma_start3A_241 = tpu.memref_squeeze %dma_start3A_240 : memref<1x1x!tpu.dma_semaphore, #tpu.memory_space<semaphore_mem>> -> memref<!tpu.dma_semaphore, #tpu.memory_space<semaphore_mem>>
    %dma_start3A_242 = arith.constant 0 : i32
    %dma_start3A_243 = tpu.memref_slice %arg3[%dma_start3A_230, %add3A_228, %dma_start3A_242] : memref<4x8192x1024xf32, #tpu.memory_space<hbm>> -> memref<1x32x1024xf32, #tpu.memory_space<hbm>>
    %dma_start3A_244 = tpu.memref_squeeze %dma_start3A_243 : memref<1x32x1024xf32, #tpu.memory_space<hbm>> -> memref<32x1024xf32, #tpu.memory_space<hbm>>
    %dma_start3A_245 = arith.constant 0 : i32
    %dma_start3A_246 = arith.constant 0 : i32
    %dma_start3A_247 = tpu.memref_slice %arg4[%dma_start3A_229, %dma_start3A_245, %dma_start3A_246] : memref<2x32x1024xf32, #tpu.memory_space<vmem>> -> memref<1x32x1024xf32, #tpu.memory_space<vmem>>
    %dma_start3A_248 = tpu.memref_squeeze %dma_start3A_247 : memref<1x32x1024xf32, #tpu.memory_space<vmem>> -> memref<32x1024xf32, #tpu.memory_space<vmem>>
    tpu.enqueue_dma source(%dma_start3A_248 : memref<32x1024xf32, #tpu.memory_space<vmem>>) target(%dma_start3A_244 : memref<32x1024xf32, #tpu.memory_space<hbm>>) target_semaphore(%dma_start3A_241 : memref<!tpu.dma_semaphore, #tpu.memory_space<semaphore_mem>>)
    %add3A_249 = arith.constant 0 : i32
    %add3A_250 = arith.addi %mul3A_2, %add3A_249 : i32
    %dma_wait3A_251 = arith.constant 0 : i32
    %dma_wait3A_252 = arith.constant 0 : i32
    %dma_wait3A_253 = arith.constant 0 : i32
    %dma_wait3A_254 = arith.constant 0 : i32
    %dma_wait3A_255 = arith.constant 0 : i32
    %dma_wait3A_256 = arith.constant 0 : i32
    %dma_wait3A_257 = tpu.memref_slice %arg4[%dma_wait3A_251, %dma_wait3A_255, %dma_wait3A_256] : memref<2x32x1024xf32, #tpu.memory_space<vmem>> -> memref<1x32x1024xf32, #tpu.memory_space<vmem>>
    %dma_wait3A_258 = tpu.memref_squeeze %dma_wait3A_257 : memref<1x32x1024xf32, #tpu.memory_space<vmem>> -> memref<32x1024xf32, #tpu.memory_space<vmem>>
    %dma_wait3A_259 = arith.constant 0 : i32
    %dma_wait3A_260 = tpu.memref_slice %arg3[%dma_wait3A_252, %add3A_250, %dma_wait3A_259] : memref<4x8192x1024xf32, #tpu.memory_space<hbm>> -> memref<1x32x1024xf32, #tpu.memory_space<hbm>>
    %dma_wait3A_261 = tpu.memref_squeeze %dma_wait3A_260 : memref<1x32x1024xf32, #tpu.memory_space<hbm>> -> memref<32x1024xf32, #tpu.memory_space<hbm>>
    %dma_wait3A_262 = tpu.memref_slice %arg6[%dma_wait3A_253, %dma_wait3A_254] : memref<2x4x!tpu.dma_semaphore, #tpu.memory_space<semaphore_mem>> -> memref<1x1x!tpu.dma_semaphore, #tpu.memory_space<semaphore_mem>>
    %dma_wait3A_263 = tpu.memref_squeeze %dma_wait3A_262 : memref<1x1x!tpu.dma_semaphore, #tpu.memory_space<semaphore_mem>> -> memref<!tpu.dma_semaphore, #tpu.memory_space<semaphore_mem>>
    %dma_wait3A_264 = arith.constant 0 : i32
    %dma_wait3A_265 = tpu.memref_slice %arg3[%dma_wait3A_252, %add3A_250, %dma_wait3A_264] : memref<4x8192x1024xf32, #tpu.memory_space<hbm>> -> memref<1x32x1024xf32, #tpu.memory_space<hbm>>
    %dma_wait3A_266 = tpu.memref_squeeze %dma_wait3A_265 : memref<1x32x1024xf32, #tpu.memory_space<hbm>> -> memref<32x1024xf32, #tpu.memory_space<hbm>>
    %dma_wait3A_267 = arith.constant 0 : i32
    %dma_wait3A_268 = arith.constant 0 : i32
    %dma_wait3A_269 = tpu.memref_slice %arg4[%dma_wait3A_251, %dma_wait3A_267, %dma_wait3A_268] : memref<2x32x1024xf32, #tpu.memory_space<vmem>> -> memref<1x32x1024xf32, #tpu.memory_space<vmem>>
    %dma_wait3A_270 = tpu.memref_squeeze %dma_wait3A_269 : memref<1x32x1024xf32, #tpu.memory_space<vmem>> -> memref<32x1024xf32, #tpu.memory_space<vmem>>
    tpu.wait_dma2 semaphore(%dma_wait3A_263 : memref<!tpu.dma_semaphore, #tpu.memory_space<semaphore_mem>>) src(%dma_wait3A_270 : memref<32x1024xf32, #tpu.memory_space<vmem>>) dst(%dma_wait3A_266 : memref<32x1024xf32, #tpu.memory_space<hbm>>)
    %add3A_271 = arith.constant 0 : i32
    %add3A_272 = arith.addi %mul3A_2, %add3A_271 : i32
    %dma_wait3A_273 = arith.constant 0 : i32
    %dma_wait3A_274 = arith.constant 1 : i32
    %dma_wait3A_275 = arith.constant 0 : i32
    %dma_wait3A_276 = arith.constant 1 : i32
    %dma_wait3A_277 = arith.constant 0 : i32
    %dma_wait3A_278 = arith.constant 0 : i32
    %dma_wait3A_279 = tpu.memref_slice %arg4[%dma_wait3A_273, %dma_wait3A_277, %dma_wait3A_278] : memref<2x32x1024xf32, #tpu.memory_space<vmem>> -> memref<1x32x1024xf32, #tpu.memory_space<vmem>>
    %dma_wait3A_280 = tpu.memref_squeeze %dma_wait3A_279 : memref<1x32x1024xf32, #tpu.memory_space<vmem>> -> memref<32x1024xf32, #tpu.memory_space<vmem>>
    %dma_wait3A_281 = arith.constant 0 : i32
    %dma_wait3A_282 = tpu.memref_slice %arg3[%dma_wait3A_274, %add3A_272, %dma_wait3A_281] : memref<4x8192x1024xf32, #tpu.memory_space<hbm>> -> memref<1x32x1024xf32, #tpu.memory_space<hbm>>
    %dma_wait3A_283 = tpu.memref_squeeze %dma_wait3A_282 : memref<1x32x1024xf32, #tpu.memory_space<hbm>> -> memref<32x1024xf32, #tpu.memory_space<hbm>>
    %dma_wait3A_284 = tpu.memref_slice %arg6[%dma_wait3A_275, %dma_wait3A_276] : memref<2x4x!tpu.dma_semaphore, #tpu.memory_space<semaphore_mem>> -> memref<1x1x!tpu.dma_semaphore, #tpu.memory_space<semaphore_mem>>
    %dma_wait3A_285 = tpu.memref_squeeze %dma_wait3A_284 : memref<1x1x!tpu.dma_semaphore, #tpu.memory_space<semaphore_mem>> -> memref<!tpu.dma_semaphore, #tpu.memory_space<semaphore_mem>>
    %dma_wait3A_286 = arith.constant 0 : i32
    %dma_wait3A_287 = tpu.memref_slice %arg3[%dma_wait3A_274, %add3A_272, %dma_wait3A_286] : memref<4x8192x1024xf32, #tpu.memory_space<hbm>> -> memref<1x32x1024xf32, #tpu.memory_space<hbm>>
    %dma_wait3A_288 = tpu.memref_squeeze %dma_wait3A_287 : memref<1x32x1024xf32, #tpu.memory_space<hbm>> -> memref<32x1024xf32, #tpu.memory_space<hbm>>
    %dma_wait3A_289 = arith.constant 0 : i32
    %dma_wait3A_290 = arith.constant 0 : i32
    %dma_wait3A_291 = tpu.memref_slice %arg4[%dma_wait3A_273, %dma_wait3A_289, %dma_wait3A_290] : memref<2x32x1024xf32, #tpu.memory_space<vmem>> -> memref<1x32x1024xf32, #tpu.memory_space<vmem>>
    %dma_wait3A_292 = tpu.memref_squeeze %dma_wait3A_291 : memref<1x32x1024xf32, #tpu.memory_space<vmem>> -> memref<32x1024xf32, #tpu.memory_space<vmem>>
    tpu.wait_dma2 semaphore(%dma_wait3A_285 : memref<!tpu.dma_semaphore, #tpu.memory_space<semaphore_mem>>) src(%dma_wait3A_292 : memref<32x1024xf32, #tpu.memory_space<vmem>>) dst(%dma_wait3A_288 : memref<32x1024xf32, #tpu.memory_space<hbm>>)
    %add3A_293 = arith.constant 0 : i32
    %add3A_294 = arith.addi %mul3A_2, %add3A_293 : i32
    %dma_wait3A_295 = arith.constant 0 : i32
    %dma_wait3A_296 = arith.constant 2 : i32
    %dma_wait3A_297 = arith.constant 0 : i32
    %dma_wait3A_298 = arith.constant 2 : i32
    %dma_wait3A_299 = arith.constant 0 : i32
    %dma_wait3A_300 = arith.constant 0 : i32
    %dma_wait3A_301 = tpu.memref_slice %arg4[%dma_wait3A_295, %dma_wait3A_299, %dma_wait3A_300] : memref<2x32x1024xf32, #tpu.memory_space<vmem>> -> memref<1x32x1024xf32, #tpu.memory_space<vmem>>
    %dma_wait3A_302 = tpu.memref_squeeze %dma_wait3A_301 : memref<1x32x1024xf32, #tpu.memory_space<vmem>> -> memref<32x1024xf32, #tpu.memory_space<vmem>>
    %dma_wait3A_303 = arith.constant 0 : i32
    %dma_wait3A_304 = tpu.memref_slice %arg3[%dma_wait3A_296, %add3A_294, %dma_wait3A_303] : memref<4x8192x1024xf32, #tpu.memory_space<hbm>> -> memref<1x32x1024xf32, #tpu.memory_space<hbm>>
    %dma_wait3A_305 = tpu.memref_squeeze %dma_wait3A_304 : memref<1x32x1024xf32, #tpu.memory_space<hbm>> -> memref<32x1024xf32, #tpu.memory_space<hbm>>
    %dma_wait3A_306 = tpu.memref_slice %arg6[%dma_wait3A_297, %dma_wait3A_298] : memref<2x4x!tpu.dma_semaphore, #tpu.memory_space<semaphore_mem>> -> memref<1x1x!tpu.dma_semaphore, #tpu.memory_space<semaphore_mem>>
    %dma_wait3A_307 = tpu.memref_squeeze %dma_wait3A_306 : memref<1x1x!tpu.dma_semaphore, #tpu.memory_space<semaphore_mem>> -> memref<!tpu.dma_semaphore, #tpu.memory_space<semaphore_mem>>
    %dma_wait3A_308 = arith.constant 0 : i32
    %dma_wait3A_309 = tpu.memref_slice %arg3[%dma_wait3A_296, %add3A_294, %dma_wait3A_308] : memref<4x8192x1024xf32, #tpu.memory_space<hbm>> -> memref<1x32x1024xf32, #tpu.memory_space<hbm>>
    %dma_wait3A_310 = tpu.memref_squeeze %dma_wait3A_309 : memref<1x32x1024xf32, #tpu.memory_space<hbm>> -> memref<32x1024xf32, #tpu.memory_space<hbm>>
    %dma_wait3A_311 = arith.constant 0 : i32
    %dma_wait3A_312 = arith.constant 0 : i32
    %dma_wait3A_313 = tpu.memref_slice %arg4[%dma_wait3A_295, %dma_wait3A_311, %dma_wait3A_312] : memref<2x32x1024xf32, #tpu.memory_space<vmem>> -> memref<1x32x1024xf32, #tpu.memory_space<vmem>>
    %dma_wait3A_314 = tpu.memref_squeeze %dma_wait3A_313 : memref<1x32x1024xf32, #tpu.memory_space<vmem>> -> memref<32x1024xf32, #tpu.memory_space<vmem>>
    tpu.wait_dma2 semaphore(%dma_wait3A_307 : memref<!tpu.dma_semaphore, #tpu.memory_space<semaphore_mem>>) src(%dma_wait3A_314 : memref<32x1024xf32, #tpu.memory_space<vmem>>) dst(%dma_wait3A_310 : memref<32x1024xf32, #tpu.memory_space<hbm>>)
    %add3A_315 = arith.constant 0 : i32
    %add3A_316 = arith.addi %mul3A_2, %add3A_315 : i32
    %dma_wait3A_317 = arith.constant 0 : i32
    %dma_wait3A_318 = arith.constant 3 : i32
    %dma_wait3A_319 = arith.constant 0 : i32
    %dma_wait3A_320 = arith.constant 3 : i32
    %dma_wait3A_321 = arith.constant 0 : i32
    %dma_wait3A_322 = arith.constant 0 : i32
    %dma_wait3A_323 = tpu.memref_slice %arg4[%dma_wait3A_317, %dma_wait3A_321, %dma_wait3A_322] : memref<2x32x1024xf32, #tpu.memory_space<vmem>> -> memref<1x32x1024xf32, #tpu.memory_space<vmem>>
    %dma_wait3A_324 = tpu.memref_squeeze %dma_wait3A_323 : memref<1x32x1024xf32, #tpu.memory_space<vmem>> -> memref<32x1024xf32, #tpu.memory_space<vmem>>
    %dma_wait3A_325 = arith.constant 0 : i32
    %dma_wait3A_326 = tpu.memref_slice %arg3[%dma_wait3A_318, %add3A_316, %dma_wait3A_325] : memref<4x8192x1024xf32, #tpu.memory_space<hbm>> -> memref<1x32x1024xf32, #tpu.memory_space<hbm>>
    %dma_wait3A_327 = tpu.memref_squeeze %dma_wait3A_326 : memref<1x32x1024xf32, #tpu.memory_space<hbm>> -> memref<32x1024xf32, #tpu.memory_space<hbm>>
    %dma_wait3A_328 = tpu.memref_slice %arg6[%dma_wait3A_319, %dma_wait3A_320] : memref<2x4x!tpu.dma_semaphore, #tpu.memory_space<semaphore_mem>> -> memref<1x1x!tpu.dma_semaphore, #tpu.memory_space<semaphore_mem>>
    %dma_wait3A_329 = tpu.memref_squeeze %dma_wait3A_328 : memref<1x1x!tpu.dma_semaphore, #tpu.memory_space<semaphore_mem>> -> memref<!tpu.dma_semaphore, #tpu.memory_space<semaphore_mem>>
    %dma_wait3A_330 = arith.constant 0 : i32
    %dma_wait3A_331 = tpu.memref_slice %arg3[%dma_wait3A_318, %add3A_316, %dma_wait3A_330] : memref<4x8192x1024xf32, #tpu.memory_space<hbm>> -> memref<1x32x1024xf32, #tpu.memory_space<hbm>>
    %dma_wait3A_332 = tpu.memref_squeeze %dma_wait3A_331 : memref<1x32x1024xf32, #tpu.memory_space<hbm>> -> memref<32x1024xf32, #tpu.memory_space<hbm>>
    %dma_wait3A_333 = arith.constant 0 : i32
    %dma_wait3A_334 = arith.constant 0 : i32
    %dma_wait3A_335 = tpu.memref_slice %arg4[%dma_wait3A_317, %dma_wait3A_333, %dma_wait3A_334] : memref<2x32x1024xf32, #tpu.memory_space<vmem>> -> memref<1x32x1024xf32, #tpu.memory_space<vmem>>
    %dma_wait3A_336 = tpu.memref_squeeze %dma_wait3A_335 : memref<1x32x1024xf32, #tpu.memory_space<vmem>> -> memref<32x1024xf32, #tpu.memory_space<vmem>>
    tpu.wait_dma2 semaphore(%dma_wait3A_329 : memref<!tpu.dma_semaphore, #tpu.memory_space<semaphore_mem>>) src(%dma_wait3A_336 : memref<32x1024xf32, #tpu.memory_space<vmem>>) dst(%dma_wait3A_332 : memref<32x1024xf32, #tpu.memory_space<hbm>>)
    %add3A_337 = arith.constant 64 : i32
    %add3A_338 = arith.addi %mul3A_2, %add3A_337 : i32
    %dma_start3A_339 = arith.constant 0 : i32
    %dma_start3A_340 = arith.constant 0 : i32
    %dma_start3A_341 = arith.constant 0 : i32
    %dma_start3A_342 = arith.constant 0 : i32
    %dma_start3A_343 = tpu.memref_slice %arg4[%dma_start3A_339, %dma_start3A_341, %dma_start3A_342] : memref<2x32x1024xf32, #tpu.memory_space<vmem>> -> memref<1x32x1024xf32, #tpu.memory_space<vmem>>
    %dma_start3A_344 = tpu.memref_squeeze %dma_start3A_343 : memref<1x32x1024xf32, #tpu.memory_space<vmem>> -> memref<32x1024xf32, #tpu.memory_space<vmem>>
    %dma_start3A_345 = arith.constant 0 : i32
    %dma_start3A_346 = tpu.memref_slice %arg2[%add3A_338, %dma_start3A_345] : memref<8192x1024xf32, #tpu.memory_space<hbm>> -> memref<32x1024xf32, #tpu.memory_space<hbm>>
    %dma_start3A_347 = tpu.memref_slice %arg5[%dma_start3A_340] : memref<2x!tpu.dma_semaphore, #tpu.memory_space<semaphore_mem>> -> memref<1x!tpu.dma_semaphore, #tpu.memory_space<semaphore_mem>>
    %dma_start3A_348 = tpu.memref_squeeze %dma_start3A_347 : memref<1x!tpu.dma_semaphore, #tpu.memory_space<semaphore_mem>> -> memref<!tpu.dma_semaphore, #tpu.memory_space<semaphore_mem>>
    %dma_start3A_349 = arith.constant 0 : i32
    %dma_start3A_350 = arith.constant 0 : i32
    %dma_start3A_351 = tpu.memref_slice %arg4[%dma_start3A_339, %dma_start3A_349, %dma_start3A_350] : memref<2x32x1024xf32, #tpu.memory_space<vmem>> -> memref<1x32x1024xf32, #tpu.memory_space<vmem>>
    %dma_start3A_352 = tpu.memref_squeeze %dma_start3A_351 : memref<1x32x1024xf32, #tpu.memory_space<vmem>> -> memref<32x1024xf32, #tpu.memory_space<vmem>>
    %dma_start3A_353 = arith.constant 0 : i32
    %dma_start3A_354 = tpu.memref_slice %arg2[%add3A_338, %dma_start3A_353] : memref<8192x1024xf32, #tpu.memory_space<hbm>> -> memref<32x1024xf32, #tpu.memory_space<hbm>>
    tpu.enqueue_dma source(%dma_start3A_354 : memref<32x1024xf32, #tpu.memory_space<hbm>>) target(%dma_start3A_352 : memref<32x1024xf32, #tpu.memory_space<vmem>>) target_semaphore(%dma_start3A_348 : memref<!tpu.dma_semaphore, #tpu.memory_space<semaphore_mem>>)
    %add3A_355 = arith.constant 64 : i32
    %add3A_356 = arith.addi %mul3A_2, %add3A_355 : i32
    %dma_wait3A_357 = arith.constant 0 : i32
    %dma_wait3A_358 = arith.constant 0 : i32
    %dma_wait3A_359 = arith.constant 0 : i32
    %dma_wait3A_360 = arith.constant 0 : i32
    %dma_wait3A_361 = tpu.memref_slice %arg4[%dma_wait3A_357, %dma_wait3A_359, %dma_wait3A_360] : memref<2x32x1024xf32, #tpu.memory_space<vmem>> -> memref<1x32x1024xf32, #tpu.memory_space<vmem>>
    %dma_wait3A_362 = tpu.memref_squeeze %dma_wait3A_361 : memref<1x32x1024xf32, #tpu.memory_space<vmem>> -> memref<32x1024xf32, #tpu.memory_space<vmem>>
    %dma_wait3A_363 = arith.constant 0 : i32
    %dma_wait3A_364 = tpu.memref_slice %arg2[%add3A_356, %dma_wait3A_363] : memref<8192x1024xf32, #tpu.memory_space<hbm>> -> memref<32x1024xf32, #tpu.memory_space<hbm>>
    %dma_wait3A_365 = tpu.memref_slice %arg5[%dma_wait3A_358] : memref<2x!tpu.dma_semaphore, #tpu.memory_space<semaphore_mem>> -> memref<1x!tpu.dma_semaphore, #tpu.memory_space<semaphore_mem>>
    %dma_wait3A_366 = tpu.memref_squeeze %dma_wait3A_365 : memref<1x!tpu.dma_semaphore, #tpu.memory_space<semaphore_mem>> -> memref<!tpu.dma_semaphore, #tpu.memory_space<semaphore_mem>>
    %dma_wait3A_367 = arith.constant 0 : i32
    %dma_wait3A_368 = arith.constant 0 : i32
    %dma_wait3A_369 = tpu.memref_slice %arg4[%dma_wait3A_357, %dma_wait3A_367, %dma_wait3A_368] : memref<2x32x1024xf32, #tpu.memory_space<vmem>> -> memref<1x32x1024xf32, #tpu.memory_space<vmem>>
    %dma_wait3A_370 = tpu.memref_squeeze %dma_wait3A_369 : memref<1x32x1024xf32, #tpu.memory_space<vmem>> -> memref<32x1024xf32, #tpu.memory_space<vmem>>
    %dma_wait3A_371 = arith.constant 0 : i32
    %dma_wait3A_372 = tpu.memref_slice %arg2[%add3A_356, %dma_wait3A_371] : memref<8192x1024xf32, #tpu.memory_space<hbm>> -> memref<32x1024xf32, #tpu.memory_space<hbm>>
    tpu.wait_dma2 semaphore(%dma_wait3A_366 : memref<!tpu.dma_semaphore, #tpu.memory_space<semaphore_mem>>) src(%dma_wait3A_372 : memref<32x1024xf32, #tpu.memory_space<hbm>>) dst(%dma_wait3A_370 : memref<32x1024xf32, #tpu.memory_space<vmem>>)
    %add3A_373 = arith.constant 64 : i32
    %add3A_374 = arith.addi %mul3A_2, %add3A_373 : i32
    %dma_start3A_375 = arith.constant 0 : i32
    %dma_start3A_376 = arith.constant 0 : i32
    %dma_start3A_377 = arith.constant 0 : i32
    %dma_start3A_378 = arith.constant 0 : i32
    %dma_start3A_379 = arith.constant 0 : i32
    %dma_start3A_380 = arith.constant 0 : i32
    %dma_start3A_381 = tpu.memref_slice %arg4[%dma_start3A_375, %dma_start3A_379, %dma_start3A_380] : memref<2x32x1024xf32, #tpu.memory_space<vmem>> -> memref<1x32x1024xf32, #tpu.memory_space<vmem>>
    %dma_start3A_382 = tpu.memref_squeeze %dma_start3A_381 : memref<1x32x1024xf32, #tpu.memory_space<vmem>> -> memref<32x1024xf32, #tpu.memory_space<vmem>>
    %dma_start3A_383 = arith.constant 0 : i32
    %dma_start3A_384 = tpu.memref_slice %arg3[%dma_start3A_376, %add3A_374, %dma_start3A_383] : memref<4x8192x1024xf32, #tpu.memory_space<hbm>> -> memref<1x32x1024xf32, #tpu.memory_space<hbm>>
    %dma_start3A_385 = tpu.memref_squeeze %dma_start3A_384 : memref<1x32x1024xf32, #tpu.memory_space<hbm>> -> memref<32x1024xf32, #tpu.memory_space<hbm>>
    %dma_start3A_386 = tpu.memref_slice %arg6[%dma_start3A_377, %dma_start3A_378] : memref<2x4x!tpu.dma_semaphore, #tpu.memory_space<semaphore_mem>> -> memref<1x1x!tpu.dma_semaphore, #tpu.memory_space<semaphore_mem>>
    %dma_start3A_387 = tpu.memref_squeeze %dma_start3A_386 : memref<1x1x!tpu.dma_semaphore, #tpu.memory_space<semaphore_mem>> -> memref<!tpu.dma_semaphore, #tpu.memory_space<semaphore_mem>>
    %dma_start3A_388 = arith.constant 0 : i32
    %dma_start3A_389 = tpu.memref_slice %arg3[%dma_start3A_376, %add3A_374, %dma_start3A_388] : memref<4x8192x1024xf32, #tpu.memory_space<hbm>> -> memref<1x32x1024xf32, #tpu.memory_space<hbm>>
    %dma_start3A_390 = tpu.memref_squeeze %dma_start3A_389 : memref<1x32x1024xf32, #tpu.memory_space<hbm>> -> memref<32x1024xf32, #tpu.memory_space<hbm>>
    %dma_start3A_391 = arith.constant 0 : i32
    %dma_start3A_392 = arith.constant 0 : i32
    %dma_start3A_393 = tpu.memref_slice %arg4[%dma_start3A_375, %dma_start3A_391, %dma_start3A_392] : memref<2x32x1024xf32, #tpu.memory_space<vmem>> -> memref<1x32x1024xf32, #tpu.memory_space<vmem>>
    %dma_start3A_394 = tpu.memref_squeeze %dma_start3A_393 : memref<1x32x1024xf32, #tpu.memory_space<vmem>> -> memref<32x1024xf32, #tpu.memory_space<vmem>>
    tpu.enqueue_dma source(%dma_start3A_394 : memref<32x1024xf32, #tpu.memory_space<vmem>>) target(%dma_start3A_390 : memref<32x1024xf32, #tpu.memory_space<hbm>>) target_semaphore(%dma_start3A_387 : memref<!tpu.dma_semaphore, #tpu.memory_space<semaphore_mem>>)
    %add3A_395 = arith.constant 64 : i32
    %add3A_396 = arith.addi %mul3A_2, %add3A_395 : i32
    %dma_start3A_397 = arith.constant 0 : i32
    %dma_start3A_398 = arith.constant 1 : i32
    %dma_start3A_399 = arith.constant 0 : i32
    %dma_start3A_400 = arith.constant 1 : i32
    %dma_start3A_401 = arith.constant 0 : i32
    %dma_start3A_402 = arith.constant 0 : i32
    %dma_start3A_403 = tpu.memref_slice %arg4[%dma_start3A_397, %dma_start3A_401, %dma_start3A_402] : memref<2x32x1024xf32, #tpu.memory_space<vmem>> -> memref<1x32x1024xf32, #tpu.memory_space<vmem>>
    %dma_start3A_404 = tpu.memref_squeeze %dma_start3A_403 : memref<1x32x1024xf32, #tpu.memory_space<vmem>> -> memref<32x1024xf32, #tpu.memory_space<vmem>>
    %dma_start3A_405 = arith.constant 0 : i32
    %dma_start3A_406 = tpu.memref_slice %arg3[%dma_start3A_398, %add3A_396, %dma_start3A_405] : memref<4x8192x1024xf32, #tpu.memory_space<hbm>> -> memref<1x32x1024xf32, #tpu.memory_space<hbm>>
    %dma_start3A_407 = tpu.memref_squeeze %dma_start3A_406 : memref<1x32x1024xf32, #tpu.memory_space<hbm>> -> memref<32x1024xf32, #tpu.memory_space<hbm>>
    %dma_start3A_408 = tpu.memref_slice %arg6[%dma_start3A_399, %dma_start3A_400] : memref<2x4x!tpu.dma_semaphore, #tpu.memory_space<semaphore_mem>> -> memref<1x1x!tpu.dma_semaphore, #tpu.memory_space<semaphore_mem>>
    %dma_start3A_409 = tpu.memref_squeeze %dma_start3A_408 : memref<1x1x!tpu.dma_semaphore, #tpu.memory_space<semaphore_mem>> -> memref<!tpu.dma_semaphore, #tpu.memory_space<semaphore_mem>>
    %dma_start3A_410 = arith.constant 0 : i32
    %dma_start3A_411 = tpu.memref_slice %arg3[%dma_start3A_398, %add3A_396, %dma_start3A_410] : memref<4x8192x1024xf32, #tpu.memory_space<hbm>> -> memref<1x32x1024xf32, #tpu.memory_space<hbm>>
    %dma_start3A_412 = tpu.memref_squeeze %dma_start3A_411 : memref<1x32x1024xf32, #tpu.memory_space<hbm>> -> memref<32x1024xf32, #tpu.memory_space<hbm>>
    %dma_start3A_413 = arith.constant 0 : i32
    %dma_start3A_414 = arith.constant 0 : i32
    %dma_start3A_415 = tpu.memref_slice %arg4[%dma_start3A_397, %dma_start3A_413, %dma_start3A_414] : memref<2x32x1024xf32, #tpu.memory_space<vmem>> -> memref<1x32x1024xf32, #tpu.memory_space<vmem>>
    %dma_start3A_416 = tpu.memref_squeeze %dma_start3A_415 : memref<1x32x1024xf32, #tpu.memory_space<vmem>> -> memref<32x1024xf32, #tpu.memory_space<vmem>>
    tpu.enqueue_dma source(%dma_start3A_416 : memref<32x1024xf32, #tpu.memory_space<vmem>>) target(%dma_start3A_412 : memref<32x1024xf32, #tpu.memory_space<hbm>>) target_semaphore(%dma_start3A_409 : memref<!tpu.dma_semaphore, #tpu.memory_space<semaphore_mem>>)
    %add3A_417 = arith.constant 64 : i32
    %add3A_418 = arith.addi %mul3A_2, %add3A_417 : i32
    %dma_start3A_419 = arith.constant 0 : i32
    %dma_start3A_420 = arith.constant 2 : i32
    %dma_start3A_421 = arith.constant 0 : i32
    %dma_start3A_422 = arith.constant 2 : i32
    %dma_start3A_423 = arith.constant 0 : i32
    %dma_start3A_424 = arith.constant 0 : i32
    %dma_start3A_425 = tpu.memref_slice %arg4[%dma_start3A_419, %dma_start3A_423, %dma_start3A_424] : memref<2x32x1024xf32, #tpu.memory_space<vmem>> -> memref<1x32x1024xf32, #tpu.memory_space<vmem>>
    %dma_start3A_426 = tpu.memref_squeeze %dma_start3A_425 : memref<1x32x1024xf32, #tpu.memory_space<vmem>> -> memref<32x1024xf32, #tpu.memory_space<vmem>>
    %dma_start3A_427 = arith.constant 0 : i32
    %dma_start3A_428 = tpu.memref_slice %arg3[%dma_start3A_420, %add3A_418, %dma_start3A_427] : memref<4x8192x1024xf32, #tpu.memory_space<hbm>> -> memref<1x32x1024xf32, #tpu.memory_space<hbm>>
    %dma_start3A_429 = tpu.memref_squeeze %dma_start3A_428 : memref<1x32x1024xf32, #tpu.memory_space<hbm>> -> memref<32x1024xf32, #tpu.memory_space<hbm>>
    %dma_start3A_430 = tpu.memref_slice %arg6[%dma_start3A_421, %dma_start3A_422] : memref<2x4x!tpu.dma_semaphore, #tpu.memory_space<semaphore_mem>> -> memref<1x1x!tpu.dma_semaphore, #tpu.memory_space<semaphore_mem>>
    %dma_start3A_431 = tpu.memref_squeeze %dma_start3A_430 : memref<1x1x!tpu.dma_semaphore, #tpu.memory_space<semaphore_mem>> -> memref<!tpu.dma_semaphore, #tpu.memory_space<semaphore_mem>>
    %dma_start3A_432 = arith.constant 0 : i32
    %dma_start3A_433 = tpu.memref_slice %arg3[%dma_start3A_420, %add3A_418, %dma_start3A_432] : memref<4x8192x1024xf32, #tpu.memory_space<hbm>> -> memref<1x32x1024xf32, #tpu.memory_space<hbm>>
    %dma_start3A_434 = tpu.memref_squeeze %dma_start3A_433 : memref<1x32x1024xf32, #tpu.memory_space<hbm>> -> memref<32x1024xf32, #tpu.memory_space<hbm>>
    %dma_start3A_435 = arith.constant 0 : i32
    %dma_start3A_436 = arith.constant 0 : i32
    %dma_start3A_437 = tpu.memref_slice %arg4[%dma_start3A_419, %dma_start3A_435, %dma_start3A_436] : memref<2x32x1024xf32, #tpu.memory_space<vmem>> -> memref<1x32x1024xf32, #tpu.memory_space<vmem>>
    %dma_start3A_438 = tpu.memref_squeeze %dma_start3A_437 : memref<1x32x1024xf32, #tpu.memory_space<vmem>> -> memref<32x1024xf32, #tpu.memory_space<vmem>>
    tpu.enqueue_dma source(%dma_start3A_438 : memref<32x1024xf32, #tpu.memory_space<vmem>>) target(%dma_start3A_434 : memref<32x1024xf32, #tpu.memory_space<hbm>>) target_semaphore(%dma_start3A_431 : memref<!tpu.dma_semaphore, #tpu.memory_space<semaphore_mem>>)
    %add3A_439 = arith.constant 64 : i32
    %add3A_440 = arith.addi %mul3A_2, %add3A_439 : i32
    %dma_start3A_441 = arith.constant 0 : i32
    %dma_start3A_442 = arith.constant 3 : i32
    %dma_start3A_443 = arith.constant 0 : i32
    %dma_start3A_444 = arith.constant 3 : i32
    %dma_start3A_445 = arith.constant 0 : i32
    %dma_start3A_446 = arith.constant 0 : i32
    %dma_start3A_447 = tpu.memref_slice %arg4[%dma_start3A_441, %dma_start3A_445, %dma_start3A_446] : memref<2x32x1024xf32, #tpu.memory_space<vmem>> -> memref<1x32x1024xf32, #tpu.memory_space<vmem>>
    %dma_start3A_448 = tpu.memref_squeeze %dma_start3A_447 : memref<1x32x1024xf32, #tpu.memory_space<vmem>> -> memref<32x1024xf32, #tpu.memory_space<vmem>>
    %dma_start3A_449 = arith.constant 0 : i32
    %dma_start3A_450 = tpu.memref_slice %arg3[%dma_start3A_442, %add3A_440, %dma_start3A_449] : memref<4x8192x1024xf32, #tpu.memory_space<hbm>> -> memref<1x32x1024xf32, #tpu.memory_space<hbm>>
    %dma_start3A_451 = tpu.memref_squeeze %dma_start3A_450 : memref<1x32x1024xf32, #tpu.memory_space<hbm>> -> memref<32x1024xf32, #tpu.memory_space<hbm>>
    %dma_start3A_452 = tpu.memref_slice %arg6[%dma_start3A_443, %dma_start3A_444] : memref<2x4x!tpu.dma_semaphore, #tpu.memory_space<semaphore_mem>> -> memref<1x1x!tpu.dma_semaphore, #tpu.memory_space<semaphore_mem>>
    %dma_start3A_453 = tpu.memref_squeeze %dma_start3A_452 : memref<1x1x!tpu.dma_semaphore, #tpu.memory_space<semaphore_mem>> -> memref<!tpu.dma_semaphore, #tpu.memory_space<semaphore_mem>>
    %dma_start3A_454 = arith.constant 0 : i32
    %dma_start3A_455 = tpu.memref_slice %arg3[%dma_start3A_442, %add3A_440, %dma_start3A_454] : memref<4x8192x1024xf32, #tpu.memory_space<hbm>> -> memref<1x32x1024xf32, #tpu.memory_space<hbm>>
    %dma_start3A_456 = tpu.memref_squeeze %dma_start3A_455 : memref<1x32x1024xf32, #tpu.memory_space<hbm>> -> memref<32x1024xf32, #tpu.memory_space<hbm>>
    %dma_start3A_457 = arith.constant 0 : i32
    %dma_start3A_458 = arith.constant 0 : i32
    %dma_start3A_459 = tpu.memref_slice %arg4[%dma_start3A_441, %dma_start3A_457, %dma_start3A_458] : memref<2x32x1024xf32, #tpu.memory_space<vmem>> -> memref<1x32x1024xf32, #tpu.memory_space<vmem>>
    %dma_start3A_460 = tpu.memref_squeeze %dma_start3A_459 : memref<1x32x1024xf32, #tpu.memory_space<vmem>> -> memref<32x1024xf32, #tpu.memory_space<vmem>>
    tpu.enqueue_dma source(%dma_start3A_460 : memref<32x1024xf32, #tpu.memory_space<vmem>>) target(%dma_start3A_456 : memref<32x1024xf32, #tpu.memory_space<hbm>>) target_semaphore(%dma_start3A_453 : memref<!tpu.dma_semaphore, #tpu.memory_space<semaphore_mem>>)
    %add3A_461 = arith.constant 32 : i32
    %add3A_462 = arith.addi %mul3A_2, %add3A_461 : i32
    %dma_wait3A_463 = arith.constant 1 : i32
    %dma_wait3A_464 = arith.constant 0 : i32
    %dma_wait3A_465 = arith.constant 1 : i32
    %dma_wait3A_466 = arith.constant 0 : i32
    %dma_wait3A_467 = arith.constant 0 : i32
    %dma_wait3A_468 = arith.constant 0 : i32
    %dma_wait3A_469 = tpu.memref_slice %arg4[%dma_wait3A_463, %dma_wait3A_467, %dma_wait3A_468] : memref<2x32x1024xf32, #tpu.memory_space<vmem>> -> memref<1x32x1024xf32, #tpu.memory_space<vmem>>
    %dma_wait3A_470 = tpu.memref_squeeze %dma_wait3A_469 : memref<1x32x1024xf32, #tpu.memory_space<vmem>> -> memref<32x1024xf32, #tpu.memory_space<vmem>>
    %dma_wait3A_471 = arith.constant 0 : i32
    %dma_wait3A_472 = tpu.memref_slice %arg3[%dma_wait3A_464, %add3A_462, %dma_wait3A_471] : memref<4x8192x1024xf32, #tpu.memory_space<hbm>> -> memref<1x32x1024xf32, #tpu.memory_space<hbm>>
    %dma_wait3A_473 = tpu.memref_squeeze %dma_wait3A_472 : memref<1x32x1024xf32, #tpu.memory_space<hbm>> -> memref<32x1024xf32, #tpu.memory_space<hbm>>
    %dma_wait3A_474 = tpu.memref_slice %arg6[%dma_wait3A_465, %dma_wait3A_466] : memref<2x4x!tpu.dma_semaphore, #tpu.memory_space<semaphore_mem>> -> memref<1x1x!tpu.dma_semaphore, #tpu.memory_space<semaphore_mem>>
    %dma_wait3A_475 = tpu.memref_squeeze %dma_wait3A_474 : memref<1x1x!tpu.dma_semaphore, #tpu.memory_space<semaphore_mem>> -> memref<!tpu.dma_semaphore, #tpu.memory_space<semaphore_mem>>
    %dma_wait3A_476 = arith.constant 0 : i32
    %dma_wait3A_477 = tpu.memref_slice %arg3[%dma_wait3A_464, %add3A_462, %dma_wait3A_476] : memref<4x8192x1024xf32, #tpu.memory_space<hbm>> -> memref<1x32x1024xf32, #tpu.memory_space<hbm>>
    %dma_wait3A_478 = tpu.memref_squeeze %dma_wait3A_477 : memref<1x32x1024xf32, #tpu.memory_space<hbm>> -> memref<32x1024xf32, #tpu.memory_space<hbm>>
    %dma_wait3A_479 = arith.constant 0 : i32
    %dma_wait3A_480 = arith.constant 0 : i32
    %dma_wait3A_481 = tpu.memref_slice %arg4[%dma_wait3A_463, %dma_wait3A_479, %dma_wait3A_480] : memref<2x32x1024xf32, #tpu.memory_space<vmem>> -> memref<1x32x1024xf32, #tpu.memory_space<vmem>>
    %dma_wait3A_482 = tpu.memref_squeeze %dma_wait3A_481 : memref<1x32x1024xf32, #tpu.memory_space<vmem>> -> memref<32x1024xf32, #tpu.memory_space<vmem>>
    tpu.wait_dma2 semaphore(%dma_wait3A_475 : memref<!tpu.dma_semaphore, #tpu.memory_space<semaphore_mem>>) src(%dma_wait3A_482 : memref<32x1024xf32, #tpu.memory_space<vmem>>) dst(%dma_wait3A_478 : memref<32x1024xf32, #tpu.memory_space<hbm>>)
    %add3A_483 = arith.constant 32 : i32
    %add3A_484 = arith.addi %mul3A_2, %add3A_483 : i32
    %dma_wait3A_485 = arith.constant 1 : i32
    %dma_wait3A_486 = arith.constant 1 : i32
    %dma_wait3A_487 = arith.constant 1 : i32
    %dma_wait3A_488 = arith.constant 1 : i32
    %dma_wait3A_489 = arith.constant 0 : i32
    %dma_wait3A_490 = arith.constant 0 : i32
    %dma_wait3A_491 = tpu.memref_slice %arg4[%dma_wait3A_485, %dma_wait3A_489, %dma_wait3A_490] : memref<2x32x1024xf32, #tpu.memory_space<vmem>> -> memref<1x32x1024xf32, #tpu.memory_space<vmem>>
    %dma_wait3A_492 = tpu.memref_squeeze %dma_wait3A_491 : memref<1x32x1024xf32, #tpu.memory_space<vmem>> -> memref<32x1024xf32, #tpu.memory_space<vmem>>
    %dma_wait3A_493 = arith.constant 0 : i32
    %dma_wait3A_494 = tpu.memref_slice %arg3[%dma_wait3A_486, %add3A_484, %dma_wait3A_493] : memref<4x8192x1024xf32, #tpu.memory_space<hbm>> -> memref<1x32x1024xf32, #tpu.memory_space<hbm>>
    %dma_wait3A_495 = tpu.memref_squeeze %dma_wait3A_494 : memref<1x32x1024xf32, #tpu.memory_space<hbm>> -> memref<32x1024xf32, #tpu.memory_space<hbm>>
    %dma_wait3A_496 = tpu.memref_slice %arg6[%dma_wait3A_487, %dma_wait3A_488] : memref<2x4x!tpu.dma_semaphore, #tpu.memory_space<semaphore_mem>> -> memref<1x1x!tpu.dma_semaphore, #tpu.memory_space<semaphore_mem>>
    %dma_wait3A_497 = tpu.memref_squeeze %dma_wait3A_496 : memref<1x1x!tpu.dma_semaphore, #tpu.memory_space<semaphore_mem>> -> memref<!tpu.dma_semaphore, #tpu.memory_space<semaphore_mem>>
    %dma_wait3A_498 = arith.constant 0 : i32
    %dma_wait3A_499 = tpu.memref_slice %arg3[%dma_wait3A_486, %add3A_484, %dma_wait3A_498] : memref<4x8192x1024xf32, #tpu.memory_space<hbm>> -> memref<1x32x1024xf32, #tpu.memory_space<hbm>>
    %dma_wait3A_500 = tpu.memref_squeeze %dma_wait3A_499 : memref<1x32x1024xf32, #tpu.memory_space<hbm>> -> memref<32x1024xf32, #tpu.memory_space<hbm>>
    %dma_wait3A_501 = arith.constant 0 : i32
    %dma_wait3A_502 = arith.constant 0 : i32
    %dma_wait3A_503 = tpu.memref_slice %arg4[%dma_wait3A_485, %dma_wait3A_501, %dma_wait3A_502] : memref<2x32x1024xf32, #tpu.memory_space<vmem>> -> memref<1x32x1024xf32, #tpu.memory_space<vmem>>
    %dma_wait3A_504 = tpu.memref_squeeze %dma_wait3A_503 : memref<1x32x1024xf32, #tpu.memory_space<vmem>> -> memref<32x1024xf32, #tpu.memory_space<vmem>>
    tpu.wait_dma2 semaphore(%dma_wait3A_497 : memref<!tpu.dma_semaphore, #tpu.memory_space<semaphore_mem>>) src(%dma_wait3A_504 : memref<32x1024xf32, #tpu.memory_space<vmem>>) dst(%dma_wait3A_500 : memref<32x1024xf32, #tpu.memory_space<hbm>>)
    %add3A_505 = arith.constant 32 : i32
    %add3A_506 = arith.addi %mul3A_2, %add3A_505 : i32
    %dma_wait3A_507 = arith.constant 1 : i32
    %dma_wait3A_508 = arith.constant 2 : i32
    %dma_wait3A_509 = arith.constant 1 : i32
    %dma_wait3A_510 = arith.constant 2 : i32
    %dma_wait3A_511 = arith.constant 0 : i32
    %dma_wait3A_512 = arith.constant 0 : i32
    %dma_wait3A_513 = tpu.memref_slice %arg4[%dma_wait3A_507, %dma_wait3A_511, %dma_wait3A_512] : memref<2x32x1024xf32, #tpu.memory_space<vmem>> -> memref<1x32x1024xf32, #tpu.memory_space<vmem>>
    %dma_wait3A_514 = tpu.memref_squeeze %dma_wait3A_513 : memref<1x32x1024xf32, #tpu.memory_space<vmem>> -> memref<32x1024xf32, #tpu.memory_space<vmem>>
    %dma_wait3A_515 = arith.constant 0 : i32
    %dma_wait3A_516 = tpu.memref_slice %arg3[%dma_wait3A_508, %add3A_506, %dma_wait3A_515] : memref<4x8192x1024xf32, #tpu.memory_space<hbm>> -> memref<1x32x1024xf32, #tpu.memory_space<hbm>>
    %dma_wait3A_517 = tpu.memref_squeeze %dma_wait3A_516 : memref<1x32x1024xf32, #tpu.memory_space<hbm>> -> memref<32x1024xf32, #tpu.memory_space<hbm>>
    %dma_wait3A_518 = tpu.memref_slice %arg6[%dma_wait3A_509, %dma_wait3A_510] : memref<2x4x!tpu.dma_semaphore, #tpu.memory_space<semaphore_mem>> -> memref<1x1x!tpu.dma_semaphore, #tpu.memory_space<semaphore_mem>>
    %dma_wait3A_519 = tpu.memref_squeeze %dma_wait3A_518 : memref<1x1x!tpu.dma_semaphore, #tpu.memory_space<semaphore_mem>> -> memref<!tpu.dma_semaphore, #tpu.memory_space<semaphore_mem>>
    %dma_wait3A_520 = arith.constant 0 : i32
    %dma_wait3A_521 = tpu.memref_slice %arg3[%dma_wait3A_508, %add3A_506, %dma_wait3A_520] : memref<4x8192x1024xf32, #tpu.memory_space<hbm>> -> memref<1x32x1024xf32, #tpu.memory_space<hbm>>
    %dma_wait3A_522 = tpu.memref_squeeze %dma_wait3A_521 : memref<1x32x1024xf32, #tpu.memory_space<hbm>> -> memref<32x1024xf32, #tpu.memory_space<hbm>>
    %dma_wait3A_523 = arith.constant 0 : i32
    %dma_wait3A_524 = arith.constant 0 : i32
    %dma_wait3A_525 = tpu.memref_slice %arg4[%dma_wait3A_507, %dma_wait3A_523, %dma_wait3A_524] : memref<2x32x1024xf32, #tpu.memory_space<vmem>> -> memref<1x32x1024xf32, #tpu.memory_space<vmem>>
    %dma_wait3A_526 = tpu.memref_squeeze %dma_wait3A_525 : memref<1x32x1024xf32, #tpu.memory_space<vmem>> -> memref<32x1024xf32, #tpu.memory_space<vmem>>
    tpu.wait_dma2 semaphore(%dma_wait3A_519 : memref<!tpu.dma_semaphore, #tpu.memory_space<semaphore_mem>>) src(%dma_wait3A_526 : memref<32x1024xf32, #tpu.memory_space<vmem>>) dst(%dma_wait3A_522 : memref<32x1024xf32, #tpu.memory_space<hbm>>)
    %add3A_527 = arith.constant 32 : i32
    %add3A_528 = arith.addi %mul3A_2, %add3A_527 : i32
    %dma_wait3A_529 = arith.constant 1 : i32
    %dma_wait3A_530 = arith.constant 3 : i32
    %dma_wait3A_531 = arith.constant 1 : i32
    %dma_wait3A_532 = arith.constant 3 : i32
    %dma_wait3A_533 = arith.constant 0 : i32
    %dma_wait3A_534 = arith.constant 0 : i32
    %dma_wait3A_535 = tpu.memref_slice %arg4[%dma_wait3A_529, %dma_wait3A_533, %dma_wait3A_534] : memref<2x32x1024xf32, #tpu.memory_space<vmem>> -> memref<1x32x1024xf32, #tpu.memory_space<vmem>>
    %dma_wait3A_536 = tpu.memref_squeeze %dma_wait3A_535 : memref<1x32x1024xf32, #tpu.memory_space<vmem>> -> memref<32x1024xf32, #tpu.memory_space<vmem>>
    %dma_wait3A_537 = arith.constant 0 : i32
    %dma_wait3A_538 = tpu.memref_slice %arg3[%dma_wait3A_530, %add3A_528, %dma_wait3A_537] : memref<4x8192x1024xf32, #tpu.memory_space<hbm>> -> memref<1x32x1024xf32, #tpu.memory_space<hbm>>
    %dma_wait3A_539 = tpu.memref_squeeze %dma_wait3A_538 : memref<1x32x1024xf32, #tpu.memory_space<hbm>> -> memref<32x1024xf32, #tpu.memory_space<hbm>>
    %dma_wait3A_540 = tpu.memref_slice %arg6[%dma_wait3A_531, %dma_wait3A_532] : memref<2x4x!tpu.dma_semaphore, #tpu.memory_space<semaphore_mem>> -> memref<1x1x!tpu.dma_semaphore, #tpu.memory_space<semaphore_mem>>
    %dma_wait3A_541 = tpu.memref_squeeze %dma_wait3A_540 : memref<1x1x!tpu.dma_semaphore, #tpu.memory_space<semaphore_mem>> -> memref<!tpu.dma_semaphore, #tpu.memory_space<semaphore_mem>>
    %dma_wait3A_542 = arith.constant 0 : i32
    %dma_wait3A_543 = tpu.memref_slice %arg3[%dma_wait3A_530, %add3A_528, %dma_wait3A_542] : memref<4x8192x1024xf32, #tpu.memory_space<hbm>> -> memref<1x32x1024xf32, #tpu.memory_space<hbm>>
    %dma_wait3A_544 = tpu.memref_squeeze %dma_wait3A_543 : memref<1x32x1024xf32, #tpu.memory_space<hbm>> -> memref<32x1024xf32, #tpu.memory_space<hbm>>
    %dma_wait3A_545 = arith.constant 0 : i32
    %dma_wait3A_546 = arith.constant 0 : i32
    %dma_wait3A_547 = tpu.memref_slice %arg4[%dma_wait3A_529, %dma_wait3A_545, %dma_wait3A_546] : memref<2x32x1024xf32, #tpu.memory_space<vmem>> -> memref<1x32x1024xf32, #tpu.memory_space<vmem>>
    %dma_wait3A_548 = tpu.memref_squeeze %dma_wait3A_547 : memref<1x32x1024xf32, #tpu.memory_space<vmem>> -> memref<32x1024xf32, #tpu.memory_space<vmem>>
    tpu.wait_dma2 semaphore(%dma_wait3A_541 : memref<!tpu.dma_semaphore, #tpu.memory_space<semaphore_mem>>) src(%dma_wait3A_548 : memref<32x1024xf32, #tpu.memory_space<vmem>>) dst(%dma_wait3A_544 : memref<32x1024xf32, #tpu.memory_space<hbm>>)
    %add3A_549 = arith.constant 96 : i32
    %add3A_550 = arith.addi %mul3A_2, %add3A_549 : i32
    %dma_start3A_551 = arith.constant 1 : i32
    %dma_start3A_552 = arith.constant 1 : i32
    %dma_start3A_553 = arith.constant 0 : i32
    %dma_start3A_554 = arith.constant 0 : i32
    %dma_start3A_555 = tpu.memref_slice %arg4[%dma_start3A_551, %dma_start3A_553, %dma_start3A_554] : memref<2x32x1024xf32, #tpu.memory_space<vmem>> -> memref<1x32x1024xf32, #tpu.memory_space<vmem>>
    %dma_start3A_556 = tpu.memref_squeeze %dma_start3A_555 : memref<1x32x1024xf32, #tpu.memory_space<vmem>> -> memref<32x1024xf32, #tpu.memory_space<vmem>>
    %dma_start3A_557 = arith.constant 0 : i32
    %dma_start3A_558 = tpu.memref_slice %arg2[%add3A_550, %dma_start3A_557] : memref<8192x1024xf32, #tpu.memory_space<hbm>> -> memref<32x1024xf32, #tpu.memory_space<hbm>>
    %dma_start3A_559 = tpu.memref_slice %arg5[%dma_start3A_552] : memref<2x!tpu.dma_semaphore, #tpu.memory_space<semaphore_mem>> -> memref<1x!tpu.dma_semaphore, #tpu.memory_space<semaphore_mem>>
    %dma_start3A_560 = tpu.memref_squeeze %dma_start3A_559 : memref<1x!tpu.dma_semaphore, #tpu.memory_space<semaphore_mem>> -> memref<!tpu.dma_semaphore, #tpu.memory_space<semaphore_mem>>
    %dma_start3A_561 = arith.constant 0 : i32
    %dma_start3A_562 = arith.constant 0 : i32
    %dma_start3A_563 = tpu.memref_slice %arg4[%dma_start3A_551, %dma_start3A_561, %dma_start3A_562] : memref<2x32x1024xf32, #tpu.memory_space<vmem>> -> memref<1x32x1024xf32, #tpu.memory_space<vmem>>
    %dma_start3A_564 = tpu.memref_squeeze %dma_start3A_563 : memref<1x32x1024xf32, #tpu.memory_space<vmem>> -> memref<32x1024xf32, #tpu.memory_space<vmem>>
    %dma_start3A_565 = arith.constant 0 : i32
    %dma_start3A_566 = tpu.memref_slice %arg2[%add3A_550, %dma_start3A_565] : memref<8192x1024xf32, #tpu.memory_space<hbm>> -> memref<32x1024xf32, #tpu.memory_space<hbm>>
    tpu.enqueue_dma source(%dma_start3A_566 : memref<32x1024xf32, #tpu.memory_space<hbm>>) target(%dma_start3A_564 : memref<32x1024xf32, #tpu.memory_space<vmem>>) target_semaphore(%dma_start3A_560 : memref<!tpu.dma_semaphore, #tpu.memory_space<semaphore_mem>>)
    %add3A_567 = arith.constant 96 : i32
    %add3A_568 = arith.addi %mul3A_2, %add3A_567 : i32
    %dma_wait3A_569 = arith.constant 1 : i32
    %dma_wait3A_570 = arith.constant 1 : i32
    %dma_wait3A_571 = arith.constant 0 : i32
    %dma_wait3A_572 = arith.constant 0 : i32
    %dma_wait3A_573 = tpu.memref_slice %arg4[%dma_wait3A_569, %dma_wait3A_571, %dma_wait3A_572] : memref<2x32x1024xf32, #tpu.memory_space<vmem>> -> memref<1x32x1024xf32, #tpu.memory_space<vmem>>
    %dma_wait3A_574 = tpu.memref_squeeze %dma_wait3A_573 : memref<1x32x1024xf32, #tpu.memory_space<vmem>> -> memref<32x1024xf32, #tpu.memory_space<vmem>>
    %dma_wait3A_575 = arith.constant 0 : i32
    %dma_wait3A_576 = tpu.memref_slice %arg2[%add3A_568, %dma_wait3A_575] : memref<8192x1024xf32, #tpu.memory_space<hbm>> -> memref<32x1024xf32, #tpu.memory_space<hbm>>
    %dma_wait3A_577 = tpu.memref_slice %arg5[%dma_wait3A_570] : memref<2x!tpu.dma_semaphore, #tpu.memory_space<semaphore_mem>> -> memref<1x!tpu.dma_semaphore, #tpu.memory_space<semaphore_mem>>
    %dma_wait3A_578 = tpu.memref_squeeze %dma_wait3A_577 : memref<1x!tpu.dma_semaphore, #tpu.memory_space<semaphore_mem>> -> memref<!tpu.dma_semaphore, #tpu.memory_space<semaphore_mem>>
    %dma_wait3A_579 = arith.constant 0 : i32
    %dma_wait3A_580 = arith.constant 0 : i32
    %dma_wait3A_581 = tpu.memref_slice %arg4[%dma_wait3A_569, %dma_wait3A_579, %dma_wait3A_580] : memref<2x32x1024xf32, #tpu.memory_space<vmem>> -> memref<1x32x1024xf32, #tpu.memory_space<vmem>>
    %dma_wait3A_582 = tpu.memref_squeeze %dma_wait3A_581 : memref<1x32x1024xf32, #tpu.memory_space<vmem>> -> memref<32x1024xf32, #tpu.memory_space<vmem>>
    %dma_wait3A_583 = arith.constant 0 : i32
    %dma_wait3A_584 = tpu.memref_slice %arg2[%add3A_568, %dma_wait3A_583] : memref<8192x1024xf32, #tpu.memory_space<hbm>> -> memref<32x1024xf32, #tpu.memory_space<hbm>>
    tpu.wait_dma2 semaphore(%dma_wait3A_578 : memref<!tpu.dma_semaphore, #tpu.memory_space<semaphore_mem>>) src(%dma_wait3A_584 : memref<32x1024xf32, #tpu.memory_space<hbm>>) dst(%dma_wait3A_582 : memref<32x1024xf32, #tpu.memory_space<vmem>>)
    %add3A_585 = arith.constant 96 : i32
    %add3A_586 = arith.addi %mul3A_2, %add3A_585 : i32
    %dma_start3A_587 = arith.constant 1 : i32
    %dma_start3A_588 = arith.constant 0 : i32
    %dma_start3A_589 = arith.constant 1 : i32
    %dma_start3A_590 = arith.constant 0 : i32
    %dma_start3A_591 = arith.constant 0 : i32
    %dma_start3A_592 = arith.constant 0 : i32
    %dma_start3A_593 = tpu.memref_slice %arg4[%dma_start3A_587, %dma_start3A_591, %dma_start3A_592] : memref<2x32x1024xf32, #tpu.memory_space<vmem>> -> memref<1x32x1024xf32, #tpu.memory_space<vmem>>
    %dma_start3A_594 = tpu.memref_squeeze %dma_start3A_593 : memref<1x32x1024xf32, #tpu.memory_space<vmem>> -> memref<32x1024xf32, #tpu.memory_space<vmem>>
    %dma_start3A_595 = arith.constant 0 : i32
    %dma_start3A_596 = tpu.memref_slice %arg3[%dma_start3A_588, %add3A_586, %dma_start3A_595] : memref<4x8192x1024xf32, #tpu.memory_space<hbm>> -> memref<1x32x1024xf32, #tpu.memory_space<hbm>>
    %dma_start3A_597 = tpu.memref_squeeze %dma_start3A_596 : memref<1x32x1024xf32, #tpu.memory_space<hbm>> -> memref<32x1024xf32, #tpu.memory_space<hbm>>
    %dma_start3A_598 = tpu.memref_slice %arg6[%dma_start3A_589, %dma_start3A_590] : memref<2x4x!tpu.dma_semaphore, #tpu.memory_space<semaphore_mem>> -> memref<1x1x!tpu.dma_semaphore, #tpu.memory_space<semaphore_mem>>
    %dma_start3A_599 = tpu.memref_squeeze %dma_start3A_598 : memref<1x1x!tpu.dma_semaphore, #tpu.memory_space<semaphore_mem>> -> memref<!tpu.dma_semaphore, #tpu.memory_space<semaphore_mem>>
    %dma_start3A_600 = arith.constant 0 : i32
    %dma_start3A_601 = tpu.memref_slice %arg3[%dma_start3A_588, %add3A_586, %dma_start3A_600] : memref<4x8192x1024xf32, #tpu.memory_space<hbm>> -> memref<1x32x1024xf32, #tpu.memory_space<hbm>>
    %dma_start3A_602 = tpu.memref_squeeze %dma_start3A_601 : memref<1x32x1024xf32, #tpu.memory_space<hbm>> -> memref<32x1024xf32, #tpu.memory_space<hbm>>
    %dma_start3A_603 = arith.constant 0 : i32
    %dma_start3A_604 = arith.constant 0 : i32
    %dma_start3A_605 = tpu.memref_slice %arg4[%dma_start3A_587, %dma_start3A_603, %dma_start3A_604] : memref<2x32x1024xf32, #tpu.memory_space<vmem>> -> memref<1x32x1024xf32, #tpu.memory_space<vmem>>
    %dma_start3A_606 = tpu.memref_squeeze %dma_start3A_605 : memref<1x32x1024xf32, #tpu.memory_space<vmem>> -> memref<32x1024xf32, #tpu.memory_space<vmem>>
    tpu.enqueue_dma source(%dma_start3A_606 : memref<32x1024xf32, #tpu.memory_space<vmem>>) target(%dma_start3A_602 : memref<32x1024xf32, #tpu.memory_space<hbm>>) target_semaphore(%dma_start3A_599 : memref<!tpu.dma_semaphore, #tpu.memory_space<semaphore_mem>>)
    %add3A_607 = arith.constant 96 : i32
    %add3A_608 = arith.addi %mul3A_2, %add3A_607 : i32
    %dma_start3A_609 = arith.constant 1 : i32
    %dma_start3A_610 = arith.constant 1 : i32
    %dma_start3A_611 = arith.constant 1 : i32
    %dma_start3A_612 = arith.constant 1 : i32
    %dma_start3A_613 = arith.constant 0 : i32
    %dma_start3A_614 = arith.constant 0 : i32
    %dma_start3A_615 = tpu.memref_slice %arg4[%dma_start3A_609, %dma_start3A_613, %dma_start3A_614] : memref<2x32x1024xf32, #tpu.memory_space<vmem>> -> memref<1x32x1024xf32, #tpu.memory_space<vmem>>
    %dma_start3A_616 = tpu.memref_squeeze %dma_start3A_615 : memref<1x32x1024xf32, #tpu.memory_space<vmem>> -> memref<32x1024xf32, #tpu.memory_space<vmem>>
    %dma_start3A_617 = arith.constant 0 : i32
    %dma_start3A_618 = tpu.memref_slice %arg3[%dma_start3A_610, %add3A_608, %dma_start3A_617] : memref<4x8192x1024xf32, #tpu.memory_space<hbm>> -> memref<1x32x1024xf32, #tpu.memory_space<hbm>>
    %dma_start3A_619 = tpu.memref_squeeze %dma_start3A_618 : memref<1x32x1024xf32, #tpu.memory_space<hbm>> -> memref<32x1024xf32, #tpu.memory_space<hbm>>
    %dma_start3A_620 = tpu.memref_slice %arg6[%dma_start3A_611, %dma_start3A_612] : memref<2x4x!tpu.dma_semaphore, #tpu.memory_space<semaphore_mem>> -> memref<1x1x!tpu.dma_semaphore, #tpu.memory_space<semaphore_mem>>
    %dma_start3A_621 = tpu.memref_squeeze %dma_start3A_620 : memref<1x1x!tpu.dma_semaphore, #tpu.memory_space<semaphore_mem>> -> memref<!tpu.dma_semaphore, #tpu.memory_space<semaphore_mem>>
    %dma_start3A_622 = arith.constant 0 : i32
    %dma_start3A_623 = tpu.memref_slice %arg3[%dma_start3A_610, %add3A_608, %dma_start3A_622] : memref<4x8192x1024xf32, #tpu.memory_space<hbm>> -> memref<1x32x1024xf32, #tpu.memory_space<hbm>>
    %dma_start3A_624 = tpu.memref_squeeze %dma_start3A_623 : memref<1x32x1024xf32, #tpu.memory_space<hbm>> -> memref<32x1024xf32, #tpu.memory_space<hbm>>
    %dma_start3A_625 = arith.constant 0 : i32
    %dma_start3A_626 = arith.constant 0 : i32
    %dma_start3A_627 = tpu.memref_slice %arg4[%dma_start3A_609, %dma_start3A_625, %dma_start3A_626] : memref<2x32x1024xf32, #tpu.memory_space<vmem>> -> memref<1x32x1024xf32, #tpu.memory_space<vmem>>
    %dma_start3A_628 = tpu.memref_squeeze %dma_start3A_627 : memref<1x32x1024xf32, #tpu.memory_space<vmem>> -> memref<32x1024xf32, #tpu.memory_space<vmem>>
    tpu.enqueue_dma source(%dma_start3A_628 : memref<32x1024xf32, #tpu.memory_space<vmem>>) target(%dma_start3A_624 : memref<32x1024xf32, #tpu.memory_space<hbm>>) target_semaphore(%dma_start3A_621 : memref<!tpu.dma_semaphore, #tpu.memory_space<semaphore_mem>>)
    %add3A_629 = arith.constant 96 : i32
    %add3A_630 = arith.addi %mul3A_2, %add3A_629 : i32
    %dma_start3A_631 = arith.constant 1 : i32
    %dma_start3A_632 = arith.constant 2 : i32
    %dma_start3A_633 = arith.constant 1 : i32
    %dma_start3A_634 = arith.constant 2 : i32
    %dma_start3A_635 = arith.constant 0 : i32
    %dma_start3A_636 = arith.constant 0 : i32
    %dma_start3A_637 = tpu.memref_slice %arg4[%dma_start3A_631, %dma_start3A_635, %dma_start3A_636] : memref<2x32x1024xf32, #tpu.memory_space<vmem>> -> memref<1x32x1024xf32, #tpu.memory_space<vmem>>
    %dma_start3A_638 = tpu.memref_squeeze %dma_start3A_637 : memref<1x32x1024xf32, #tpu.memory_space<vmem>> -> memref<32x1024xf32, #tpu.memory_space<vmem>>
    %dma_start3A_639 = arith.constant 0 : i32
    %dma_start3A_640 = tpu.memref_slice %arg3[%dma_start3A_632, %add3A_630, %dma_start3A_639] : memref<4x8192x1024xf32, #tpu.memory_space<hbm>> -> memref<1x32x1024xf32, #tpu.memory_space<hbm>>
    %dma_start3A_641 = tpu.memref_squeeze %dma_start3A_640 : memref<1x32x1024xf32, #tpu.memory_space<hbm>> -> memref<32x1024xf32, #tpu.memory_space<hbm>>
    %dma_start3A_642 = tpu.memref_slice %arg6[%dma_start3A_633, %dma_start3A_634] : memref<2x4x!tpu.dma_semaphore, #tpu.memory_space<semaphore_mem>> -> memref<1x1x!tpu.dma_semaphore, #tpu.memory_space<semaphore_mem>>
    %dma_start3A_643 = tpu.memref_squeeze %dma_start3A_642 : memref<1x1x!tpu.dma_semaphore, #tpu.memory_space<semaphore_mem>> -> memref<!tpu.dma_semaphore, #tpu.memory_space<semaphore_mem>>
    %dma_start3A_644 = arith.constant 0 : i32
    %dma_start3A_645 = tpu.memref_slice %arg3[%dma_start3A_632, %add3A_630, %dma_start3A_644] : memref<4x8192x1024xf32, #tpu.memory_space<hbm>> -> memref<1x32x1024xf32, #tpu.memory_space<hbm>>
    %dma_start3A_646 = tpu.memref_squeeze %dma_start3A_645 : memref<1x32x1024xf32, #tpu.memory_space<hbm>> -> memref<32x1024xf32, #tpu.memory_space<hbm>>
    %dma_start3A_647 = arith.constant 0 : i32
    %dma_start3A_648 = arith.constant 0 : i32
    %dma_start3A_649 = tpu.memref_slice %arg4[%dma_start3A_631, %dma_start3A_647, %dma_start3A_648] : memref<2x32x1024xf32, #tpu.memory_space<vmem>> -> memref<1x32x1024xf32, #tpu.memory_space<vmem>>
    %dma_start3A_650 = tpu.memref_squeeze %dma_start3A_649 : memref<1x32x1024xf32, #tpu.memory_space<vmem>> -> memref<32x1024xf32, #tpu.memory_space<vmem>>
    tpu.enqueue_dma source(%dma_start3A_650 : memref<32x1024xf32, #tpu.memory_space<vmem>>) target(%dma_start3A_646 : memref<32x1024xf32, #tpu.memory_space<hbm>>) target_semaphore(%dma_start3A_643 : memref<!tpu.dma_semaphore, #tpu.memory_space<semaphore_mem>>)
    %add3A_651 = arith.constant 96 : i32
    %add3A_652 = arith.addi %mul3A_2, %add3A_651 : i32
    %dma_start3A_653 = arith.constant 1 : i32
    %dma_start3A_654 = arith.constant 3 : i32
    %dma_start3A_655 = arith.constant 1 : i32
    %dma_start3A_656 = arith.constant 3 : i32
    %dma_start3A_657 = arith.constant 0 : i32
    %dma_start3A_658 = arith.constant 0 : i32
    %dma_start3A_659 = tpu.memref_slice %arg4[%dma_start3A_653, %dma_start3A_657, %dma_start3A_658] : memref<2x32x1024xf32, #tpu.memory_space<vmem>> -> memref<1x32x1024xf32, #tpu.memory_space<vmem>>
    %dma_start3A_660 = tpu.memref_squeeze %dma_start3A_659 : memref<1x32x1024xf32, #tpu.memory_space<vmem>> -> memref<32x1024xf32, #tpu.memory_space<vmem>>
    %dma_start3A_661 = arith.constant 0 : i32
    %dma_start3A_662 = tpu.memref_slice %arg3[%dma_start3A_654, %add3A_652, %dma_start3A_661] : memref<4x8192x1024xf32, #tpu.memory_space<hbm>> -> memref<1x32x1024xf32, #tpu.memory_space<hbm>>
    %dma_start3A_663 = tpu.memref_squeeze %dma_start3A_662 : memref<1x32x1024xf32, #tpu.memory_space<hbm>> -> memref<32x1024xf32, #tpu.memory_space<hbm>>
    %dma_start3A_664 = tpu.memref_slice %arg6[%dma_start3A_655, %dma_start3A_656] : memref<2x4x!tpu.dma_semaphore, #tpu.memory_space<semaphore_mem>> -> memref<1x1x!tpu.dma_semaphore, #tpu.memory_space<semaphore_mem>>
    %dma_start3A_665 = tpu.memref_squeeze %dma_start3A_664 : memref<1x1x!tpu.dma_semaphore, #tpu.memory_space<semaphore_mem>> -> memref<!tpu.dma_semaphore, #tpu.memory_space<semaphore_mem>>
    %dma_start3A_666 = arith.constant 0 : i32
    %dma_start3A_667 = tpu.memref_slice %arg3[%dma_start3A_654, %add3A_652, %dma_start3A_666] : memref<4x8192x1024xf32, #tpu.memory_space<hbm>> -> memref<1x32x1024xf32, #tpu.memory_space<hbm>>
    %dma_start3A_668 = tpu.memref_squeeze %dma_start3A_667 : memref<1x32x1024xf32, #tpu.memory_space<hbm>> -> memref<32x1024xf32, #tpu.memory_space<hbm>>
    %dma_start3A_669 = arith.constant 0 : i32
    %dma_start3A_670 = arith.constant 0 : i32
    %dma_start3A_671 = tpu.memref_slice %arg4[%dma_start3A_653, %dma_start3A_669, %dma_start3A_670] : memref<2x32x1024xf32, #tpu.memory_space<vmem>> -> memref<1x32x1024xf32, #tpu.memory_space<vmem>>
    %dma_start3A_672 = tpu.memref_squeeze %dma_start3A_671 : memref<1x32x1024xf32, #tpu.memory_space<vmem>> -> memref<32x1024xf32, #tpu.memory_space<vmem>>
    tpu.enqueue_dma source(%dma_start3A_672 : memref<32x1024xf32, #tpu.memory_space<vmem>>) target(%dma_start3A_668 : memref<32x1024xf32, #tpu.memory_space<hbm>>) target_semaphore(%dma_start3A_665 : memref<!tpu.dma_semaphore, #tpu.memory_space<semaphore_mem>>)
    %add3A_673 = arith.constant 64 : i32
    %add3A_674 = arith.addi %mul3A_2, %add3A_673 : i32
    %dma_wait3A_675 = arith.constant 0 : i32
    %dma_wait3A_676 = arith.constant 0 : i32
    %dma_wait3A_677 = arith.constant 0 : i32
    %dma_wait3A_678 = arith.constant 0 : i32
    %dma_wait3A_679 = arith.constant 0 : i32
    %dma_wait3A_680 = arith.constant 0 : i32
    %dma_wait3A_681 = tpu.memref_slice %arg4[%dma_wait3A_675, %dma_wait3A_679, %dma_wait3A_680] : memref<2x32x1024xf32, #tpu.memory_space<vmem>> -> memref<1x32x1024xf32, #tpu.memory_space<vmem>>
    %dma_wait3A_682 = tpu.memref_squeeze %dma_wait3A_681 : memref<1x32x1024xf32, #tpu.memory_space<vmem>> -> memref<32x1024xf32, #tpu.memory_space<vmem>>
    %dma_wait3A_683 = arith.constant 0 : i32
    %dma_wait3A_684 = tpu.memref_slice %arg3[%dma_wait3A_676, %add3A_674, %dma_wait3A_683] : memref<4x8192x1024xf32, #tpu.memory_space<hbm>> -> memref<1x32x1024xf32, #tpu.memory_space<hbm>>
    %dma_wait3A_685 = tpu.memref_squeeze %dma_wait3A_684 : memref<1x32x1024xf32, #tpu.memory_space<hbm>> -> memref<32x1024xf32, #tpu.memory_space<hbm>>
    %dma_wait3A_686 = tpu.memref_slice %arg6[%dma_wait3A_677, %dma_wait3A_678] : memref<2x4x!tpu.dma_semaphore, #tpu.memory_space<semaphore_mem>> -> memref<1x1x!tpu.dma_semaphore, #tpu.memory_space<semaphore_mem>>
    %dma_wait3A_687 = tpu.memref_squeeze %dma_wait3A_686 : memref<1x1x!tpu.dma_semaphore, #tpu.memory_space<semaphore_mem>> -> memref<!tpu.dma_semaphore, #tpu.memory_space<semaphore_mem>>
    %dma_wait3A_688 = arith.constant 0 : i32
    %dma_wait3A_689 = tpu.memref_slice %arg3[%dma_wait3A_676, %add3A_674, %dma_wait3A_688] : memref<4x8192x1024xf32, #tpu.memory_space<hbm>> -> memref<1x32x1024xf32, #tpu.memory_space<hbm>>
    %dma_wait3A_690 = tpu.memref_squeeze %dma_wait3A_689 : memref<1x32x1024xf32, #tpu.memory_space<hbm>> -> memref<32x1024xf32, #tpu.memory_space<hbm>>
    %dma_wait3A_691 = arith.constant 0 : i32
    %dma_wait3A_692 = arith.constant 0 : i32
    %dma_wait3A_693 = tpu.memref_slice %arg4[%dma_wait3A_675, %dma_wait3A_691, %dma_wait3A_692] : memref<2x32x1024xf32, #tpu.memory_space<vmem>> -> memref<1x32x1024xf32, #tpu.memory_space<vmem>>
    %dma_wait3A_694 = tpu.memref_squeeze %dma_wait3A_693 : memref<1x32x1024xf32, #tpu.memory_space<vmem>> -> memref<32x1024xf32, #tpu.memory_space<vmem>>
    tpu.wait_dma2 semaphore(%dma_wait3A_687 : memref<!tpu.dma_semaphore, #tpu.memory_space<semaphore_mem>>) src(%dma_wait3A_694 : memref<32x1024xf32, #tpu.memory_space<vmem>>) dst(%dma_wait3A_690 : memref<32x1024xf32, #tpu.memory_space<hbm>>)
    %add3A_695 = arith.constant 64 : i32
    %add3A_696 = arith.addi %mul3A_2, %add3A_695 : i32
    %dma_wait3A_697 = arith.constant 0 : i32
    %dma_wait3A_698 = arith.constant 1 : i32
    %dma_wait3A_699 = arith.constant 0 : i32
    %dma_wait3A_700 = arith.constant 1 : i32
    %dma_wait3A_701 = arith.constant 0 : i32
    %dma_wait3A_702 = arith.constant 0 : i32
    %dma_wait3A_703 = tpu.memref_slice %arg4[%dma_wait3A_697, %dma_wait3A_701, %dma_wait3A_702] : memref<2x32x1024xf32, #tpu.memory_space<vmem>> -> memref<1x32x1024xf32, #tpu.memory_space<vmem>>
    %dma_wait3A_704 = tpu.memref_squeeze %dma_wait3A_703 : memref<1x32x1024xf32, #tpu.memory_space<vmem>> -> memref<32x1024xf32, #tpu.memory_space<vmem>>
    %dma_wait3A_705 = arith.constant 0 : i32
    %dma_wait3A_706 = tpu.memref_slice %arg3[%dma_wait3A_698, %add3A_696, %dma_wait3A_705] : memref<4x8192x1024xf32, #tpu.memory_space<hbm>> -> memref<1x32x1024xf32, #tpu.memory_space<hbm>>
    %dma_wait3A_707 = tpu.memref_squeeze %dma_wait3A_706 : memref<1x32x1024xf32, #tpu.memory_space<hbm>> -> memref<32x1024xf32, #tpu.memory_space<hbm>>
    %dma_wait3A_708 = tpu.memref_slice %arg6[%dma_wait3A_699, %dma_wait3A_700] : memref<2x4x!tpu.dma_semaphore, #tpu.memory_space<semaphore_mem>> -> memref<1x1x!tpu.dma_semaphore, #tpu.memory_space<semaphore_mem>>
    %dma_wait3A_709 = tpu.memref_squeeze %dma_wait3A_708 : memref<1x1x!tpu.dma_semaphore, #tpu.memory_space<semaphore_mem>> -> memref<!tpu.dma_semaphore, #tpu.memory_space<semaphore_mem>>
    %dma_wait3A_710 = arith.constant 0 : i32
    %dma_wait3A_711 = tpu.memref_slice %arg3[%dma_wait3A_698, %add3A_696, %dma_wait3A_710] : memref<4x8192x1024xf32, #tpu.memory_space<hbm>> -> memref<1x32x1024xf32, #tpu.memory_space<hbm>>
    %dma_wait3A_712 = tpu.memref_squeeze %dma_wait3A_711 : memref<1x32x1024xf32, #tpu.memory_space<hbm>> -> memref<32x1024xf32, #tpu.memory_space<hbm>>
    %dma_wait3A_713 = arith.constant 0 : i32
    %dma_wait3A_714 = arith.constant 0 : i32
    %dma_wait3A_715 = tpu.memref_slice %arg4[%dma_wait3A_697, %dma_wait3A_713, %dma_wait3A_714] : memref<2x32x1024xf32, #tpu.memory_space<vmem>> -> memref<1x32x1024xf32, #tpu.memory_space<vmem>>
    %dma_wait3A_716 = tpu.memref_squeeze %dma_wait3A_715 : memref<1x32x1024xf32, #tpu.memory_space<vmem>> -> memref<32x1024xf32, #tpu.memory_space<vmem>>
    tpu.wait_dma2 semaphore(%dma_wait3A_709 : memref<!tpu.dma_semaphore, #tpu.memory_space<semaphore_mem>>) src(%dma_wait3A_716 : memref<32x1024xf32, #tpu.memory_space<vmem>>) dst(%dma_wait3A_712 : memref<32x1024xf32, #tpu.memory_space<hbm>>)
    %add3A_717 = arith.constant 64 : i32
    %add3A_718 = arith.addi %mul3A_2, %add3A_717 : i32
    %dma_wait3A_719 = arith.constant 0 : i32
    %dma_wait3A_720 = arith.constant 2 : i32
    %dma_wait3A_721 = arith.constant 0 : i32
    %dma_wait3A_722 = arith.constant 2 : i32
    %dma_wait3A_723 = arith.constant 0 : i32
    %dma_wait3A_724 = arith.constant 0 : i32
    %dma_wait3A_725 = tpu.memref_slice %arg4[%dma_wait3A_719, %dma_wait3A_723, %dma_wait3A_724] : memref<2x32x1024xf32, #tpu.memory_space<vmem>> -> memref<1x32x1024xf32, #tpu.memory_space<vmem>>
    %dma_wait3A_726 = tpu.memref_squeeze %dma_wait3A_725 : memref<1x32x1024xf32, #tpu.memory_space<vmem>> -> memref<32x1024xf32, #tpu.memory_space<vmem>>
    %dma_wait3A_727 = arith.constant 0 : i32
    %dma_wait3A_728 = tpu.memref_slice %arg3[%dma_wait3A_720, %add3A_718, %dma_wait3A_727] : memref<4x8192x1024xf32, #tpu.memory_space<hbm>> -> memref<1x32x1024xf32, #tpu.memory_space<hbm>>
    %dma_wait3A_729 = tpu.memref_squeeze %dma_wait3A_728 : memref<1x32x1024xf32, #tpu.memory_space<hbm>> -> memref<32x1024xf32, #tpu.memory_space<hbm>>
    %dma_wait3A_730 = tpu.memref_slice %arg6[%dma_wait3A_721, %dma_wait3A_722] : memref<2x4x!tpu.dma_semaphore, #tpu.memory_space<semaphore_mem>> -> memref<1x1x!tpu.dma_semaphore, #tpu.memory_space<semaphore_mem>>
    %dma_wait3A_731 = tpu.memref_squeeze %dma_wait3A_730 : memref<1x1x!tpu.dma_semaphore, #tpu.memory_space<semaphore_mem>> -> memref<!tpu.dma_semaphore, #tpu.memory_space<semaphore_mem>>
    %dma_wait3A_732 = arith.constant 0 : i32
    %dma_wait3A_733 = tpu.memref_slice %arg3[%dma_wait3A_720, %add3A_718, %dma_wait3A_732] : memref<4x8192x1024xf32, #tpu.memory_space<hbm>> -> memref<1x32x1024xf32, #tpu.memory_space<hbm>>
    %dma_wait3A_734 = tpu.memref_squeeze %dma_wait3A_733 : memref<1x32x1024xf32, #tpu.memory_space<hbm>> -> memref<32x1024xf32, #tpu.memory_space<hbm>>
    %dma_wait3A_735 = arith.constant 0 : i32
    %dma_wait3A_736 = arith.constant 0 : i32
    %dma_wait3A_737 = tpu.memref_slice %arg4[%dma_wait3A_719, %dma_wait3A_735, %dma_wait3A_736] : memref<2x32x1024xf32, #tpu.memory_space<vmem>> -> memref<1x32x1024xf32, #tpu.memory_space<vmem>>
    %dma_wait3A_738 = tpu.memref_squeeze %dma_wait3A_737 : memref<1x32x1024xf32, #tpu.memory_space<vmem>> -> memref<32x1024xf32, #tpu.memory_space<vmem>>
    tpu.wait_dma2 semaphore(%dma_wait3A_731 : memref<!tpu.dma_semaphore, #tpu.memory_space<semaphore_mem>>) src(%dma_wait3A_738 : memref<32x1024xf32, #tpu.memory_space<vmem>>) dst(%dma_wait3A_734 : memref<32x1024xf32, #tpu.memory_space<hbm>>)
    %add3A_739 = arith.constant 64 : i32
    %add3A_740 = arith.addi %mul3A_2, %add3A_739 : i32
    %dma_wait3A_741 = arith.constant 0 : i32
    %dma_wait3A_742 = arith.constant 3 : i32
    %dma_wait3A_743 = arith.constant 0 : i32
    %dma_wait3A_744 = arith.constant 3 : i32
    %dma_wait3A_745 = arith.constant 0 : i32
    %dma_wait3A_746 = arith.constant 0 : i32
    %dma_wait3A_747 = tpu.memref_slice %arg4[%dma_wait3A_741, %dma_wait3A_745, %dma_wait3A_746] : memref<2x32x1024xf32, #tpu.memory_space<vmem>> -> memref<1x32x1024xf32, #tpu.memory_space<vmem>>
    %dma_wait3A_748 = tpu.memref_squeeze %dma_wait3A_747 : memref<1x32x1024xf32, #tpu.memory_space<vmem>> -> memref<32x1024xf32, #tpu.memory_space<vmem>>
    %dma_wait3A_749 = arith.constant 0 : i32
    %dma_wait3A_750 = tpu.memref_slice %arg3[%dma_wait3A_742, %add3A_740, %dma_wait3A_749] : memref<4x8192x1024xf32, #tpu.memory_space<hbm>> -> memref<1x32x1024xf32, #tpu.memory_space<hbm>>
    %dma_wait3A_751 = tpu.memref_squeeze %dma_wait3A_750 : memref<1x32x1024xf32, #tpu.memory_space<hbm>> -> memref<32x1024xf32, #tpu.memory_space<hbm>>
    %dma_wait3A_752 = tpu.memref_slice %arg6[%dma_wait3A_743, %dma_wait3A_744] : memref<2x4x!tpu.dma_semaphore, #tpu.memory_space<semaphore_mem>> -> memref<1x1x!tpu.dma_semaphore, #tpu.memory_space<semaphore_mem>>
    %dma_wait3A_753 = tpu.memref_squeeze %dma_wait3A_752 : memref<1x1x!tpu.dma_semaphore, #tpu.memory_space<semaphore_mem>> -> memref<!tpu.dma_semaphore, #tpu.memory_space<semaphore_mem>>
    %dma_wait3A_754 = arith.constant 0 : i32
    %dma_wait3A_755 = tpu.memref_slice %arg3[%dma_wait3A_742, %add3A_740, %dma_wait3A_754] : memref<4x8192x1024xf32, #tpu.memory_space<hbm>> -> memref<1x32x1024xf32, #tpu.memory_space<hbm>>
    %dma_wait3A_756 = tpu.memref_squeeze %dma_wait3A_755 : memref<1x32x1024xf32, #tpu.memory_space<hbm>> -> memref<32x1024xf32, #tpu.memory_space<hbm>>
    %dma_wait3A_757 = arith.constant 0 : i32
    %dma_wait3A_758 = arith.constant 0 : i32
    %dma_wait3A_759 = tpu.memref_slice %arg4[%dma_wait3A_741, %dma_wait3A_757, %dma_wait3A_758] : memref<2x32x1024xf32, #tpu.memory_space<vmem>> -> memref<1x32x1024xf32, #tpu.memory_space<vmem>>
    %dma_wait3A_760 = tpu.memref_squeeze %dma_wait3A_759 : memref<1x32x1024xf32, #tpu.memory_space<vmem>> -> memref<32x1024xf32, #tpu.memory_space<vmem>>
    tpu.wait_dma2 semaphore(%dma_wait3A_753 : memref<!tpu.dma_semaphore, #tpu.memory_space<semaphore_mem>>) src(%dma_wait3A_760 : memref<32x1024xf32, #tpu.memory_space<vmem>>) dst(%dma_wait3A_756 : memref<32x1024xf32, #tpu.memory_space<hbm>>)
    %add3A_761 = arith.constant 128 : i32
    %add3A_762 = arith.addi %mul3A_2, %add3A_761 : i32
    %dma_start3A_763 = arith.constant 0 : i32
    %dma_start3A_764 = arith.constant 0 : i32
    %dma_start3A_765 = arith.constant 0 : i32
    %dma_start3A_766 = arith.constant 0 : i32
    %dma_start3A_767 = tpu.memref_slice %arg4[%dma_start3A_763, %dma_start3A_765, %dma_start3A_766] : memref<2x32x1024xf32, #tpu.memory_space<vmem>> -> memref<1x32x1024xf32, #tpu.memory_space<vmem>>
    %dma_start3A_768 = tpu.memref_squeeze %dma_start3A_767 : memref<1x32x1024xf32, #tpu.memory_space<vmem>> -> memref<32x1024xf32, #tpu.memory_space<vmem>>
    %dma_start3A_769 = arith.constant 0 : i32
    %dma_start3A_770 = tpu.memref_slice %arg2[%add3A_762, %dma_start3A_769] : memref<8192x1024xf32, #tpu.memory_space<hbm>> -> memref<32x1024xf32, #tpu.memory_space<hbm>>
    %dma_start3A_771 = tpu.memref_slice %arg5[%dma_start3A_764] : memref<2x!tpu.dma_semaphore, #tpu.memory_space<semaphore_mem>> -> memref<1x!tpu.dma_semaphore, #tpu.memory_space<semaphore_mem>>
    %dma_start3A_772 = tpu.memref_squeeze %dma_start3A_771 : memref<1x!tpu.dma_semaphore, #tpu.memory_space<semaphore_mem>> -> memref<!tpu.dma_semaphore, #tpu.memory_space<semaphore_mem>>
    %dma_start3A_773 = arith.constant 0 : i32
    %dma_start3A_774 = arith.constant 0 : i32
    %dma_start3A_775 = tpu.memref_slice %arg4[%dma_start3A_763, %dma_start3A_773, %dma_start3A_774] : memref<2x32x1024xf32, #tpu.memory_space<vmem>> -> memref<1x32x1024xf32, #tpu.memory_space<vmem>>
    %dma_start3A_776 = tpu.memref_squeeze %dma_start3A_775 : memref<1x32x1024xf32, #tpu.memory_space<vmem>> -> memref<32x1024xf32, #tpu.memory_space<vmem>>
    %dma_start3A_777 = arith.constant 0 : i32
    %dma_start3A_778 = tpu.memref_slice %arg2[%add3A_762, %dma_start3A_777] : memref<8192x1024xf32, #tpu.memory_space<hbm>> -> memref<32x1024xf32, #tpu.memory_space<hbm>>
    tpu.enqueue_dma source(%dma_start3A_778 : memref<32x1024xf32, #tpu.memory_space<hbm>>) target(%dma_start3A_776 : memref<32x1024xf32, #tpu.memory_space<vmem>>) target_semaphore(%dma_start3A_772 : memref<!tpu.dma_semaphore, #tpu.memory_space<semaphore_mem>>)
    %add3A_779 = arith.constant 128 : i32
    %add3A_780 = arith.addi %mul3A_2, %add3A_779 : i32
    %dma_wait3A_781 = arith.constant 0 : i32
    %dma_wait3A_782 = arith.constant 0 : i32
    %dma_wait3A_783 = arith.constant 0 : i32
    %dma_wait3A_784 = arith.constant 0 : i32
    %dma_wait3A_785 = tpu.memref_slice %arg4[%dma_wait3A_781, %dma_wait3A_783, %dma_wait3A_784] : memref<2x32x1024xf32, #tpu.memory_space<vmem>> -> memref<1x32x1024xf32, #tpu.memory_space<vmem>>
    %dma_wait3A_786 = tpu.memref_squeeze %dma_wait3A_785 : memref<1x32x1024xf32, #tpu.memory_space<vmem>> -> memref<32x1024xf32, #tpu.memory_space<vmem>>
    %dma_wait3A_787 = arith.constant 0 : i32
    %dma_wait3A_788 = tpu.memref_slice %arg2[%add3A_780, %dma_wait3A_787] : memref<8192x1024xf32, #tpu.memory_space<hbm>> -> memref<32x1024xf32, #tpu.memory_space<hbm>>
    %dma_wait3A_789 = tpu.memref_slice %arg5[%dma_wait3A_782] : memref<2x!tpu.dma_semaphore, #tpu.memory_space<semaphore_mem>> -> memref<1x!tpu.dma_semaphore, #tpu.memory_space<semaphore_mem>>
    %dma_wait3A_790 = tpu.memref_squeeze %dma_wait3A_789 : memref<1x!tpu.dma_semaphore, #tpu.memory_space<semaphore_mem>> -> memref<!tpu.dma_semaphore, #tpu.memory_space<semaphore_mem>>
    %dma_wait3A_791 = arith.constant 0 : i32
    %dma_wait3A_792 = arith.constant 0 : i32
    %dma_wait3A_793 = tpu.memref_slice %arg4[%dma_wait3A_781, %dma_wait3A_791, %dma_wait3A_792] : memref<2x32x1024xf32, #tpu.memory_space<vmem>> -> memref<1x32x1024xf32, #tpu.memory_space<vmem>>
    %dma_wait3A_794 = tpu.memref_squeeze %dma_wait3A_793 : memref<1x32x1024xf32, #tpu.memory_space<vmem>> -> memref<32x1024xf32, #tpu.memory_space<vmem>>
    %dma_wait3A_795 = arith.constant 0 : i32
    %dma_wait3A_796 = tpu.memref_slice %arg2[%add3A_780, %dma_wait3A_795] : memref<8192x1024xf32, #tpu.memory_space<hbm>> -> memref<32x1024xf32, #tpu.memory_space<hbm>>
    tpu.wait_dma2 semaphore(%dma_wait3A_790 : memref<!tpu.dma_semaphore, #tpu.memory_space<semaphore_mem>>) src(%dma_wait3A_796 : memref<32x1024xf32, #tpu.memory_space<hbm>>) dst(%dma_wait3A_794 : memref<32x1024xf32, #tpu.memory_space<vmem>>)
    %add3A_797 = arith.constant 128 : i32
    %add3A_798 = arith.addi %mul3A_2, %add3A_797 : i32
    %dma_start3A_799 = arith.constant 0 : i32
    %dma_start3A_800 = arith.constant 0 : i32
    %dma_start3A_801 = arith.constant 0 : i32
    %dma_start3A_802 = arith.constant 0 : i32
    %dma_start3A_803 = arith.constant 0 : i32
    %dma_start3A_804 = arith.constant 0 : i32
    %dma_start3A_805 = tpu.memref_slice %arg4[%dma_start3A_799, %dma_start3A_803, %dma_start3A_804] : memref<2x32x1024xf32, #tpu.memory_space<vmem>> -> memref<1x32x1024xf32, #tpu.memory_space<vmem>>
    %dma_start3A_806 = tpu.memref_squeeze %dma_start3A_805 : memref<1x32x1024xf32, #tpu.memory_space<vmem>> -> memref<32x1024xf32, #tpu.memory_space<vmem>>
    %dma_start3A_807 = arith.constant 0 : i32
    %dma_start3A_808 = tpu.memref_slice %arg3[%dma_start3A_800, %add3A_798, %dma_start3A_807] : memref<4x8192x1024xf32, #tpu.memory_space<hbm>> -> memref<1x32x1024xf32, #tpu.memory_space<hbm>>
    %dma_start3A_809 = tpu.memref_squeeze %dma_start3A_808 : memref<1x32x1024xf32, #tpu.memory_space<hbm>> -> memref<32x1024xf32, #tpu.memory_space<hbm>>
    %dma_start3A_810 = tpu.memref_slice %arg6[%dma_start3A_801, %dma_start3A_802] : memref<2x4x!tpu.dma_semaphore, #tpu.memory_space<semaphore_mem>> -> memref<1x1x!tpu.dma_semaphore, #tpu.memory_space<semaphore_mem>>
    %dma_start3A_811 = tpu.memref_squeeze %dma_start3A_810 : memref<1x1x!tpu.dma_semaphore, #tpu.memory_space<semaphore_mem>> -> memref<!tpu.dma_semaphore, #tpu.memory_space<semaphore_mem>>
    %dma_start3A_812 = arith.constant 0 : i32
    %dma_start3A_813 = tpu.memref_slice %arg3[%dma_start3A_800, %add3A_798, %dma_start3A_812] : memref<4x8192x1024xf32, #tpu.memory_space<hbm>> -> memref<1x32x1024xf32, #tpu.memory_space<hbm>>
    %dma_start3A_814 = tpu.memref_squeeze %dma_start3A_813 : memref<1x32x1024xf32, #tpu.memory_space<hbm>> -> memref<32x1024xf32, #tpu.memory_space<hbm>>
    %dma_start3A_815 = arith.constant 0 : i32
    %dma_start3A_816 = arith.constant 0 : i32
    %dma_start3A_817 = tpu.memref_slice %arg4[%dma_start3A_799, %dma_start3A_815, %dma_start3A_816] : memref<2x32x1024xf32, #tpu.memory_space<vmem>> -> memref<1x32x1024xf32, #tpu.memory_space<vmem>>
    %dma_start3A_818 = tpu.memref_squeeze %dma_start3A_817 : memref<1x32x1024xf32, #tpu.memory_space<vmem>> -> memref<32x1024xf32, #tpu.memory_space<vmem>>
    tpu.enqueue_dma source(%dma_start3A_818 : memref<32x1024xf32, #tpu.memory_space<vmem>>) target(%dma_start3A_814 : memref<32x1024xf32, #tpu.memory_space<hbm>>) target_semaphore(%dma_start3A_811 : memref<!tpu.dma_semaphore, #tpu.memory_space<semaphore_mem>>)
    %add3A_819 = arith.constant 128 : i32
    %add3A_820 = arith.addi %mul3A_2, %add3A_819 : i32
    %dma_start3A_821 = arith.constant 0 : i32
    %dma_start3A_822 = arith.constant 1 : i32
    %dma_start3A_823 = arith.constant 0 : i32
    %dma_start3A_824 = arith.constant 1 : i32
    %dma_start3A_825 = arith.constant 0 : i32
    %dma_start3A_826 = arith.constant 0 : i32
    %dma_start3A_827 = tpu.memref_slice %arg4[%dma_start3A_821, %dma_start3A_825, %dma_start3A_826] : memref<2x32x1024xf32, #tpu.memory_space<vmem>> -> memref<1x32x1024xf32, #tpu.memory_space<vmem>>
    %dma_start3A_828 = tpu.memref_squeeze %dma_start3A_827 : memref<1x32x1024xf32, #tpu.memory_space<vmem>> -> memref<32x1024xf32, #tpu.memory_space<vmem>>
    %dma_start3A_829 = arith.constant 0 : i32
    %dma_start3A_830 = tpu.memref_slice %arg3[%dma_start3A_822, %add3A_820, %dma_start3A_829] : memref<4x8192x1024xf32, #tpu.memory_space<hbm>> -> memref<1x32x1024xf32, #tpu.memory_space<hbm>>
    %dma_start3A_831 = tpu.memref_squeeze %dma_start3A_830 : memref<1x32x1024xf32, #tpu.memory_space<hbm>> -> memref<32x1024xf32, #tpu.memory_space<hbm>>
    %dma_start3A_832 = tpu.memref_slice %arg6[%dma_start3A_823, %dma_start3A_824] : memref<2x4x!tpu.dma_semaphore, #tpu.memory_space<semaphore_mem>> -> memref<1x1x!tpu.dma_semaphore, #tpu.memory_space<semaphore_mem>>
    %dma_start3A_833 = tpu.memref_squeeze %dma_start3A_832 : memref<1x1x!tpu.dma_semaphore, #tpu.memory_space<semaphore_mem>> -> memref<!tpu.dma_semaphore, #tpu.memory_space<semaphore_mem>>
    %dma_start3A_834 = arith.constant 0 : i32
    %dma_start3A_835 = tpu.memref_slice %arg3[%dma_start3A_822, %add3A_820, %dma_start3A_834] : memref<4x8192x1024xf32, #tpu.memory_space<hbm>> -> memref<1x32x1024xf32, #tpu.memory_space<hbm>>
    %dma_start3A_836 = tpu.memref_squeeze %dma_start3A_835 : memref<1x32x1024xf32, #tpu.memory_space<hbm>> -> memref<32x1024xf32, #tpu.memory_space<hbm>>
    %dma_start3A_837 = arith.constant 0 : i32
    %dma_start3A_838 = arith.constant 0 : i32
    %dma_start3A_839 = tpu.memref_slice %arg4[%dma_start3A_821, %dma_start3A_837, %dma_start3A_838] : memref<2x32x1024xf32, #tpu.memory_space<vmem>> -> memref<1x32x1024xf32, #tpu.memory_space<vmem>>
    %dma_start3A_840 = tpu.memref_squeeze %dma_start3A_839 : memref<1x32x1024xf32, #tpu.memory_space<vmem>> -> memref<32x1024xf32, #tpu.memory_space<vmem>>
    tpu.enqueue_dma source(%dma_start3A_840 : memref<32x1024xf32, #tpu.memory_space<vmem>>) target(%dma_start3A_836 : memref<32x1024xf32, #tpu.memory_space<hbm>>) target_semaphore(%dma_start3A_833 : memref<!tpu.dma_semaphore, #tpu.memory_space<semaphore_mem>>)
    %add3A_841 = arith.constant 128 : i32
    %add3A_842 = arith.addi %mul3A_2, %add3A_841 : i32
    %dma_start3A_843 = arith.constant 0 : i32
    %dma_start3A_844 = arith.constant 2 : i32
    %dma_start3A_845 = arith.constant 0 : i32
    %dma_start3A_846 = arith.constant 2 : i32
    %dma_start3A_847 = arith.constant 0 : i32
    %dma_start3A_848 = arith.constant 0 : i32
    %dma_start3A_849 = tpu.memref_slice %arg4[%dma_start3A_843, %dma_start3A_847, %dma_start3A_848] : memref<2x32x1024xf32, #tpu.memory_space<vmem>> -> memref<1x32x1024xf32, #tpu.memory_space<vmem>>
    %dma_start3A_850 = tpu.memref_squeeze %dma_start3A_849 : memref<1x32x1024xf32, #tpu.memory_space<vmem>> -> memref<32x1024xf32, #tpu.memory_space<vmem>>
    %dma_start3A_851 = arith.constant 0 : i32
    %dma_start3A_852 = tpu.memref_slice %arg3[%dma_start3A_844, %add3A_842, %dma_start3A_851] : memref<4x8192x1024xf32, #tpu.memory_space<hbm>> -> memref<1x32x1024xf32, #tpu.memory_space<hbm>>
    %dma_start3A_853 = tpu.memref_squeeze %dma_start3A_852 : memref<1x32x1024xf32, #tpu.memory_space<hbm>> -> memref<32x1024xf32, #tpu.memory_space<hbm>>
    %dma_start3A_854 = tpu.memref_slice %arg6[%dma_start3A_845, %dma_start3A_846] : memref<2x4x!tpu.dma_semaphore, #tpu.memory_space<semaphore_mem>> -> memref<1x1x!tpu.dma_semaphore, #tpu.memory_space<semaphore_mem>>
    %dma_start3A_855 = tpu.memref_squeeze %dma_start3A_854 : memref<1x1x!tpu.dma_semaphore, #tpu.memory_space<semaphore_mem>> -> memref<!tpu.dma_semaphore, #tpu.memory_space<semaphore_mem>>
    %dma_start3A_856 = arith.constant 0 : i32
    %dma_start3A_857 = tpu.memref_slice %arg3[%dma_start3A_844, %add3A_842, %dma_start3A_856] : memref<4x8192x1024xf32, #tpu.memory_space<hbm>> -> memref<1x32x1024xf32, #tpu.memory_space<hbm>>
    %dma_start3A_858 = tpu.memref_squeeze %dma_start3A_857 : memref<1x32x1024xf32, #tpu.memory_space<hbm>> -> memref<32x1024xf32, #tpu.memory_space<hbm>>
    %dma_start3A_859 = arith.constant 0 : i32
    %dma_start3A_860 = arith.constant 0 : i32
    %dma_start3A_861 = tpu.memref_slice %arg4[%dma_start3A_843, %dma_start3A_859, %dma_start3A_860] : memref<2x32x1024xf32, #tpu.memory_space<vmem>> -> memref<1x32x1024xf32, #tpu.memory_space<vmem>>
    %dma_start3A_862 = tpu.memref_squeeze %dma_start3A_861 : memref<1x32x1024xf32, #tpu.memory_space<vmem>> -> memref<32x1024xf32, #tpu.memory_space<vmem>>
    tpu.enqueue_dma source(%dma_start3A_862 : memref<32x1024xf32, #tpu.memory_space<vmem>>) target(%dma_start3A_858 : memref<32x1024xf32, #tpu.memory_space<hbm>>) target_semaphore(%dma_start3A_855 : memref<!tpu.dma_semaphore, #tpu.memory_space<semaphore_mem>>)
    %add3A_863 = arith.constant 128 : i32
    %add3A_864 = arith.addi %mul3A_2, %add3A_863 : i32
    %dma_start3A_865 = arith.constant 0 : i32
    %dma_start3A_866 = arith.constant 3 : i32
    %dma_start3A_867 = arith.constant 0 : i32
    %dma_start3A_868 = arith.constant 3 : i32
    %dma_start3A_869 = arith.constant 0 : i32
    %dma_start3A_870 = arith.constant 0 : i32
    %dma_start3A_871 = tpu.memref_slice %arg4[%dma_start3A_865, %dma_start3A_869, %dma_start3A_870] : memref<2x32x1024xf32, #tpu.memory_space<vmem>> -> memref<1x32x1024xf32, #tpu.memory_space<vmem>>
    %dma_start3A_872 = tpu.memref_squeeze %dma_start3A_871 : memref<1x32x1024xf32, #tpu.memory_space<vmem>> -> memref<32x1024xf32, #tpu.memory_space<vmem>>
    %dma_start3A_873 = arith.constant 0 : i32
    %dma_start3A_874 = tpu.memref_slice %arg3[%dma_start3A_866, %add3A_864, %dma_start3A_873] : memref<4x8192x1024xf32, #tpu.memory_space<hbm>> -> memref<1x32x1024xf32, #tpu.memory_space<hbm>>
    %dma_start3A_875 = tpu.memref_squeeze %dma_start3A_874 : memref<1x32x1024xf32, #tpu.memory_space<hbm>> -> memref<32x1024xf32, #tpu.memory_space<hbm>>
    %dma_start3A_876 = tpu.memref_slice %arg6[%dma_start3A_867, %dma_start3A_868] : memref<2x4x!tpu.dma_semaphore, #tpu.memory_space<semaphore_mem>> -> memref<1x1x!tpu.dma_semaphore, #tpu.memory_space<semaphore_mem>>
    %dma_start3A_877 = tpu.memref_squeeze %dma_start3A_876 : memref<1x1x!tpu.dma_semaphore, #tpu.memory_space<semaphore_mem>> -> memref<!tpu.dma_semaphore, #tpu.memory_space<semaphore_mem>>
    %dma_start3A_878 = arith.constant 0 : i32
    %dma_start3A_879 = tpu.memref_slice %arg3[%dma_start3A_866, %add3A_864, %dma_start3A_878] : memref<4x8192x1024xf32, #tpu.memory_space<hbm>> -> memref<1x32x1024xf32, #tpu.memory_space<hbm>>
    %dma_start3A_880 = tpu.memref_squeeze %dma_start3A_879 : memref<1x32x1024xf32, #tpu.memory_space<hbm>> -> memref<32x1024xf32, #tpu.memory_space<hbm>>
    %dma_start3A_881 = arith.constant 0 : i32
    %dma_start3A_882 = arith.constant 0 : i32
    %dma_start3A_883 = tpu.memref_slice %arg4[%dma_start3A_865, %dma_start3A_881, %dma_start3A_882] : memref<2x32x1024xf32, #tpu.memory_space<vmem>> -> memref<1x32x1024xf32, #tpu.memory_space<vmem>>
    %dma_start3A_884 = tpu.memref_squeeze %dma_start3A_883 : memref<1x32x1024xf32, #tpu.memory_space<vmem>> -> memref<32x1024xf32, #tpu.memory_space<vmem>>
    tpu.enqueue_dma source(%dma_start3A_884 : memref<32x1024xf32, #tpu.memory_space<vmem>>) target(%dma_start3A_880 : memref<32x1024xf32, #tpu.memory_space<hbm>>) target_semaphore(%dma_start3A_877 : memref<!tpu.dma_semaphore, #tpu.memory_space<semaphore_mem>>)
    %add3A_885 = arith.constant 96 : i32
    %add3A_886 = arith.addi %mul3A_2, %add3A_885 : i32
    %dma_wait3A_887 = arith.constant 1 : i32
    %dma_wait3A_888 = arith.constant 0 : i32
    %dma_wait3A_889 = arith.constant 1 : i32
    %dma_wait3A_890 = arith.constant 0 : i32
    %dma_wait3A_891 = arith.constant 0 : i32
    %dma_wait3A_892 = arith.constant 0 : i32
    %dma_wait3A_893 = tpu.memref_slice %arg4[%dma_wait3A_887, %dma_wait3A_891, %dma_wait3A_892] : memref<2x32x1024xf32, #tpu.memory_space<vmem>> -> memref<1x32x1024xf32, #tpu.memory_space<vmem>>
    %dma_wait3A_894 = tpu.memref_squeeze %dma_wait3A_893 : memref<1x32x1024xf32, #tpu.memory_space<vmem>> -> memref<32x1024xf32, #tpu.memory_space<vmem>>
    %dma_wait3A_895 = arith.constant 0 : i32
    %dma_wait3A_896 = tpu.memref_slice %arg3[%dma_wait3A_888, %add3A_886, %dma_wait3A_895] : memref<4x8192x1024xf32, #tpu.memory_space<hbm>> -> memref<1x32x1024xf32, #tpu.memory_space<hbm>>
    %dma_wait3A_897 = tpu.memref_squeeze %dma_wait3A_896 : memref<1x32x1024xf32, #tpu.memory_space<hbm>> -> memref<32x1024xf32, #tpu.memory_space<hbm>>
    %dma_wait3A_898 = tpu.memref_slice %arg6[%dma_wait3A_889, %dma_wait3A_890] : memref<2x4x!tpu.dma_semaphore, #tpu.memory_space<semaphore_mem>> -> memref<1x1x!tpu.dma_semaphore, #tpu.memory_space<semaphore_mem>>
    %dma_wait3A_899 = tpu.memref_squeeze %dma_wait3A_898 : memref<1x1x!tpu.dma_semaphore, #tpu.memory_space<semaphore_mem>> -> memref<!tpu.dma_semaphore, #tpu.memory_space<semaphore_mem>>
    %dma_wait3A_900 = arith.constant 0 : i32
    %dma_wait3A_901 = tpu.memref_slice %arg3[%dma_wait3A_888, %add3A_886, %dma_wait3A_900] : memref<4x8192x1024xf32, #tpu.memory_space<hbm>> -> memref<1x32x1024xf32, #tpu.memory_space<hbm>>
    %dma_wait3A_902 = tpu.memref_squeeze %dma_wait3A_901 : memref<1x32x1024xf32, #tpu.memory_space<hbm>> -> memref<32x1024xf32, #tpu.memory_space<hbm>>
    %dma_wait3A_903 = arith.constant 0 : i32
    %dma_wait3A_904 = arith.constant 0 : i32
    %dma_wait3A_905 = tpu.memref_slice %arg4[%dma_wait3A_887, %dma_wait3A_903, %dma_wait3A_904] : memref<2x32x1024xf32, #tpu.memory_space<vmem>> -> memref<1x32x1024xf32, #tpu.memory_space<vmem>>
    %dma_wait3A_906 = tpu.memref_squeeze %dma_wait3A_905 : memref<1x32x1024xf32, #tpu.memory_space<vmem>> -> memref<32x1024xf32, #tpu.memory_space<vmem>>
    tpu.wait_dma2 semaphore(%dma_wait3A_899 : memref<!tpu.dma_semaphore, #tpu.memory_space<semaphore_mem>>) src(%dma_wait3A_906 : memref<32x1024xf32, #tpu.memory_space<vmem>>) dst(%dma_wait3A_902 : memref<32x1024xf32, #tpu.memory_space<hbm>>)
    %add3A_907 = arith.constant 96 : i32
    %add3A_908 = arith.addi %mul3A_2, %add3A_907 : i32
    %dma_wait3A_909 = arith.constant 1 : i32
    %dma_wait3A_910 = arith.constant 1 : i32
    %dma_wait3A_911 = arith.constant 1 : i32
    %dma_wait3A_912 = arith.constant 1 : i32
    %dma_wait3A_913 = arith.constant 0 : i32
    %dma_wait3A_914 = arith.constant 0 : i32
    %dma_wait3A_915 = tpu.memref_slice %arg4[%dma_wait3A_909, %dma_wait3A_913, %dma_wait3A_914] : memref<2x32x1024xf32, #tpu.memory_space<vmem>> -> memref<1x32x1024xf32, #tpu.memory_space<vmem>>
    %dma_wait3A_916 = tpu.memref_squeeze %dma_wait3A_915 : memref<1x32x1024xf32, #tpu.memory_space<vmem>> -> memref<32x1024xf32, #tpu.memory_space<vmem>>
    %dma_wait3A_917 = arith.constant 0 : i32
    %dma_wait3A_918 = tpu.memref_slice %arg3[%dma_wait3A_910, %add3A_908, %dma_wait3A_917] : memref<4x8192x1024xf32, #tpu.memory_space<hbm>> -> memref<1x32x1024xf32, #tpu.memory_space<hbm>>
    %dma_wait3A_919 = tpu.memref_squeeze %dma_wait3A_918 : memref<1x32x1024xf32, #tpu.memory_space<hbm>> -> memref<32x1024xf32, #tpu.memory_space<hbm>>
    %dma_wait3A_920 = tpu.memref_slice %arg6[%dma_wait3A_911, %dma_wait3A_912] : memref<2x4x!tpu.dma_semaphore, #tpu.memory_space<semaphore_mem>> -> memref<1x1x!tpu.dma_semaphore, #tpu.memory_space<semaphore_mem>>
    %dma_wait3A_921 = tpu.memref_squeeze %dma_wait3A_920 : memref<1x1x!tpu.dma_semaphore, #tpu.memory_space<semaphore_mem>> -> memref<!tpu.dma_semaphore, #tpu.memory_space<semaphore_mem>>
    %dma_wait3A_922 = arith.constant 0 : i32
    %dma_wait3A_923 = tpu.memref_slice %arg3[%dma_wait3A_910, %add3A_908, %dma_wait3A_922] : memref<4x8192x1024xf32, #tpu.memory_space<hbm>> -> memref<1x32x1024xf32, #tpu.memory_space<hbm>>
    %dma_wait3A_924 = tpu.memref_squeeze %dma_wait3A_923 : memref<1x32x1024xf32, #tpu.memory_space<hbm>> -> memref<32x1024xf32, #tpu.memory_space<hbm>>
    %dma_wait3A_925 = arith.constant 0 : i32
    %dma_wait3A_926 = arith.constant 0 : i32
    %dma_wait3A_927 = tpu.memref_slice %arg4[%dma_wait3A_909, %dma_wait3A_925, %dma_wait3A_926] : memref<2x32x1024xf32, #tpu.memory_space<vmem>> -> memref<1x32x1024xf32, #tpu.memory_space<vmem>>
    %dma_wait3A_928 = tpu.memref_squeeze %dma_wait3A_927 : memref<1x32x1024xf32, #tpu.memory_space<vmem>> -> memref<32x1024xf32, #tpu.memory_space<vmem>>
    tpu.wait_dma2 semaphore(%dma_wait3A_921 : memref<!tpu.dma_semaphore, #tpu.memory_space<semaphore_mem>>) src(%dma_wait3A_928 : memref<32x1024xf32, #tpu.memory_space<vmem>>) dst(%dma_wait3A_924 : memref<32x1024xf32, #tpu.memory_space<hbm>>)
    %add3A_929 = arith.constant 96 : i32
    %add3A_930 = arith.addi %mul3A_2, %add3A_929 : i32
    %dma_wait3A_931 = arith.constant 1 : i32
    %dma_wait3A_932 = arith.constant 2 : i32
    %dma_wait3A_933 = arith.constant 1 : i32
    %dma_wait3A_934 = arith.constant 2 : i32
    %dma_wait3A_935 = arith.constant 0 : i32
    %dma_wait3A_936 = arith.constant 0 : i32
    %dma_wait3A_937 = tpu.memref_slice %arg4[%dma_wait3A_931, %dma_wait3A_935, %dma_wait3A_936] : memref<2x32x1024xf32, #tpu.memory_space<vmem>> -> memref<1x32x1024xf32, #tpu.memory_space<vmem>>
    %dma_wait3A_938 = tpu.memref_squeeze %dma_wait3A_937 : memref<1x32x1024xf32, #tpu.memory_space<vmem>> -> memref<32x1024xf32, #tpu.memory_space<vmem>>
    %dma_wait3A_939 = arith.constant 0 : i32
    %dma_wait3A_940 = tpu.memref_slice %arg3[%dma_wait3A_932, %add3A_930, %dma_wait3A_939] : memref<4x8192x1024xf32, #tpu.memory_space<hbm>> -> memref<1x32x1024xf32, #tpu.memory_space<hbm>>
    %dma_wait3A_941 = tpu.memref_squeeze %dma_wait3A_940 : memref<1x32x1024xf32, #tpu.memory_space<hbm>> -> memref<32x1024xf32, #tpu.memory_space<hbm>>
    %dma_wait3A_942 = tpu.memref_slice %arg6[%dma_wait3A_933, %dma_wait3A_934] : memref<2x4x!tpu.dma_semaphore, #tpu.memory_space<semaphore_mem>> -> memref<1x1x!tpu.dma_semaphore, #tpu.memory_space<semaphore_mem>>
    %dma_wait3A_943 = tpu.memref_squeeze %dma_wait3A_942 : memref<1x1x!tpu.dma_semaphore, #tpu.memory_space<semaphore_mem>> -> memref<!tpu.dma_semaphore, #tpu.memory_space<semaphore_mem>>
    %dma_wait3A_944 = arith.constant 0 : i32
    %dma_wait3A_945 = tpu.memref_slice %arg3[%dma_wait3A_932, %add3A_930, %dma_wait3A_944] : memref<4x8192x1024xf32, #tpu.memory_space<hbm>> -> memref<1x32x1024xf32, #tpu.memory_space<hbm>>
    %dma_wait3A_946 = tpu.memref_squeeze %dma_wait3A_945 : memref<1x32x1024xf32, #tpu.memory_space<hbm>> -> memref<32x1024xf32, #tpu.memory_space<hbm>>
    %dma_wait3A_947 = arith.constant 0 : i32
    %dma_wait3A_948 = arith.constant 0 : i32
    %dma_wait3A_949 = tpu.memref_slice %arg4[%dma_wait3A_931, %dma_wait3A_947, %dma_wait3A_948] : memref<2x32x1024xf32, #tpu.memory_space<vmem>> -> memref<1x32x1024xf32, #tpu.memory_space<vmem>>
    %dma_wait3A_950 = tpu.memref_squeeze %dma_wait3A_949 : memref<1x32x1024xf32, #tpu.memory_space<vmem>> -> memref<32x1024xf32, #tpu.memory_space<vmem>>
    tpu.wait_dma2 semaphore(%dma_wait3A_943 : memref<!tpu.dma_semaphore, #tpu.memory_space<semaphore_mem>>) src(%dma_wait3A_950 : memref<32x1024xf32, #tpu.memory_space<vmem>>) dst(%dma_wait3A_946 : memref<32x1024xf32, #tpu.memory_space<hbm>>)
    %add3A_951 = arith.constant 96 : i32
    %add3A_952 = arith.addi %mul3A_2, %add3A_951 : i32
    %dma_wait3A_953 = arith.constant 1 : i32
    %dma_wait3A_954 = arith.constant 3 : i32
    %dma_wait3A_955 = arith.constant 1 : i32
    %dma_wait3A_956 = arith.constant 3 : i32
    %dma_wait3A_957 = arith.constant 0 : i32
    %dma_wait3A_958 = arith.constant 0 : i32
    %dma_wait3A_959 = tpu.memref_slice %arg4[%dma_wait3A_953, %dma_wait3A_957, %dma_wait3A_958] : memref<2x32x1024xf32, #tpu.memory_space<vmem>> -> memref<1x32x1024xf32, #tpu.memory_space<vmem>>
    %dma_wait3A_960 = tpu.memref_squeeze %dma_wait3A_959 : memref<1x32x1024xf32, #tpu.memory_space<vmem>> -> memref<32x1024xf32, #tpu.memory_space<vmem>>
    %dma_wait3A_961 = arith.constant 0 : i32
    %dma_wait3A_962 = tpu.memref_slice %arg3[%dma_wait3A_954, %add3A_952, %dma_wait3A_961] : memref<4x8192x1024xf32, #tpu.memory_space<hbm>> -> memref<1x32x1024xf32, #tpu.memory_space<hbm>>
    %dma_wait3A_963 = tpu.memref_squeeze %dma_wait3A_962 : memref<1x32x1024xf32, #tpu.memory_space<hbm>> -> memref<32x1024xf32, #tpu.memory_space<hbm>>
    %dma_wait3A_964 = tpu.memref_slice %arg6[%dma_wait3A_955, %dma_wait3A_956] : memref<2x4x!tpu.dma_semaphore, #tpu.memory_space<semaphore_mem>> -> memref<1x1x!tpu.dma_semaphore, #tpu.memory_space<semaphore_mem>>
    %dma_wait3A_965 = tpu.memref_squeeze %dma_wait3A_964 : memref<1x1x!tpu.dma_semaphore, #tpu.memory_space<semaphore_mem>> -> memref<!tpu.dma_semaphore, #tpu.memory_space<semaphore_mem>>
    %dma_wait3A_966 = arith.constant 0 : i32
    %dma_wait3A_967 = tpu.memref_slice %arg3[%dma_wait3A_954, %add3A_952, %dma_wait3A_966] : memref<4x8192x1024xf32, #tpu.memory_space<hbm>> -> memref<1x32x1024xf32, #tpu.memory_space<hbm>>
    %dma_wait3A_968 = tpu.memref_squeeze %dma_wait3A_967 : memref<1x32x1024xf32, #tpu.memory_space<hbm>> -> memref<32x1024xf32, #tpu.memory_space<hbm>>
    %dma_wait3A_969 = arith.constant 0 : i32
    %dma_wait3A_970 = arith.constant 0 : i32
    %dma_wait3A_971 = tpu.memref_slice %arg4[%dma_wait3A_953, %dma_wait3A_969, %dma_wait3A_970] : memref<2x32x1024xf32, #tpu.memory_space<vmem>> -> memref<1x32x1024xf32, #tpu.memory_space<vmem>>
    %dma_wait3A_972 = tpu.memref_squeeze %dma_wait3A_971 : memref<1x32x1024xf32, #tpu.memory_space<vmem>> -> memref<32x1024xf32, #tpu.memory_space<vmem>>
    tpu.wait_dma2 semaphore(%dma_wait3A_965 : memref<!tpu.dma_semaphore, #tpu.memory_space<semaphore_mem>>) src(%dma_wait3A_972 : memref<32x1024xf32, #tpu.memory_space<vmem>>) dst(%dma_wait3A_968 : memref<32x1024xf32, #tpu.memory_space<hbm>>)
    %add3A_973 = arith.constant 160 : i32
    %add3A_974 = arith.addi %mul3A_2, %add3A_973 : i32
    %dma_start3A_975 = arith.constant 1 : i32
    %dma_start3A_976 = arith.constant 1 : i32
    %dma_start3A_977 = arith.constant 0 : i32
    %dma_start3A_978 = arith.constant 0 : i32
    %dma_start3A_979 = tpu.memref_slice %arg4[%dma_start3A_975, %dma_start3A_977, %dma_start3A_978] : memref<2x32x1024xf32, #tpu.memory_space<vmem>> -> memref<1x32x1024xf32, #tpu.memory_space<vmem>>
    %dma_start3A_980 = tpu.memref_squeeze %dma_start3A_979 : memref<1x32x1024xf32, #tpu.memory_space<vmem>> -> memref<32x1024xf32, #tpu.memory_space<vmem>>
    %dma_start3A_981 = arith.constant 0 : i32
    %dma_start3A_982 = tpu.memref_slice %arg2[%add3A_974, %dma_start3A_981] : memref<8192x1024xf32, #tpu.memory_space<hbm>> -> memref<32x1024xf32, #tpu.memory_space<hbm>>
    %dma_start3A_983 = tpu.memref_slice %arg5[%dma_start3A_976] : memref<2x!tpu.dma_semaphore, #tpu.memory_space<semaphore_mem>> -> memref<1x!tpu.dma_semaphore, #tpu.memory_space<semaphore_mem>>
    %dma_start3A_984 = tpu.memref_squeeze %dma_start3A_983 : memref<1x!tpu.dma_semaphore, #tpu.memory_space<semaphore_mem>> -> memref<!tpu.dma_semaphore, #tpu.memory_space<semaphore_mem>>
    %dma_start3A_985 = arith.constant 0 : i32
    %dma_start3A_986 = arith.constant 0 : i32
    %dma_start3A_987 = tpu.memref_slice %arg4[%dma_start3A_975, %dma_start3A_985, %dma_start3A_986] : memref<2x32x1024xf32, #tpu.memory_space<vmem>> -> memref<1x32x1024xf32, #tpu.memory_space<vmem>>
    %dma_start3A_988 = tpu.memref_squeeze %dma_start3A_987 : memref<1x32x1024xf32, #tpu.memory_space<vmem>> -> memref<32x1024xf32, #tpu.memory_space<vmem>>
    %dma_start3A_989 = arith.constant 0 : i32
    %dma_start3A_990 = tpu.memref_slice %arg2[%add3A_974, %dma_start3A_989] : memref<8192x1024xf32, #tpu.memory_space<hbm>> -> memref<32x1024xf32, #tpu.memory_space<hbm>>
    tpu.enqueue_dma source(%dma_start3A_990 : memref<32x1024xf32, #tpu.memory_space<hbm>>) target(%dma_start3A_988 : memref<32x1024xf32, #tpu.memory_space<vmem>>) target_semaphore(%dma_start3A_984 : memref<!tpu.dma_semaphore, #tpu.memory_space<semaphore_mem>>)
    %add3A_991 = arith.constant 160 : i32
    %add3A_992 = arith.addi %mul3A_2, %add3A_991 : i32
    %dma_wait3A_993 = arith.constant 1 : i32
    %dma_wait3A_994 = arith.constant 1 : i32
    %dma_wait3A_995 = arith.constant 0 : i32
    %dma_wait3A_996 = arith.constant 0 : i32
    %dma_wait3A_997 = tpu.memref_slice %arg4[%dma_wait3A_993, %dma_wait3A_995, %dma_wait3A_996] : memref<2x32x1024xf32, #tpu.memory_space<vmem>> -> memref<1x32x1024xf32, #tpu.memory_space<vmem>>
    %dma_wait3A_998 = tpu.memref_squeeze %dma_wait3A_997 : memref<1x32x1024xf32, #tpu.memory_space<vmem>> -> memref<32x1024xf32, #tpu.memory_space<vmem>>
    %dma_wait3A_999 = arith.constant 0 : i32
    %dma_wait3A_1000 = tpu.memref_slice %arg2[%add3A_992, %dma_wait3A_999] : memref<8192x1024xf32, #tpu.memory_space<hbm>> -> memref<32x1024xf32, #tpu.memory_space<hbm>>
    %dma_wait3A_1001 = tpu.memref_slice %arg5[%dma_wait3A_994] : memref<2x!tpu.dma_semaphore, #tpu.memory_space<semaphore_mem>> -> memref<1x!tpu.dma_semaphore, #tpu.memory_space<semaphore_mem>>
    %dma_wait3A_1002 = tpu.memref_squeeze %dma_wait3A_1001 : memref<1x!tpu.dma_semaphore, #tpu.memory_space<semaphore_mem>> -> memref<!tpu.dma_semaphore, #tpu.memory_space<semaphore_mem>>
    %dma_wait3A_1003 = arith.constant 0 : i32
    %dma_wait3A_1004 = arith.constant 0 : i32
    %dma_wait3A_1005 = tpu.memref_slice %arg4[%dma_wait3A_993, %dma_wait3A_1003, %dma_wait3A_1004] : memref<2x32x1024xf32, #tpu.memory_space<vmem>> -> memref<1x32x1024xf32, #tpu.memory_space<vmem>>
    %dma_wait3A_1006 = tpu.memref_squeeze %dma_wait3A_1005 : memref<1x32x1024xf32, #tpu.memory_space<vmem>> -> memref<32x1024xf32, #tpu.memory_space<vmem>>
    %dma_wait3A_1007 = arith.constant 0 : i32
    %dma_wait3A_1008 = tpu.memref_slice %arg2[%add3A_992, %dma_wait3A_1007] : memref<8192x1024xf32, #tpu.memory_space<hbm>> -> memref<32x1024xf32, #tpu.memory_space<hbm>>
    tpu.wait_dma2 semaphore(%dma_wait3A_1002 : memref<!tpu.dma_semaphore, #tpu.memory_space<semaphore_mem>>) src(%dma_wait3A_1008 : memref<32x1024xf32, #tpu.memory_space<hbm>>) dst(%dma_wait3A_1006 : memref<32x1024xf32, #tpu.memory_space<vmem>>)
    %add3A_1009 = arith.constant 160 : i32
    %add3A_1010 = arith.addi %mul3A_2, %add3A_1009 : i32
    %dma_start3A_1011 = arith.constant 1 : i32
    %dma_start3A_1012 = arith.constant 0 : i32
    %dma_start3A_1013 = arith.constant 1 : i32
    %dma_start3A_1014 = arith.constant 0 : i32
    %dma_start3A_1015 = arith.constant 0 : i32
    %dma_start3A_1016 = arith.constant 0 : i32
    %dma_start3A_1017 = tpu.memref_slice %arg4[%dma_start3A_1011, %dma_start3A_1015, %dma_start3A_1016] : memref<2x32x1024xf32, #tpu.memory_space<vmem>> -> memref<1x32x1024xf32, #tpu.memory_space<vmem>>
    %dma_start3A_1018 = tpu.memref_squeeze %dma_start3A_1017 : memref<1x32x1024xf32, #tpu.memory_space<vmem>> -> memref<32x1024xf32, #tpu.memory_space<vmem>>
    %dma_start3A_1019 = arith.constant 0 : i32
    %dma_start3A_1020 = tpu.memref_slice %arg3[%dma_start3A_1012, %add3A_1010, %dma_start3A_1019] : memref<4x8192x1024xf32, #tpu.memory_space<hbm>> -> memref<1x32x1024xf32, #tpu.memory_space<hbm>>
    %dma_start3A_1021 = tpu.memref_squeeze %dma_start3A_1020 : memref<1x32x1024xf32, #tpu.memory_space<hbm>> -> memref<32x1024xf32, #tpu.memory_space<hbm>>
    %dma_start3A_1022 = tpu.memref_slice %arg6[%dma_start3A_1013, %dma_start3A_1014] : memref<2x4x!tpu.dma_semaphore, #tpu.memory_space<semaphore_mem>> -> memref<1x1x!tpu.dma_semaphore, #tpu.memory_space<semaphore_mem>>
    %dma_start3A_1023 = tpu.memref_squeeze %dma_start3A_1022 : memref<1x1x!tpu.dma_semaphore, #tpu.memory_space<semaphore_mem>> -> memref<!tpu.dma_semaphore, #tpu.memory_space<semaphore_mem>>
    %dma_start3A_1024 = arith.constant 0 : i32
    %dma_start3A_1025 = tpu.memref_slice %arg3[%dma_start3A_1012, %add3A_1010, %dma_start3A_1024] : memref<4x8192x1024xf32, #tpu.memory_space<hbm>> -> memref<1x32x1024xf32, #tpu.memory_space<hbm>>
    %dma_start3A_1026 = tpu.memref_squeeze %dma_start3A_1025 : memref<1x32x1024xf32, #tpu.memory_space<hbm>> -> memref<32x1024xf32, #tpu.memory_space<hbm>>
    %dma_start3A_1027 = arith.constant 0 : i32
    %dma_start3A_1028 = arith.constant 0 : i32
    %dma_start3A_1029 = tpu.memref_slice %arg4[%dma_start3A_1011, %dma_start3A_1027, %dma_start3A_1028] : memref<2x32x1024xf32, #tpu.memory_space<vmem>> -> memref<1x32x1024xf32, #tpu.memory_space<vmem>>
    %dma_start3A_1030 = tpu.memref_squeeze %dma_start3A_1029 : memref<1x32x1024xf32, #tpu.memory_space<vmem>> -> memref<32x1024xf32, #tpu.memory_space<vmem>>
    tpu.enqueue_dma source(%dma_start3A_1030 : memref<32x1024xf32, #tpu.memory_space<vmem>>) target(%dma_start3A_1026 : memref<32x1024xf32, #tpu.memory_space<hbm>>) target_semaphore(%dma_start3A_1023 : memref<!tpu.dma_semaphore, #tpu.memory_space<semaphore_mem>>)
    %add3A_1031 = arith.constant 160 : i32
    %add3A_1032 = arith.addi %mul3A_2, %add3A_1031 : i32
    %dma_start3A_1033 = arith.constant 1 : i32
    %dma_start3A_1034 = arith.constant 1 : i32
    %dma_start3A_1035 = arith.constant 1 : i32
    %dma_start3A_1036 = arith.constant 1 : i32
    %dma_start3A_1037 = arith.constant 0 : i32
    %dma_start3A_1038 = arith.constant 0 : i32
    %dma_start3A_1039 = tpu.memref_slice %arg4[%dma_start3A_1033, %dma_start3A_1037, %dma_start3A_1038] : memref<2x32x1024xf32, #tpu.memory_space<vmem>> -> memref<1x32x1024xf32, #tpu.memory_space<vmem>>
    %dma_start3A_1040 = tpu.memref_squeeze %dma_start3A_1039 : memref<1x32x1024xf32, #tpu.memory_space<vmem>> -> memref<32x1024xf32, #tpu.memory_space<vmem>>
    %dma_start3A_1041 = arith.constant 0 : i32
    %dma_start3A_1042 = tpu.memref_slice %arg3[%dma_start3A_1034, %add3A_1032, %dma_start3A_1041] : memref<4x8192x1024xf32, #tpu.memory_space<hbm>> -> memref<1x32x1024xf32, #tpu.memory_space<hbm>>
    %dma_start3A_1043 = tpu.memref_squeeze %dma_start3A_1042 : memref<1x32x1024xf32, #tpu.memory_space<hbm>> -> memref<32x1024xf32, #tpu.memory_space<hbm>>
    %dma_start3A_1044 = tpu.memref_slice %arg6[%dma_start3A_1035, %dma_start3A_1036] : memref<2x4x!tpu.dma_semaphore, #tpu.memory_space<semaphore_mem>> -> memref<1x1x!tpu.dma_semaphore, #tpu.memory_space<semaphore_mem>>
    %dma_start3A_1045 = tpu.memref_squeeze %dma_start3A_1044 : memref<1x1x!tpu.dma_semaphore, #tpu.memory_space<semaphore_mem>> -> memref<!tpu.dma_semaphore, #tpu.memory_space<semaphore_mem>>
    %dma_start3A_1046 = arith.constant 0 : i32
    %dma_start3A_1047 = tpu.memref_slice %arg3[%dma_start3A_1034, %add3A_1032, %dma_start3A_1046] : memref<4x8192x1024xf32, #tpu.memory_space<hbm>> -> memref<1x32x1024xf32, #tpu.memory_space<hbm>>
    %dma_start3A_1048 = tpu.memref_squeeze %dma_start3A_1047 : memref<1x32x1024xf32, #tpu.memory_space<hbm>> -> memref<32x1024xf32, #tpu.memory_space<hbm>>
    %dma_start3A_1049 = arith.constant 0 : i32
    %dma_start3A_1050 = arith.constant 0 : i32
    %dma_start3A_1051 = tpu.memref_slice %arg4[%dma_start3A_1033, %dma_start3A_1049, %dma_start3A_1050] : memref<2x32x1024xf32, #tpu.memory_space<vmem>> -> memref<1x32x1024xf32, #tpu.memory_space<vmem>>
    %dma_start3A_1052 = tpu.memref_squeeze %dma_start3A_1051 : memref<1x32x1024xf32, #tpu.memory_space<vmem>> -> memref<32x1024xf32, #tpu.memory_space<vmem>>
    tpu.enqueue_dma source(%dma_start3A_1052 : memref<32x1024xf32, #tpu.memory_space<vmem>>) target(%dma_start3A_1048 : memref<32x1024xf32, #tpu.memory_space<hbm>>) target_semaphore(%dma_start3A_1045 : memref<!tpu.dma_semaphore, #tpu.memory_space<semaphore_mem>>)
    %add3A_1053 = arith.constant 160 : i32
    %add3A_1054 = arith.addi %mul3A_2, %add3A_1053 : i32
    %dma_start3A_1055 = arith.constant 1 : i32
    %dma_start3A_1056 = arith.constant 2 : i32
    %dma_start3A_1057 = arith.constant 1 : i32
    %dma_start3A_1058 = arith.constant 2 : i32
    %dma_start3A_1059 = arith.constant 0 : i32
    %dma_start3A_1060 = arith.constant 0 : i32
    %dma_start3A_1061 = tpu.memref_slice %arg4[%dma_start3A_1055, %dma_start3A_1059, %dma_start3A_1060] : memref<2x32x1024xf32, #tpu.memory_space<vmem>> -> memref<1x32x1024xf32, #tpu.memory_space<vmem>>
    %dma_start3A_1062 = tpu.memref_squeeze %dma_start3A_1061 : memref<1x32x1024xf32, #tpu.memory_space<vmem>> -> memref<32x1024xf32, #tpu.memory_space<vmem>>
    %dma_start3A_1063 = arith.constant 0 : i32
    %dma_start3A_1064 = tpu.memref_slice %arg3[%dma_start3A_1056, %add3A_1054, %dma_start3A_1063] : memref<4x8192x1024xf32, #tpu.memory_space<hbm>> -> memref<1x32x1024xf32, #tpu.memory_space<hbm>>
    %dma_start3A_1065 = tpu.memref_squeeze %dma_start3A_1064 : memref<1x32x1024xf32, #tpu.memory_space<hbm>> -> memref<32x1024xf32, #tpu.memory_space<hbm>>
    %dma_start3A_1066 = tpu.memref_slice %arg6[%dma_start3A_1057, %dma_start3A_1058] : memref<2x4x!tpu.dma_semaphore, #tpu.memory_space<semaphore_mem>> -> memref<1x1x!tpu.dma_semaphore, #tpu.memory_space<semaphore_mem>>
    %dma_start3A_1067 = tpu.memref_squeeze %dma_start3A_1066 : memref<1x1x!tpu.dma_semaphore, #tpu.memory_space<semaphore_mem>> -> memref<!tpu.dma_semaphore, #tpu.memory_space<semaphore_mem>>
    %dma_start3A_1068 = arith.constant 0 : i32
    %dma_start3A_1069 = tpu.memref_slice %arg3[%dma_start3A_1056, %add3A_1054, %dma_start3A_1068] : memref<4x8192x1024xf32, #tpu.memory_space<hbm>> -> memref<1x32x1024xf32, #tpu.memory_space<hbm>>
    %dma_start3A_1070 = tpu.memref_squeeze %dma_start3A_1069 : memref<1x32x1024xf32, #tpu.memory_space<hbm>> -> memref<32x1024xf32, #tpu.memory_space<hbm>>
    %dma_start3A_1071 = arith.constant 0 : i32
    %dma_start3A_1072 = arith.constant 0 : i32
    %dma_start3A_1073 = tpu.memref_slice %arg4[%dma_start3A_1055, %dma_start3A_1071, %dma_start3A_1072] : memref<2x32x1024xf32, #tpu.memory_space<vmem>> -> memref<1x32x1024xf32, #tpu.memory_space<vmem>>
    %dma_start3A_1074 = tpu.memref_squeeze %dma_start3A_1073 : memref<1x32x1024xf32, #tpu.memory_space<vmem>> -> memref<32x1024xf32, #tpu.memory_space<vmem>>
    tpu.enqueue_dma source(%dma_start3A_1074 : memref<32x1024xf32, #tpu.memory_space<vmem>>) target(%dma_start3A_1070 : memref<32x1024xf32, #tpu.memory_space<hbm>>) target_semaphore(%dma_start3A_1067 : memref<!tpu.dma_semaphore, #tpu.memory_space<semaphore_mem>>)
    %add3A_1075 = arith.constant 160 : i32
    %add3A_1076 = arith.addi %mul3A_2, %add3A_1075 : i32
    %dma_start3A_1077 = arith.constant 1 : i32
    %dma_start3A_1078 = arith.constant 3 : i32
    %dma_start3A_1079 = arith.constant 1 : i32
    %dma_start3A_1080 = arith.constant 3 : i32
    %dma_start3A_1081 = arith.constant 0 : i32
    %dma_start3A_1082 = arith.constant 0 : i32
    %dma_start3A_1083 = tpu.memref_slice %arg4[%dma_start3A_1077, %dma_start3A_1081, %dma_start3A_1082] : memref<2x32x1024xf32, #tpu.memory_space<vmem>> -> memref<1x32x1024xf32, #tpu.memory_space<vmem>>
    %dma_start3A_1084 = tpu.memref_squeeze %dma_start3A_1083 : memref<1x32x1024xf32, #tpu.memory_space<vmem>> -> memref<32x1024xf32, #tpu.memory_space<vmem>>
    %dma_start3A_1085 = arith.constant 0 : i32
    %dma_start3A_1086 = tpu.memref_slice %arg3[%dma_start3A_1078, %add3A_1076, %dma_start3A_1085] : memref<4x8192x1024xf32, #tpu.memory_space<hbm>> -> memref<1x32x1024xf32, #tpu.memory_space<hbm>>
    %dma_start3A_1087 = tpu.memref_squeeze %dma_start3A_1086 : memref<1x32x1024xf32, #tpu.memory_space<hbm>> -> memref<32x1024xf32, #tpu.memory_space<hbm>>
    %dma_start3A_1088 = tpu.memref_slice %arg6[%dma_start3A_1079, %dma_start3A_1080] : memref<2x4x!tpu.dma_semaphore, #tpu.memory_space<semaphore_mem>> -> memref<1x1x!tpu.dma_semaphore, #tpu.memory_space<semaphore_mem>>
    %dma_start3A_1089 = tpu.memref_squeeze %dma_start3A_1088 : memref<1x1x!tpu.dma_semaphore, #tpu.memory_space<semaphore_mem>> -> memref<!tpu.dma_semaphore, #tpu.memory_space<semaphore_mem>>
    %dma_start3A_1090 = arith.constant 0 : i32
    %dma_start3A_1091 = tpu.memref_slice %arg3[%dma_start3A_1078, %add3A_1076, %dma_start3A_1090] : memref<4x8192x1024xf32, #tpu.memory_space<hbm>> -> memref<1x32x1024xf32, #tpu.memory_space<hbm>>
    %dma_start3A_1092 = tpu.memref_squeeze %dma_start3A_1091 : memref<1x32x1024xf32, #tpu.memory_space<hbm>> -> memref<32x1024xf32, #tpu.memory_space<hbm>>
    %dma_start3A_1093 = arith.constant 0 : i32
    %dma_start3A_1094 = arith.constant 0 : i32
    %dma_start3A_1095 = tpu.memref_slice %arg4[%dma_start3A_1077, %dma_start3A_1093, %dma_start3A_1094] : memref<2x32x1024xf32, #tpu.memory_space<vmem>> -> memref<1x32x1024xf32, #tpu.memory_space<vmem>>
    %dma_start3A_1096 = tpu.memref_squeeze %dma_start3A_1095 : memref<1x32x1024xf32, #tpu.memory_space<vmem>> -> memref<32x1024xf32, #tpu.memory_space<vmem>>
    tpu.enqueue_dma source(%dma_start3A_1096 : memref<32x1024xf32, #tpu.memory_space<vmem>>) target(%dma_start3A_1092 : memref<32x1024xf32, #tpu.memory_space<hbm>>) target_semaphore(%dma_start3A_1089 : memref<!tpu.dma_semaphore, #tpu.memory_space<semaphore_mem>>)
    %add3A_1097 = arith.constant 128 : i32
    %add3A_1098 = arith.addi %mul3A_2, %add3A_1097 : i32
    %dma_wait3A_1099 = arith.constant 0 : i32
    %dma_wait3A_1100 = arith.constant 0 : i32
    %dma_wait3A_1101 = arith.constant 0 : i32
    %dma_wait3A_1102 = arith.constant 0 : i32
    %dma_wait3A_1103 = arith.constant 0 : i32
    %dma_wait3A_1104 = arith.constant 0 : i32
    %dma_wait3A_1105 = tpu.memref_slice %arg4[%dma_wait3A_1099, %dma_wait3A_1103, %dma_wait3A_1104] : memref<2x32x1024xf32, #tpu.memory_space<vmem>> -> memref<1x32x1024xf32, #tpu.memory_space<vmem>>
    %dma_wait3A_1106 = tpu.memref_squeeze %dma_wait3A_1105 : memref<1x32x1024xf32, #tpu.memory_space<vmem>> -> memref<32x1024xf32, #tpu.memory_space<vmem>>
    %dma_wait3A_1107 = arith.constant 0 : i32
    %dma_wait3A_1108 = tpu.memref_slice %arg3[%dma_wait3A_1100, %add3A_1098, %dma_wait3A_1107] : memref<4x8192x1024xf32, #tpu.memory_space<hbm>> -> memref<1x32x1024xf32, #tpu.memory_space<hbm>>
    %dma_wait3A_1109 = tpu.memref_squeeze %dma_wait3A_1108 : memref<1x32x1024xf32, #tpu.memory_space<hbm>> -> memref<32x1024xf32, #tpu.memory_space<hbm>>
    %dma_wait3A_1110 = tpu.memref_slice %arg6[%dma_wait3A_1101, %dma_wait3A_1102] : memref<2x4x!tpu.dma_semaphore, #tpu.memory_space<semaphore_mem>> -> memref<1x1x!tpu.dma_semaphore, #tpu.memory_space<semaphore_mem>>
    %dma_wait3A_1111 = tpu.memref_squeeze %dma_wait3A_1110 : memref<1x1x!tpu.dma_semaphore, #tpu.memory_space<semaphore_mem>> -> memref<!tpu.dma_semaphore, #tpu.memory_space<semaphore_mem>>
    %dma_wait3A_1112 = arith.constant 0 : i32
    %dma_wait3A_1113 = tpu.memref_slice %arg3[%dma_wait3A_1100, %add3A_1098, %dma_wait3A_1112] : memref<4x8192x1024xf32, #tpu.memory_space<hbm>> -> memref<1x32x1024xf32, #tpu.memory_space<hbm>>
    %dma_wait3A_1114 = tpu.memref_squeeze %dma_wait3A_1113 : memref<1x32x1024xf32, #tpu.memory_space<hbm>> -> memref<32x1024xf32, #tpu.memory_space<hbm>>
    %dma_wait3A_1115 = arith.constant 0 : i32
    %dma_wait3A_1116 = arith.constant 0 : i32
    %dma_wait3A_1117 = tpu.memref_slice %arg4[%dma_wait3A_1099, %dma_wait3A_1115, %dma_wait3A_1116] : memref<2x32x1024xf32, #tpu.memory_space<vmem>> -> memref<1x32x1024xf32, #tpu.memory_space<vmem>>
    %dma_wait3A_1118 = tpu.memref_squeeze %dma_wait3A_1117 : memref<1x32x1024xf32, #tpu.memory_space<vmem>> -> memref<32x1024xf32, #tpu.memory_space<vmem>>
    tpu.wait_dma2 semaphore(%dma_wait3A_1111 : memref<!tpu.dma_semaphore, #tpu.memory_space<semaphore_mem>>) src(%dma_wait3A_1118 : memref<32x1024xf32, #tpu.memory_space<vmem>>) dst(%dma_wait3A_1114 : memref<32x1024xf32, #tpu.memory_space<hbm>>)
    %add3A_1119 = arith.constant 128 : i32
    %add3A_1120 = arith.addi %mul3A_2, %add3A_1119 : i32
    %dma_wait3A_1121 = arith.constant 0 : i32
    %dma_wait3A_1122 = arith.constant 1 : i32
    %dma_wait3A_1123 = arith.constant 0 : i32
    %dma_wait3A_1124 = arith.constant 1 : i32
    %dma_wait3A_1125 = arith.constant 0 : i32
    %dma_wait3A_1126 = arith.constant 0 : i32
    %dma_wait3A_1127 = tpu.memref_slice %arg4[%dma_wait3A_1121, %dma_wait3A_1125, %dma_wait3A_1126] : memref<2x32x1024xf32, #tpu.memory_space<vmem>> -> memref<1x32x1024xf32, #tpu.memory_space<vmem>>
    %dma_wait3A_1128 = tpu.memref_squeeze %dma_wait3A_1127 : memref<1x32x1024xf32, #tpu.memory_space<vmem>> -> memref<32x1024xf32, #tpu.memory_space<vmem>>
    %dma_wait3A_1129 = arith.constant 0 : i32
    %dma_wait3A_1130 = tpu.memref_slice %arg3[%dma_wait3A_1122, %add3A_1120, %dma_wait3A_1129] : memref<4x8192x1024xf32, #tpu.memory_space<hbm>> -> memref<1x32x1024xf32, #tpu.memory_space<hbm>>
    %dma_wait3A_1131 = tpu.memref_squeeze %dma_wait3A_1130 : memref<1x32x1024xf32, #tpu.memory_space<hbm>> -> memref<32x1024xf32, #tpu.memory_space<hbm>>
    %dma_wait3A_1132 = tpu.memref_slice %arg6[%dma_wait3A_1123, %dma_wait3A_1124] : memref<2x4x!tpu.dma_semaphore, #tpu.memory_space<semaphore_mem>> -> memref<1x1x!tpu.dma_semaphore, #tpu.memory_space<semaphore_mem>>
    %dma_wait3A_1133 = tpu.memref_squeeze %dma_wait3A_1132 : memref<1x1x!tpu.dma_semaphore, #tpu.memory_space<semaphore_mem>> -> memref<!tpu.dma_semaphore, #tpu.memory_space<semaphore_mem>>
    %dma_wait3A_1134 = arith.constant 0 : i32
    %dma_wait3A_1135 = tpu.memref_slice %arg3[%dma_wait3A_1122, %add3A_1120, %dma_wait3A_1134] : memref<4x8192x1024xf32, #tpu.memory_space<hbm>> -> memref<1x32x1024xf32, #tpu.memory_space<hbm>>
    %dma_wait3A_1136 = tpu.memref_squeeze %dma_wait3A_1135 : memref<1x32x1024xf32, #tpu.memory_space<hbm>> -> memref<32x1024xf32, #tpu.memory_space<hbm>>
    %dma_wait3A_1137 = arith.constant 0 : i32
    %dma_wait3A_1138 = arith.constant 0 : i32
    %dma_wait3A_1139 = tpu.memref_slice %arg4[%dma_wait3A_1121, %dma_wait3A_1137, %dma_wait3A_1138] : memref<2x32x1024xf32, #tpu.memory_space<vmem>> -> memref<1x32x1024xf32, #tpu.memory_space<vmem>>
    %dma_wait3A_1140 = tpu.memref_squeeze %dma_wait3A_1139 : memref<1x32x1024xf32, #tpu.memory_space<vmem>> -> memref<32x1024xf32, #tpu.memory_space<vmem>>
    tpu.wait_dma2 semaphore(%dma_wait3A_1133 : memref<!tpu.dma_semaphore, #tpu.memory_space<semaphore_mem>>) src(%dma_wait3A_1140 : memref<32x1024xf32, #tpu.memory_space<vmem>>) dst(%dma_wait3A_1136 : memref<32x1024xf32, #tpu.memory_space<hbm>>)
    %add3A_1141 = arith.constant 128 : i32
    %add3A_1142 = arith.addi %mul3A_2, %add3A_1141 : i32
    %dma_wait3A_1143 = arith.constant 0 : i32
    %dma_wait3A_1144 = arith.constant 2 : i32
    %dma_wait3A_1145 = arith.constant 0 : i32
    %dma_wait3A_1146 = arith.constant 2 : i32
    %dma_wait3A_1147 = arith.constant 0 : i32
    %dma_wait3A_1148 = arith.constant 0 : i32
    %dma_wait3A_1149 = tpu.memref_slice %arg4[%dma_wait3A_1143, %dma_wait3A_1147, %dma_wait3A_1148] : memref<2x32x1024xf32, #tpu.memory_space<vmem>> -> memref<1x32x1024xf32, #tpu.memory_space<vmem>>
    %dma_wait3A_1150 = tpu.memref_squeeze %dma_wait3A_1149 : memref<1x32x1024xf32, #tpu.memory_space<vmem>> -> memref<32x1024xf32, #tpu.memory_space<vmem>>
    %dma_wait3A_1151 = arith.constant 0 : i32
    %dma_wait3A_1152 = tpu.memref_slice %arg3[%dma_wait3A_1144, %add3A_1142, %dma_wait3A_1151] : memref<4x8192x1024xf32, #tpu.memory_space<hbm>> -> memref<1x32x1024xf32, #tpu.memory_space<hbm>>
    %dma_wait3A_1153 = tpu.memref_squeeze %dma_wait3A_1152 : memref<1x32x1024xf32, #tpu.memory_space<hbm>> -> memref<32x1024xf32, #tpu.memory_space<hbm>>
    %dma_wait3A_1154 = tpu.memref_slice %arg6[%dma_wait3A_1145, %dma_wait3A_1146] : memref<2x4x!tpu.dma_semaphore, #tpu.memory_space<semaphore_mem>> -> memref<1x1x!tpu.dma_semaphore, #tpu.memory_space<semaphore_mem>>
    %dma_wait3A_1155 = tpu.memref_squeeze %dma_wait3A_1154 : memref<1x1x!tpu.dma_semaphore, #tpu.memory_space<semaphore_mem>> -> memref<!tpu.dma_semaphore, #tpu.memory_space<semaphore_mem>>
    %dma_wait3A_1156 = arith.constant 0 : i32
    %dma_wait3A_1157 = tpu.memref_slice %arg3[%dma_wait3A_1144, %add3A_1142, %dma_wait3A_1156] : memref<4x8192x1024xf32, #tpu.memory_space<hbm>> -> memref<1x32x1024xf32, #tpu.memory_space<hbm>>
    %dma_wait3A_1158 = tpu.memref_squeeze %dma_wait3A_1157 : memref<1x32x1024xf32, #tpu.memory_space<hbm>> -> memref<32x1024xf32, #tpu.memory_space<hbm>>
    %dma_wait3A_1159 = arith.constant 0 : i32
    %dma_wait3A_1160 = arith.constant 0 : i32
    %dma_wait3A_1161 = tpu.memref_slice %arg4[%dma_wait3A_1143, %dma_wait3A_1159, %dma_wait3A_1160] : memref<2x32x1024xf32, #tpu.memory_space<vmem>> -> memref<1x32x1024xf32, #tpu.memory_space<vmem>>
    %dma_wait3A_1162 = tpu.memref_squeeze %dma_wait3A_1161 : memref<1x32x1024xf32, #tpu.memory_space<vmem>> -> memref<32x1024xf32, #tpu.memory_space<vmem>>
    tpu.wait_dma2 semaphore(%dma_wait3A_1155 : memref<!tpu.dma_semaphore, #tpu.memory_space<semaphore_mem>>) src(%dma_wait3A_1162 : memref<32x1024xf32, #tpu.memory_space<vmem>>) dst(%dma_wait3A_1158 : memref<32x1024xf32, #tpu.memory_space<hbm>>)
    %add3A_1163 = arith.constant 128 : i32
    %add3A_1164 = arith.addi %mul3A_2, %add3A_1163 : i32
    %dma_wait3A_1165 = arith.constant 0 : i32
    %dma_wait3A_1166 = arith.constant 3 : i32
    %dma_wait3A_1167 = arith.constant 0 : i32
    %dma_wait3A_1168 = arith.constant 3 : i32
    %dma_wait3A_1169 = arith.constant 0 : i32
    %dma_wait3A_1170 = arith.constant 0 : i32
    %dma_wait3A_1171 = tpu.memref_slice %arg4[%dma_wait3A_1165, %dma_wait3A_1169, %dma_wait3A_1170] : memref<2x32x1024xf32, #tpu.memory_space<vmem>> -> memref<1x32x1024xf32, #tpu.memory_space<vmem>>
    %dma_wait3A_1172 = tpu.memref_squeeze %dma_wait3A_1171 : memref<1x32x1024xf32, #tpu.memory_space<vmem>> -> memref<32x1024xf32, #tpu.memory_space<vmem>>
    %dma_wait3A_1173 = arith.constant 0 : i32
    %dma_wait3A_1174 = tpu.memref_slice %arg3[%dma_wait3A_1166, %add3A_1164, %dma_wait3A_1173] : memref<4x8192x1024xf32, #tpu.memory_space<hbm>> -> memref<1x32x1024xf32, #tpu.memory_space<hbm>>
    %dma_wait3A_1175 = tpu.memref_squeeze %dma_wait3A_1174 : memref<1x32x1024xf32, #tpu.memory_space<hbm>> -> memref<32x1024xf32, #tpu.memory_space<hbm>>
    %dma_wait3A_1176 = tpu.memref_slice %arg6[%dma_wait3A_1167, %dma_wait3A_1168] : memref<2x4x!tpu.dma_semaphore, #tpu.memory_space<semaphore_mem>> -> memref<1x1x!tpu.dma_semaphore, #tpu.memory_space<semaphore_mem>>
    %dma_wait3A_1177 = tpu.memref_squeeze %dma_wait3A_1176 : memref<1x1x!tpu.dma_semaphore, #tpu.memory_space<semaphore_mem>> -> memref<!tpu.dma_semaphore, #tpu.memory_space<semaphore_mem>>
    %dma_wait3A_1178 = arith.constant 0 : i32
    %dma_wait3A_1179 = tpu.memref_slice %arg3[%dma_wait3A_1166, %add3A_1164, %dma_wait3A_1178] : memref<4x8192x1024xf32, #tpu.memory_space<hbm>> -> memref<1x32x1024xf32, #tpu.memory_space<hbm>>
    %dma_wait3A_1180 = tpu.memref_squeeze %dma_wait3A_1179 : memref<1x32x1024xf32, #tpu.memory_space<hbm>> -> memref<32x1024xf32, #tpu.memory_space<hbm>>
    %dma_wait3A_1181 = arith.constant 0 : i32
    %dma_wait3A_1182 = arith.constant 0 : i32
    %dma_wait3A_1183 = tpu.memref_slice %arg4[%dma_wait3A_1165, %dma_wait3A_1181, %dma_wait3A_1182] : memref<2x32x1024xf32, #tpu.memory_space<vmem>> -> memref<1x32x1024xf32, #tpu.memory_space<vmem>>
    %dma_wait3A_1184 = tpu.memref_squeeze %dma_wait3A_1183 : memref<1x32x1024xf32, #tpu.memory_space<vmem>> -> memref<32x1024xf32, #tpu.memory_space<vmem>>
    tpu.wait_dma2 semaphore(%dma_wait3A_1177 : memref<!tpu.dma_semaphore, #tpu.memory_space<semaphore_mem>>) src(%dma_wait3A_1184 : memref<32x1024xf32, #tpu.memory_space<vmem>>) dst(%dma_wait3A_1180 : memref<32x1024xf32, #tpu.memory_space<hbm>>)
    %add3A_1185 = arith.constant 192 : i32
    %add3A_1186 = arith.addi %mul3A_2, %add3A_1185 : i32
    %dma_start3A_1187 = arith.constant 0 : i32
    %dma_start3A_1188 = arith.constant 0 : i32
    %dma_start3A_1189 = arith.constant 0 : i32
    %dma_start3A_1190 = arith.constant 0 : i32
    %dma_start3A_1191 = tpu.memref_slice %arg4[%dma_start3A_1187, %dma_start3A_1189, %dma_start3A_1190] : memref<2x32x1024xf32, #tpu.memory_space<vmem>> -> memref<1x32x1024xf32, #tpu.memory_space<vmem>>
    %dma_start3A_1192 = tpu.memref_squeeze %dma_start3A_1191 : memref<1x32x1024xf32, #tpu.memory_space<vmem>> -> memref<32x1024xf32, #tpu.memory_space<vmem>>
    %dma_start3A_1193 = arith.constant 0 : i32
    %dma_start3A_1194 = tpu.memref_slice %arg2[%add3A_1186, %dma_start3A_1193] : memref<8192x1024xf32, #tpu.memory_space<hbm>> -> memref<32x1024xf32, #tpu.memory_space<hbm>>
    %dma_start3A_1195 = tpu.memref_slice %arg5[%dma_start3A_1188] : memref<2x!tpu.dma_semaphore, #tpu.memory_space<semaphore_mem>> -> memref<1x!tpu.dma_semaphore, #tpu.memory_space<semaphore_mem>>
    %dma_start3A_1196 = tpu.memref_squeeze %dma_start3A_1195 : memref<1x!tpu.dma_semaphore, #tpu.memory_space<semaphore_mem>> -> memref<!tpu.dma_semaphore, #tpu.memory_space<semaphore_mem>>
    %dma_start3A_1197 = arith.constant 0 : i32
    %dma_start3A_1198 = arith.constant 0 : i32
    %dma_start3A_1199 = tpu.memref_slice %arg4[%dma_start3A_1187, %dma_start3A_1197, %dma_start3A_1198] : memref<2x32x1024xf32, #tpu.memory_space<vmem>> -> memref<1x32x1024xf32, #tpu.memory_space<vmem>>
    %dma_start3A_1200 = tpu.memref_squeeze %dma_start3A_1199 : memref<1x32x1024xf32, #tpu.memory_space<vmem>> -> memref<32x1024xf32, #tpu.memory_space<vmem>>
    %dma_start3A_1201 = arith.constant 0 : i32
    %dma_start3A_1202 = tpu.memref_slice %arg2[%add3A_1186, %dma_start3A_1201] : memref<8192x1024xf32, #tpu.memory_space<hbm>> -> memref<32x1024xf32, #tpu.memory_space<hbm>>
    tpu.enqueue_dma source(%dma_start3A_1202 : memref<32x1024xf32, #tpu.memory_space<hbm>>) target(%dma_start3A_1200 : memref<32x1024xf32, #tpu.memory_space<vmem>>) target_semaphore(%dma_start3A_1196 : memref<!tpu.dma_semaphore, #tpu.memory_space<semaphore_mem>>)
    %add3A_1203 = arith.constant 192 : i32
    %add3A_1204 = arith.addi %mul3A_2, %add3A_1203 : i32
    %dma_wait3A_1205 = arith.constant 0 : i32
    %dma_wait3A_1206 = arith.constant 0 : i32
    %dma_wait3A_1207 = arith.constant 0 : i32
    %dma_wait3A_1208 = arith.constant 0 : i32
    %dma_wait3A_1209 = tpu.memref_slice %arg4[%dma_wait3A_1205, %dma_wait3A_1207, %dma_wait3A_1208] : memref<2x32x1024xf32, #tpu.memory_space<vmem>> -> memref<1x32x1024xf32, #tpu.memory_space<vmem>>
    %dma_wait3A_1210 = tpu.memref_squeeze %dma_wait3A_1209 : memref<1x32x1024xf32, #tpu.memory_space<vmem>> -> memref<32x1024xf32, #tpu.memory_space<vmem>>
    %dma_wait3A_1211 = arith.constant 0 : i32
    %dma_wait3A_1212 = tpu.memref_slice %arg2[%add3A_1204, %dma_wait3A_1211] : memref<8192x1024xf32, #tpu.memory_space<hbm>> -> memref<32x1024xf32, #tpu.memory_space<hbm>>
    %dma_wait3A_1213 = tpu.memref_slice %arg5[%dma_wait3A_1206] : memref<2x!tpu.dma_semaphore, #tpu.memory_space<semaphore_mem>> -> memref<1x!tpu.dma_semaphore, #tpu.memory_space<semaphore_mem>>
    %dma_wait3A_1214 = tpu.memref_squeeze %dma_wait3A_1213 : memref<1x!tpu.dma_semaphore, #tpu.memory_space<semaphore_mem>> -> memref<!tpu.dma_semaphore, #tpu.memory_space<semaphore_mem>>
    %dma_wait3A_1215 = arith.constant 0 : i32
    %dma_wait3A_1216 = arith.constant 0 : i32
    %dma_wait3A_1217 = tpu.memref_slice %arg4[%dma_wait3A_1205, %dma_wait3A_1215, %dma_wait3A_1216] : memref<2x32x1024xf32, #tpu.memory_space<vmem>> -> memref<1x32x1024xf32, #tpu.memory_space<vmem>>
    %dma_wait3A_1218 = tpu.memref_squeeze %dma_wait3A_1217 : memref<1x32x1024xf32, #tpu.memory_space<vmem>> -> memref<32x1024xf32, #tpu.memory_space<vmem>>
    %dma_wait3A_1219 = arith.constant 0 : i32
    %dma_wait3A_1220 = tpu.memref_slice %arg2[%add3A_1204, %dma_wait3A_1219] : memref<8192x1024xf32, #tpu.memory_space<hbm>> -> memref<32x1024xf32, #tpu.memory_space<hbm>>
    tpu.wait_dma2 semaphore(%dma_wait3A_1214 : memref<!tpu.dma_semaphore, #tpu.memory_space<semaphore_mem>>) src(%dma_wait3A_1220 : memref<32x1024xf32, #tpu.memory_space<hbm>>) dst(%dma_wait3A_1218 : memref<32x1024xf32, #tpu.memory_space<vmem>>)
    %add3A_1221 = arith.constant 192 : i32
    %add3A_1222 = arith.addi %mul3A_2, %add3A_1221 : i32
    %dma_start3A_1223 = arith.constant 0 : i32
    %dma_start3A_1224 = arith.constant 0 : i32
    %dma_start3A_1225 = arith.constant 0 : i32
    %dma_start3A_1226 = arith.constant 0 : i32
    %dma_start3A_1227 = arith.constant 0 : i32
    %dma_start3A_1228 = arith.constant 0 : i32
    %dma_start3A_1229 = tpu.memref_slice %arg4[%dma_start3A_1223, %dma_start3A_1227, %dma_start3A_1228] : memref<2x32x1024xf32, #tpu.memory_space<vmem>> -> memref<1x32x1024xf32, #tpu.memory_space<vmem>>
    %dma_start3A_1230 = tpu.memref_squeeze %dma_start3A_1229 : memref<1x32x1024xf32, #tpu.memory_space<vmem>> -> memref<32x1024xf32, #tpu.memory_space<vmem>>
    %dma_start3A_1231 = arith.constant 0 : i32
    %dma_start3A_1232 = tpu.memref_slice %arg3[%dma_start3A_1224, %add3A_1222, %dma_start3A_1231] : memref<4x8192x1024xf32, #tpu.memory_space<hbm>> -> memref<1x32x1024xf32, #tpu.memory_space<hbm>>
    %dma_start3A_1233 = tpu.memref_squeeze %dma_start3A_1232 : memref<1x32x1024xf32, #tpu.memory_space<hbm>> -> memref<32x1024xf32, #tpu.memory_space<hbm>>
    %dma_start3A_1234 = tpu.memref_slice %arg6[%dma_start3A_1225, %dma_start3A_1226] : memref<2x4x!tpu.dma_semaphore, #tpu.memory_space<semaphore_mem>> -> memref<1x1x!tpu.dma_semaphore, #tpu.memory_space<semaphore_mem>>
    %dma_start3A_1235 = tpu.memref_squeeze %dma_start3A_1234 : memref<1x1x!tpu.dma_semaphore, #tpu.memory_space<semaphore_mem>> -> memref<!tpu.dma_semaphore, #tpu.memory_space<semaphore_mem>>
    %dma_start3A_1236 = arith.constant 0 : i32
    %dma_start3A_1237 = tpu.memref_slice %arg3[%dma_start3A_1224, %add3A_1222, %dma_start3A_1236] : memref<4x8192x1024xf32, #tpu.memory_space<hbm>> -> memref<1x32x1024xf32, #tpu.memory_space<hbm>>
    %dma_start3A_1238 = tpu.memref_squeeze %dma_start3A_1237 : memref<1x32x1024xf32, #tpu.memory_space<hbm>> -> memref<32x1024xf32, #tpu.memory_space<hbm>>
    %dma_start3A_1239 = arith.constant 0 : i32
    %dma_start3A_1240 = arith.constant 0 : i32
    %dma_start3A_1241 = tpu.memref_slice %arg4[%dma_start3A_1223, %dma_start3A_1239, %dma_start3A_1240] : memref<2x32x1024xf32, #tpu.memory_space<vmem>> -> memref<1x32x1024xf32, #tpu.memory_space<vmem>>
    %dma_start3A_1242 = tpu.memref_squeeze %dma_start3A_1241 : memref<1x32x1024xf32, #tpu.memory_space<vmem>> -> memref<32x1024xf32, #tpu.memory_space<vmem>>
    tpu.enqueue_dma source(%dma_start3A_1242 : memref<32x1024xf32, #tpu.memory_space<vmem>>) target(%dma_start3A_1238 : memref<32x1024xf32, #tpu.memory_space<hbm>>) target_semaphore(%dma_start3A_1235 : memref<!tpu.dma_semaphore, #tpu.memory_space<semaphore_mem>>)
    %add3A_1243 = arith.constant 192 : i32
    %add3A_1244 = arith.addi %mul3A_2, %add3A_1243 : i32
    %dma_start3A_1245 = arith.constant 0 : i32
    %dma_start3A_1246 = arith.constant 1 : i32
    %dma_start3A_1247 = arith.constant 0 : i32
    %dma_start3A_1248 = arith.constant 1 : i32
    %dma_start3A_1249 = arith.constant 0 : i32
    %dma_start3A_1250 = arith.constant 0 : i32
    %dma_start3A_1251 = tpu.memref_slice %arg4[%dma_start3A_1245, %dma_start3A_1249, %dma_start3A_1250] : memref<2x32x1024xf32, #tpu.memory_space<vmem>> -> memref<1x32x1024xf32, #tpu.memory_space<vmem>>
    %dma_start3A_1252 = tpu.memref_squeeze %dma_start3A_1251 : memref<1x32x1024xf32, #tpu.memory_space<vmem>> -> memref<32x1024xf32, #tpu.memory_space<vmem>>
    %dma_start3A_1253 = arith.constant 0 : i32
    %dma_start3A_1254 = tpu.memref_slice %arg3[%dma_start3A_1246, %add3A_1244, %dma_start3A_1253] : memref<4x8192x1024xf32, #tpu.memory_space<hbm>> -> memref<1x32x1024xf32, #tpu.memory_space<hbm>>
    %dma_start3A_1255 = tpu.memref_squeeze %dma_start3A_1254 : memref<1x32x1024xf32, #tpu.memory_space<hbm>> -> memref<32x1024xf32, #tpu.memory_space<hbm>>
    %dma_start3A_1256 = tpu.memref_slice %arg6[%dma_start3A_1247, %dma_start3A_1248] : memref<2x4x!tpu.dma_semaphore, #tpu.memory_space<semaphore_mem>> -> memref<1x1x!tpu.dma_semaphore, #tpu.memory_space<semaphore_mem>>
    %dma_start3A_1257 = tpu.memref_squeeze %dma_start3A_1256 : memref<1x1x!tpu.dma_semaphore, #tpu.memory_space<semaphore_mem>> -> memref<!tpu.dma_semaphore, #tpu.memory_space<semaphore_mem>>
    %dma_start3A_1258 = arith.constant 0 : i32
    %dma_start3A_1259 = tpu.memref_slice %arg3[%dma_start3A_1246, %add3A_1244, %dma_start3A_1258] : memref<4x8192x1024xf32, #tpu.memory_space<hbm>> -> memref<1x32x1024xf32, #tpu.memory_space<hbm>>
    %dma_start3A_1260 = tpu.memref_squeeze %dma_start3A_1259 : memref<1x32x1024xf32, #tpu.memory_space<hbm>> -> memref<32x1024xf32, #tpu.memory_space<hbm>>
    %dma_start3A_1261 = arith.constant 0 : i32
    %dma_start3A_1262 = arith.constant 0 : i32
    %dma_start3A_1263 = tpu.memref_slice %arg4[%dma_start3A_1245, %dma_start3A_1261, %dma_start3A_1262] : memref<2x32x1024xf32, #tpu.memory_space<vmem>> -> memref<1x32x1024xf32, #tpu.memory_space<vmem>>
    %dma_start3A_1264 = tpu.memref_squeeze %dma_start3A_1263 : memref<1x32x1024xf32, #tpu.memory_space<vmem>> -> memref<32x1024xf32, #tpu.memory_space<vmem>>
    tpu.enqueue_dma source(%dma_start3A_1264 : memref<32x1024xf32, #tpu.memory_space<vmem>>) target(%dma_start3A_1260 : memref<32x1024xf32, #tpu.memory_space<hbm>>) target_semaphore(%dma_start3A_1257 : memref<!tpu.dma_semaphore, #tpu.memory_space<semaphore_mem>>)
    %add3A_1265 = arith.constant 192 : i32
    %add3A_1266 = arith.addi %mul3A_2, %add3A_1265 : i32
    %dma_start3A_1267 = arith.constant 0 : i32
    %dma_start3A_1268 = arith.constant 2 : i32
    %dma_start3A_1269 = arith.constant 0 : i32
    %dma_start3A_1270 = arith.constant 2 : i32
    %dma_start3A_1271 = arith.constant 0 : i32
    %dma_start3A_1272 = arith.constant 0 : i32
    %dma_start3A_1273 = tpu.memref_slice %arg4[%dma_start3A_1267, %dma_start3A_1271, %dma_start3A_1272] : memref<2x32x1024xf32, #tpu.memory_space<vmem>> -> memref<1x32x1024xf32, #tpu.memory_space<vmem>>
    %dma_start3A_1274 = tpu.memref_squeeze %dma_start3A_1273 : memref<1x32x1024xf32, #tpu.memory_space<vmem>> -> memref<32x1024xf32, #tpu.memory_space<vmem>>
    %dma_start3A_1275 = arith.constant 0 : i32
    %dma_start3A_1276 = tpu.memref_slice %arg3[%dma_start3A_1268, %add3A_1266, %dma_start3A_1275] : memref<4x8192x1024xf32, #tpu.memory_space<hbm>> -> memref<1x32x1024xf32, #tpu.memory_space<hbm>>
    %dma_start3A_1277 = tpu.memref_squeeze %dma_start3A_1276 : memref<1x32x1024xf32, #tpu.memory_space<hbm>> -> memref<32x1024xf32, #tpu.memory_space<hbm>>
    %dma_start3A_1278 = tpu.memref_slice %arg6[%dma_start3A_1269, %dma_start3A_1270] : memref<2x4x!tpu.dma_semaphore, #tpu.memory_space<semaphore_mem>> -> memref<1x1x!tpu.dma_semaphore, #tpu.memory_space<semaphore_mem>>
    %dma_start3A_1279 = tpu.memref_squeeze %dma_start3A_1278 : memref<1x1x!tpu.dma_semaphore, #tpu.memory_space<semaphore_mem>> -> memref<!tpu.dma_semaphore, #tpu.memory_space<semaphore_mem>>
    %dma_start3A_1280 = arith.constant 0 : i32
    %dma_start3A_1281 = tpu.memref_slice %arg3[%dma_start3A_1268, %add3A_1266, %dma_start3A_1280] : memref<4x8192x1024xf32, #tpu.memory_space<hbm>> -> memref<1x32x1024xf32, #tpu.memory_space<hbm>>
    %dma_start3A_1282 = tpu.memref_squeeze %dma_start3A_1281 : memref<1x32x1024xf32, #tpu.memory_space<hbm>> -> memref<32x1024xf32, #tpu.memory_space<hbm>>
    %dma_start3A_1283 = arith.constant 0 : i32
    %dma_start3A_1284 = arith.constant 0 : i32
    %dma_start3A_1285 = tpu.memref_slice %arg4[%dma_start3A_1267, %dma_start3A_1283, %dma_start3A_1284] : memref<2x32x1024xf32, #tpu.memory_space<vmem>> -> memref<1x32x1024xf32, #tpu.memory_space<vmem>>
    %dma_start3A_1286 = tpu.memref_squeeze %dma_start3A_1285 : memref<1x32x1024xf32, #tpu.memory_space<vmem>> -> memref<32x1024xf32, #tpu.memory_space<vmem>>
    tpu.enqueue_dma source(%dma_start3A_1286 : memref<32x1024xf32, #tpu.memory_space<vmem>>) target(%dma_start3A_1282 : memref<32x1024xf32, #tpu.memory_space<hbm>>) target_semaphore(%dma_start3A_1279 : memref<!tpu.dma_semaphore, #tpu.memory_space<semaphore_mem>>)
    %add3A_1287 = arith.constant 192 : i32
    %add3A_1288 = arith.addi %mul3A_2, %add3A_1287 : i32
    %dma_start3A_1289 = arith.constant 0 : i32
    %dma_start3A_1290 = arith.constant 3 : i32
    %dma_start3A_1291 = arith.constant 0 : i32
    %dma_start3A_1292 = arith.constant 3 : i32
    %dma_start3A_1293 = arith.constant 0 : i32
    %dma_start3A_1294 = arith.constant 0 : i32
    %dma_start3A_1295 = tpu.memref_slice %arg4[%dma_start3A_1289, %dma_start3A_1293, %dma_start3A_1294] : memref<2x32x1024xf32, #tpu.memory_space<vmem>> -> memref<1x32x1024xf32, #tpu.memory_space<vmem>>
    %dma_start3A_1296 = tpu.memref_squeeze %dma_start3A_1295 : memref<1x32x1024xf32, #tpu.memory_space<vmem>> -> memref<32x1024xf32, #tpu.memory_space<vmem>>
    %dma_start3A_1297 = arith.constant 0 : i32
    %dma_start3A_1298 = tpu.memref_slice %arg3[%dma_start3A_1290, %add3A_1288, %dma_start3A_1297] : memref<4x8192x1024xf32, #tpu.memory_space<hbm>> -> memref<1x32x1024xf32, #tpu.memory_space<hbm>>
    %dma_start3A_1299 = tpu.memref_squeeze %dma_start3A_1298 : memref<1x32x1024xf32, #tpu.memory_space<hbm>> -> memref<32x1024xf32, #tpu.memory_space<hbm>>
    %dma_start3A_1300 = tpu.memref_slice %arg6[%dma_start3A_1291, %dma_start3A_1292] : memref<2x4x!tpu.dma_semaphore, #tpu.memory_space<semaphore_mem>> -> memref<1x1x!tpu.dma_semaphore, #tpu.memory_space<semaphore_mem>>
    %dma_start3A_1301 = tpu.memref_squeeze %dma_start3A_1300 : memref<1x1x!tpu.dma_semaphore, #tpu.memory_space<semaphore_mem>> -> memref<!tpu.dma_semaphore, #tpu.memory_space<semaphore_mem>>
    %dma_start3A_1302 = arith.constant 0 : i32
    %dma_start3A_1303 = tpu.memref_slice %arg3[%dma_start3A_1290, %add3A_1288, %dma_start3A_1302] : memref<4x8192x1024xf32, #tpu.memory_space<hbm>> -> memref<1x32x1024xf32, #tpu.memory_space<hbm>>
    %dma_start3A_1304 = tpu.memref_squeeze %dma_start3A_1303 : memref<1x32x1024xf32, #tpu.memory_space<hbm>> -> memref<32x1024xf32, #tpu.memory_space<hbm>>
    %dma_start3A_1305 = arith.constant 0 : i32
    %dma_start3A_1306 = arith.constant 0 : i32
    %dma_start3A_1307 = tpu.memref_slice %arg4[%dma_start3A_1289, %dma_start3A_1305, %dma_start3A_1306] : memref<2x32x1024xf32, #tpu.memory_space<vmem>> -> memref<1x32x1024xf32, #tpu.memory_space<vmem>>
    %dma_start3A_1308 = tpu.memref_squeeze %dma_start3A_1307 : memref<1x32x1024xf32, #tpu.memory_space<vmem>> -> memref<32x1024xf32, #tpu.memory_space<vmem>>
    tpu.enqueue_dma source(%dma_start3A_1308 : memref<32x1024xf32, #tpu.memory_space<vmem>>) target(%dma_start3A_1304 : memref<32x1024xf32, #tpu.memory_space<hbm>>) target_semaphore(%dma_start3A_1301 : memref<!tpu.dma_semaphore, #tpu.memory_space<semaphore_mem>>)
    %add3A_1309 = arith.constant 160 : i32
    %add3A_1310 = arith.addi %mul3A_2, %add3A_1309 : i32
    %dma_wait3A_1311 = arith.constant 1 : i32
    %dma_wait3A_1312 = arith.constant 0 : i32
    %dma_wait3A_1313 = arith.constant 1 : i32
    %dma_wait3A_1314 = arith.constant 0 : i32
    %dma_wait3A_1315 = arith.constant 0 : i32
    %dma_wait3A_1316 = arith.constant 0 : i32
    %dma_wait3A_1317 = tpu.memref_slice %arg4[%dma_wait3A_1311, %dma_wait3A_1315, %dma_wait3A_1316] : memref<2x32x1024xf32, #tpu.memory_space<vmem>> -> memref<1x32x1024xf32, #tpu.memory_space<vmem>>
    %dma_wait3A_1318 = tpu.memref_squeeze %dma_wait3A_1317 : memref<1x32x1024xf32, #tpu.memory_space<vmem>> -> memref<32x1024xf32, #tpu.memory_space<vmem>>
    %dma_wait3A_1319 = arith.constant 0 : i32
    %dma_wait3A_1320 = tpu.memref_slice %arg3[%dma_wait3A_1312, %add3A_1310, %dma_wait3A_1319] : memref<4x8192x1024xf32, #tpu.memory_space<hbm>> -> memref<1x32x1024xf32, #tpu.memory_space<hbm>>
    %dma_wait3A_1321 = tpu.memref_squeeze %dma_wait3A_1320 : memref<1x32x1024xf32, #tpu.memory_space<hbm>> -> memref<32x1024xf32, #tpu.memory_space<hbm>>
    %dma_wait3A_1322 = tpu.memref_slice %arg6[%dma_wait3A_1313, %dma_wait3A_1314] : memref<2x4x!tpu.dma_semaphore, #tpu.memory_space<semaphore_mem>> -> memref<1x1x!tpu.dma_semaphore, #tpu.memory_space<semaphore_mem>>
    %dma_wait3A_1323 = tpu.memref_squeeze %dma_wait3A_1322 : memref<1x1x!tpu.dma_semaphore, #tpu.memory_space<semaphore_mem>> -> memref<!tpu.dma_semaphore, #tpu.memory_space<semaphore_mem>>
    %dma_wait3A_1324 = arith.constant 0 : i32
    %dma_wait3A_1325 = tpu.memref_slice %arg3[%dma_wait3A_1312, %add3A_1310, %dma_wait3A_1324] : memref<4x8192x1024xf32, #tpu.memory_space<hbm>> -> memref<1x32x1024xf32, #tpu.memory_space<hbm>>
    %dma_wait3A_1326 = tpu.memref_squeeze %dma_wait3A_1325 : memref<1x32x1024xf32, #tpu.memory_space<hbm>> -> memref<32x1024xf32, #tpu.memory_space<hbm>>
    %dma_wait3A_1327 = arith.constant 0 : i32
    %dma_wait3A_1328 = arith.constant 0 : i32
    %dma_wait3A_1329 = tpu.memref_slice %arg4[%dma_wait3A_1311, %dma_wait3A_1327, %dma_wait3A_1328] : memref<2x32x1024xf32, #tpu.memory_space<vmem>> -> memref<1x32x1024xf32, #tpu.memory_space<vmem>>
    %dma_wait3A_1330 = tpu.memref_squeeze %dma_wait3A_1329 : memref<1x32x1024xf32, #tpu.memory_space<vmem>> -> memref<32x1024xf32, #tpu.memory_space<vmem>>
    tpu.wait_dma2 semaphore(%dma_wait3A_1323 : memref<!tpu.dma_semaphore, #tpu.memory_space<semaphore_mem>>) src(%dma_wait3A_1330 : memref<32x1024xf32, #tpu.memory_space<vmem>>) dst(%dma_wait3A_1326 : memref<32x1024xf32, #tpu.memory_space<hbm>>)
    %add3A_1331 = arith.constant 160 : i32
    %add3A_1332 = arith.addi %mul3A_2, %add3A_1331 : i32
    %dma_wait3A_1333 = arith.constant 1 : i32
    %dma_wait3A_1334 = arith.constant 1 : i32
    %dma_wait3A_1335 = arith.constant 1 : i32
    %dma_wait3A_1336 = arith.constant 1 : i32
    %dma_wait3A_1337 = arith.constant 0 : i32
    %dma_wait3A_1338 = arith.constant 0 : i32
    %dma_wait3A_1339 = tpu.memref_slice %arg4[%dma_wait3A_1333, %dma_wait3A_1337, %dma_wait3A_1338] : memref<2x32x1024xf32, #tpu.memory_space<vmem>> -> memref<1x32x1024xf32, #tpu.memory_space<vmem>>
    %dma_wait3A_1340 = tpu.memref_squeeze %dma_wait3A_1339 : memref<1x32x1024xf32, #tpu.memory_space<vmem>> -> memref<32x1024xf32, #tpu.memory_space<vmem>>
    %dma_wait3A_1341 = arith.constant 0 : i32
    %dma_wait3A_1342 = tpu.memref_slice %arg3[%dma_wait3A_1334, %add3A_1332, %dma_wait3A_1341] : memref<4x8192x1024xf32, #tpu.memory_space<hbm>> -> memref<1x32x1024xf32, #tpu.memory_space<hbm>>
    %dma_wait3A_1343 = tpu.memref_squeeze %dma_wait3A_1342 : memref<1x32x1024xf32, #tpu.memory_space<hbm>> -> memref<32x1024xf32, #tpu.memory_space<hbm>>
    %dma_wait3A_1344 = tpu.memref_slice %arg6[%dma_wait3A_1335, %dma_wait3A_1336] : memref<2x4x!tpu.dma_semaphore, #tpu.memory_space<semaphore_mem>> -> memref<1x1x!tpu.dma_semaphore, #tpu.memory_space<semaphore_mem>>
    %dma_wait3A_1345 = tpu.memref_squeeze %dma_wait3A_1344 : memref<1x1x!tpu.dma_semaphore, #tpu.memory_space<semaphore_mem>> -> memref<!tpu.dma_semaphore, #tpu.memory_space<semaphore_mem>>
    %dma_wait3A_1346 = arith.constant 0 : i32
    %dma_wait3A_1347 = tpu.memref_slice %arg3[%dma_wait3A_1334, %add3A_1332, %dma_wait3A_1346] : memref<4x8192x1024xf32, #tpu.memory_space<hbm>> -> memref<1x32x1024xf32, #tpu.memory_space<hbm>>
    %dma_wait3A_1348 = tpu.memref_squeeze %dma_wait3A_1347 : memref<1x32x1024xf32, #tpu.memory_space<hbm>> -> memref<32x1024xf32, #tpu.memory_space<hbm>>
    %dma_wait3A_1349 = arith.constant 0 : i32
    %dma_wait3A_1350 = arith.constant 0 : i32
    %dma_wait3A_1351 = tpu.memref_slice %arg4[%dma_wait3A_1333, %dma_wait3A_1349, %dma_wait3A_1350] : memref<2x32x1024xf32, #tpu.memory_space<vmem>> -> memref<1x32x1024xf32, #tpu.memory_space<vmem>>
    %dma_wait3A_1352 = tpu.memref_squeeze %dma_wait3A_1351 : memref<1x32x1024xf32, #tpu.memory_space<vmem>> -> memref<32x1024xf32, #tpu.memory_space<vmem>>
    tpu.wait_dma2 semaphore(%dma_wait3A_1345 : memref<!tpu.dma_semaphore, #tpu.memory_space<semaphore_mem>>) src(%dma_wait3A_1352 : memref<32x1024xf32, #tpu.memory_space<vmem>>) dst(%dma_wait3A_1348 : memref<32x1024xf32, #tpu.memory_space<hbm>>)
    %add3A_1353 = arith.constant 160 : i32
    %add3A_1354 = arith.addi %mul3A_2, %add3A_1353 : i32
    %dma_wait3A_1355 = arith.constant 1 : i32
    %dma_wait3A_1356 = arith.constant 2 : i32
    %dma_wait3A_1357 = arith.constant 1 : i32
    %dma_wait3A_1358 = arith.constant 2 : i32
    %dma_wait3A_1359 = arith.constant 0 : i32
    %dma_wait3A_1360 = arith.constant 0 : i32
    %dma_wait3A_1361 = tpu.memref_slice %arg4[%dma_wait3A_1355, %dma_wait3A_1359, %dma_wait3A_1360] : memref<2x32x1024xf32, #tpu.memory_space<vmem>> -> memref<1x32x1024xf32, #tpu.memory_space<vmem>>
    %dma_wait3A_1362 = tpu.memref_squeeze %dma_wait3A_1361 : memref<1x32x1024xf32, #tpu.memory_space<vmem>> -> memref<32x1024xf32, #tpu.memory_space<vmem>>
    %dma_wait3A_1363 = arith.constant 0 : i32
    %dma_wait3A_1364 = tpu.memref_slice %arg3[%dma_wait3A_1356, %add3A_1354, %dma_wait3A_1363] : memref<4x8192x1024xf32, #tpu.memory_space<hbm>> -> memref<1x32x1024xf32, #tpu.memory_space<hbm>>
    %dma_wait3A_1365 = tpu.memref_squeeze %dma_wait3A_1364 : memref<1x32x1024xf32, #tpu.memory_space<hbm>> -> memref<32x1024xf32, #tpu.memory_space<hbm>>
    %dma_wait3A_1366 = tpu.memref_slice %arg6[%dma_wait3A_1357, %dma_wait3A_1358] : memref<2x4x!tpu.dma_semaphore, #tpu.memory_space<semaphore_mem>> -> memref<1x1x!tpu.dma_semaphore, #tpu.memory_space<semaphore_mem>>
    %dma_wait3A_1367 = tpu.memref_squeeze %dma_wait3A_1366 : memref<1x1x!tpu.dma_semaphore, #tpu.memory_space<semaphore_mem>> -> memref<!tpu.dma_semaphore, #tpu.memory_space<semaphore_mem>>
    %dma_wait3A_1368 = arith.constant 0 : i32
    %dma_wait3A_1369 = tpu.memref_slice %arg3[%dma_wait3A_1356, %add3A_1354, %dma_wait3A_1368] : memref<4x8192x1024xf32, #tpu.memory_space<hbm>> -> memref<1x32x1024xf32, #tpu.memory_space<hbm>>
    %dma_wait3A_1370 = tpu.memref_squeeze %dma_wait3A_1369 : memref<1x32x1024xf32, #tpu.memory_space<hbm>> -> memref<32x1024xf32, #tpu.memory_space<hbm>>
    %dma_wait3A_1371 = arith.constant 0 : i32
    %dma_wait3A_1372 = arith.constant 0 : i32
    %dma_wait3A_1373 = tpu.memref_slice %arg4[%dma_wait3A_1355, %dma_wait3A_1371, %dma_wait3A_1372] : memref<2x32x1024xf32, #tpu.memory_space<vmem>> -> memref<1x32x1024xf32, #tpu.memory_space<vmem>>
    %dma_wait3A_1374 = tpu.memref_squeeze %dma_wait3A_1373 : memref<1x32x1024xf32, #tpu.memory_space<vmem>> -> memref<32x1024xf32, #tpu.memory_space<vmem>>
    tpu.wait_dma2 semaphore(%dma_wait3A_1367 : memref<!tpu.dma_semaphore, #tpu.memory_space<semaphore_mem>>) src(%dma_wait3A_1374 : memref<32x1024xf32, #tpu.memory_space<vmem>>) dst(%dma_wait3A_1370 : memref<32x1024xf32, #tpu.memory_space<hbm>>)
    %add3A_1375 = arith.constant 160 : i32
    %add3A_1376 = arith.addi %mul3A_2, %add3A_1375 : i32
    %dma_wait3A_1377 = arith.constant 1 : i32
    %dma_wait3A_1378 = arith.constant 3 : i32
    %dma_wait3A_1379 = arith.constant 1 : i32
    %dma_wait3A_1380 = arith.constant 3 : i32
    %dma_wait3A_1381 = arith.constant 0 : i32
    %dma_wait3A_1382 = arith.constant 0 : i32
    %dma_wait3A_1383 = tpu.memref_slice %arg4[%dma_wait3A_1377, %dma_wait3A_1381, %dma_wait3A_1382] : memref<2x32x1024xf32, #tpu.memory_space<vmem>> -> memref<1x32x1024xf32, #tpu.memory_space<vmem>>
    %dma_wait3A_1384 = tpu.memref_squeeze %dma_wait3A_1383 : memref<1x32x1024xf32, #tpu.memory_space<vmem>> -> memref<32x1024xf32, #tpu.memory_space<vmem>>
    %dma_wait3A_1385 = arith.constant 0 : i32
    %dma_wait3A_1386 = tpu.memref_slice %arg3[%dma_wait3A_1378, %add3A_1376, %dma_wait3A_1385] : memref<4x8192x1024xf32, #tpu.memory_space<hbm>> -> memref<1x32x1024xf32, #tpu.memory_space<hbm>>
    %dma_wait3A_1387 = tpu.memref_squeeze %dma_wait3A_1386 : memref<1x32x1024xf32, #tpu.memory_space<hbm>> -> memref<32x1024xf32, #tpu.memory_space<hbm>>
    %dma_wait3A_1388 = tpu.memref_slice %arg6[%dma_wait3A_1379, %dma_wait3A_1380] : memref<2x4x!tpu.dma_semaphore, #tpu.memory_space<semaphore_mem>> -> memref<1x1x!tpu.dma_semaphore, #tpu.memory_space<semaphore_mem>>
    %dma_wait3A_1389 = tpu.memref_squeeze %dma_wait3A_1388 : memref<1x1x!tpu.dma_semaphore, #tpu.memory_space<semaphore_mem>> -> memref<!tpu.dma_semaphore, #tpu.memory_space<semaphore_mem>>
    %dma_wait3A_1390 = arith.constant 0 : i32
    %dma_wait3A_1391 = tpu.memref_slice %arg3[%dma_wait3A_1378, %add3A_1376, %dma_wait3A_1390] : memref<4x8192x1024xf32, #tpu.memory_space<hbm>> -> memref<1x32x1024xf32, #tpu.memory_space<hbm>>
    %dma_wait3A_1392 = tpu.memref_squeeze %dma_wait3A_1391 : memref<1x32x1024xf32, #tpu.memory_space<hbm>> -> memref<32x1024xf32, #tpu.memory_space<hbm>>
    %dma_wait3A_1393 = arith.constant 0 : i32
    %dma_wait3A_1394 = arith.constant 0 : i32
    %dma_wait3A_1395 = tpu.memref_slice %arg4[%dma_wait3A_1377, %dma_wait3A_1393, %dma_wait3A_1394] : memref<2x32x1024xf32, #tpu.memory_space<vmem>> -> memref<1x32x1024xf32, #tpu.memory_space<vmem>>
    %dma_wait3A_1396 = tpu.memref_squeeze %dma_wait3A_1395 : memref<1x32x1024xf32, #tpu.memory_space<vmem>> -> memref<32x1024xf32, #tpu.memory_space<vmem>>
    tpu.wait_dma2 semaphore(%dma_wait3A_1389 : memref<!tpu.dma_semaphore, #tpu.memory_space<semaphore_mem>>) src(%dma_wait3A_1396 : memref<32x1024xf32, #tpu.memory_space<vmem>>) dst(%dma_wait3A_1392 : memref<32x1024xf32, #tpu.memory_space<hbm>>)
    %add3A_1397 = arith.constant 224 : i32
    %add3A_1398 = arith.addi %mul3A_2, %add3A_1397 : i32
    %dma_start3A_1399 = arith.constant 1 : i32
    %dma_start3A_1400 = arith.constant 1 : i32
    %dma_start3A_1401 = arith.constant 0 : i32
    %dma_start3A_1402 = arith.constant 0 : i32
    %dma_start3A_1403 = tpu.memref_slice %arg4[%dma_start3A_1399, %dma_start3A_1401, %dma_start3A_1402] : memref<2x32x1024xf32, #tpu.memory_space<vmem>> -> memref<1x32x1024xf32, #tpu.memory_space<vmem>>
    %dma_start3A_1404 = tpu.memref_squeeze %dma_start3A_1403 : memref<1x32x1024xf32, #tpu.memory_space<vmem>> -> memref<32x1024xf32, #tpu.memory_space<vmem>>
    %dma_start3A_1405 = arith.constant 0 : i32
    %dma_start3A_1406 = tpu.memref_slice %arg2[%add3A_1398, %dma_start3A_1405] : memref<8192x1024xf32, #tpu.memory_space<hbm>> -> memref<32x1024xf32, #tpu.memory_space<hbm>>
    %dma_start3A_1407 = tpu.memref_slice %arg5[%dma_start3A_1400] : memref<2x!tpu.dma_semaphore, #tpu.memory_space<semaphore_mem>> -> memref<1x!tpu.dma_semaphore, #tpu.memory_space<semaphore_mem>>
    %dma_start3A_1408 = tpu.memref_squeeze %dma_start3A_1407 : memref<1x!tpu.dma_semaphore, #tpu.memory_space<semaphore_mem>> -> memref<!tpu.dma_semaphore, #tpu.memory_space<semaphore_mem>>
    %dma_start3A_1409 = arith.constant 0 : i32
    %dma_start3A_1410 = arith.constant 0 : i32
    %dma_start3A_1411 = tpu.memref_slice %arg4[%dma_start3A_1399, %dma_start3A_1409, %dma_start3A_1410] : memref<2x32x1024xf32, #tpu.memory_space<vmem>> -> memref<1x32x1024xf32, #tpu.memory_space<vmem>>
    %dma_start3A_1412 = tpu.memref_squeeze %dma_start3A_1411 : memref<1x32x1024xf32, #tpu.memory_space<vmem>> -> memref<32x1024xf32, #tpu.memory_space<vmem>>
    %dma_start3A_1413 = arith.constant 0 : i32
    %dma_start3A_1414 = tpu.memref_slice %arg2[%add3A_1398, %dma_start3A_1413] : memref<8192x1024xf32, #tpu.memory_space<hbm>> -> memref<32x1024xf32, #tpu.memory_space<hbm>>
    tpu.enqueue_dma source(%dma_start3A_1414 : memref<32x1024xf32, #tpu.memory_space<hbm>>) target(%dma_start3A_1412 : memref<32x1024xf32, #tpu.memory_space<vmem>>) target_semaphore(%dma_start3A_1408 : memref<!tpu.dma_semaphore, #tpu.memory_space<semaphore_mem>>)
    %add3A_1415 = arith.constant 224 : i32
    %add3A_1416 = arith.addi %mul3A_2, %add3A_1415 : i32
    %dma_wait3A_1417 = arith.constant 1 : i32
    %dma_wait3A_1418 = arith.constant 1 : i32
    %dma_wait3A_1419 = arith.constant 0 : i32
    %dma_wait3A_1420 = arith.constant 0 : i32
    %dma_wait3A_1421 = tpu.memref_slice %arg4[%dma_wait3A_1417, %dma_wait3A_1419, %dma_wait3A_1420] : memref<2x32x1024xf32, #tpu.memory_space<vmem>> -> memref<1x32x1024xf32, #tpu.memory_space<vmem>>
    %dma_wait3A_1422 = tpu.memref_squeeze %dma_wait3A_1421 : memref<1x32x1024xf32, #tpu.memory_space<vmem>> -> memref<32x1024xf32, #tpu.memory_space<vmem>>
    %dma_wait3A_1423 = arith.constant 0 : i32
    %dma_wait3A_1424 = tpu.memref_slice %arg2[%add3A_1416, %dma_wait3A_1423] : memref<8192x1024xf32, #tpu.memory_space<hbm>> -> memref<32x1024xf32, #tpu.memory_space<hbm>>
    %dma_wait3A_1425 = tpu.memref_slice %arg5[%dma_wait3A_1418] : memref<2x!tpu.dma_semaphore, #tpu.memory_space<semaphore_mem>> -> memref<1x!tpu.dma_semaphore, #tpu.memory_space<semaphore_mem>>
    %dma_wait3A_1426 = tpu.memref_squeeze %dma_wait3A_1425 : memref<1x!tpu.dma_semaphore, #tpu.memory_space<semaphore_mem>> -> memref<!tpu.dma_semaphore, #tpu.memory_space<semaphore_mem>>
    %dma_wait3A_1427 = arith.constant 0 : i32
    %dma_wait3A_1428 = arith.constant 0 : i32
    %dma_wait3A_1429 = tpu.memref_slice %arg4[%dma_wait3A_1417, %dma_wait3A_1427, %dma_wait3A_1428] : memref<2x32x1024xf32, #tpu.memory_space<vmem>> -> memref<1x32x1024xf32, #tpu.memory_space<vmem>>
    %dma_wait3A_1430 = tpu.memref_squeeze %dma_wait3A_1429 : memref<1x32x1024xf32, #tpu.memory_space<vmem>> -> memref<32x1024xf32, #tpu.memory_space<vmem>>
    %dma_wait3A_1431 = arith.constant 0 : i32
    %dma_wait3A_1432 = tpu.memref_slice %arg2[%add3A_1416, %dma_wait3A_1431] : memref<8192x1024xf32, #tpu.memory_space<hbm>> -> memref<32x1024xf32, #tpu.memory_space<hbm>>
    tpu.wait_dma2 semaphore(%dma_wait3A_1426 : memref<!tpu.dma_semaphore, #tpu.memory_space<semaphore_mem>>) src(%dma_wait3A_1432 : memref<32x1024xf32, #tpu.memory_space<hbm>>) dst(%dma_wait3A_1430 : memref<32x1024xf32, #tpu.memory_space<vmem>>)
    %add3A_1433 = arith.constant 224 : i32
    %add3A_1434 = arith.addi %mul3A_2, %add3A_1433 : i32
    %dma_start3A_1435 = arith.constant 1 : i32
    %dma_start3A_1436 = arith.constant 0 : i32
    %dma_start3A_1437 = arith.constant 1 : i32
    %dma_start3A_1438 = arith.constant 0 : i32
    %dma_start3A_1439 = arith.constant 0 : i32
    %dma_start3A_1440 = arith.constant 0 : i32
    %dma_start3A_1441 = tpu.memref_slice %arg4[%dma_start3A_1435, %dma_start3A_1439, %dma_start3A_1440] : memref<2x32x1024xf32, #tpu.memory_space<vmem>> -> memref<1x32x1024xf32, #tpu.memory_space<vmem>>
    %dma_start3A_1442 = tpu.memref_squeeze %dma_start3A_1441 : memref<1x32x1024xf32, #tpu.memory_space<vmem>> -> memref<32x1024xf32, #tpu.memory_space<vmem>>
    %dma_start3A_1443 = arith.constant 0 : i32
    %dma_start3A_1444 = tpu.memref_slice %arg3[%dma_start3A_1436, %add3A_1434, %dma_start3A_1443] : memref<4x8192x1024xf32, #tpu.memory_space<hbm>> -> memref<1x32x1024xf32, #tpu.memory_space<hbm>>
    %dma_start3A_1445 = tpu.memref_squeeze %dma_start3A_1444 : memref<1x32x1024xf32, #tpu.memory_space<hbm>> -> memref<32x1024xf32, #tpu.memory_space<hbm>>
    %dma_start3A_1446 = tpu.memref_slice %arg6[%dma_start3A_1437, %dma_start3A_1438] : memref<2x4x!tpu.dma_semaphore, #tpu.memory_space<semaphore_mem>> -> memref<1x1x!tpu.dma_semaphore, #tpu.memory_space<semaphore_mem>>
    %dma_start3A_1447 = tpu.memref_squeeze %dma_start3A_1446 : memref<1x1x!tpu.dma_semaphore, #tpu.memory_space<semaphore_mem>> -> memref<!tpu.dma_semaphore, #tpu.memory_space<semaphore_mem>>
    %dma_start3A_1448 = arith.constant 0 : i32
    %dma_start3A_1449 = tpu.memref_slice %arg3[%dma_start3A_1436, %add3A_1434, %dma_start3A_1448] : memref<4x8192x1024xf32, #tpu.memory_space<hbm>> -> memref<1x32x1024xf32, #tpu.memory_space<hbm>>
    %dma_start3A_1450 = tpu.memref_squeeze %dma_start3A_1449 : memref<1x32x1024xf32, #tpu.memory_space<hbm>> -> memref<32x1024xf32, #tpu.memory_space<hbm>>
    %dma_start3A_1451 = arith.constant 0 : i32
    %dma_start3A_1452 = arith.constant 0 : i32
    %dma_start3A_1453 = tpu.memref_slice %arg4[%dma_start3A_1435, %dma_start3A_1451, %dma_start3A_1452] : memref<2x32x1024xf32, #tpu.memory_space<vmem>> -> memref<1x32x1024xf32, #tpu.memory_space<vmem>>
    %dma_start3A_1454 = tpu.memref_squeeze %dma_start3A_1453 : memref<1x32x1024xf32, #tpu.memory_space<vmem>> -> memref<32x1024xf32, #tpu.memory_space<vmem>>
    tpu.enqueue_dma source(%dma_start3A_1454 : memref<32x1024xf32, #tpu.memory_space<vmem>>) target(%dma_start3A_1450 : memref<32x1024xf32, #tpu.memory_space<hbm>>) target_semaphore(%dma_start3A_1447 : memref<!tpu.dma_semaphore, #tpu.memory_space<semaphore_mem>>)
    %add3A_1455 = arith.constant 224 : i32
    %add3A_1456 = arith.addi %mul3A_2, %add3A_1455 : i32
    %dma_start3A_1457 = arith.constant 1 : i32
    %dma_start3A_1458 = arith.constant 1 : i32
    %dma_start3A_1459 = arith.constant 1 : i32
    %dma_start3A_1460 = arith.constant 1 : i32
    %dma_start3A_1461 = arith.constant 0 : i32
    %dma_start3A_1462 = arith.constant 0 : i32
    %dma_start3A_1463 = tpu.memref_slice %arg4[%dma_start3A_1457, %dma_start3A_1461, %dma_start3A_1462] : memref<2x32x1024xf32, #tpu.memory_space<vmem>> -> memref<1x32x1024xf32, #tpu.memory_space<vmem>>
    %dma_start3A_1464 = tpu.memref_squeeze %dma_start3A_1463 : memref<1x32x1024xf32, #tpu.memory_space<vmem>> -> memref<32x1024xf32, #tpu.memory_space<vmem>>
    %dma_start3A_1465 = arith.constant 0 : i32
    %dma_start3A_1466 = tpu.memref_slice %arg3[%dma_start3A_1458, %add3A_1456, %dma_start3A_1465] : memref<4x8192x1024xf32, #tpu.memory_space<hbm>> -> memref<1x32x1024xf32, #tpu.memory_space<hbm>>
    %dma_start3A_1467 = tpu.memref_squeeze %dma_start3A_1466 : memref<1x32x1024xf32, #tpu.memory_space<hbm>> -> memref<32x1024xf32, #tpu.memory_space<hbm>>
    %dma_start3A_1468 = tpu.memref_slice %arg6[%dma_start3A_1459, %dma_start3A_1460] : memref<2x4x!tpu.dma_semaphore, #tpu.memory_space<semaphore_mem>> -> memref<1x1x!tpu.dma_semaphore, #tpu.memory_space<semaphore_mem>>
    %dma_start3A_1469 = tpu.memref_squeeze %dma_start3A_1468 : memref<1x1x!tpu.dma_semaphore, #tpu.memory_space<semaphore_mem>> -> memref<!tpu.dma_semaphore, #tpu.memory_space<semaphore_mem>>
    %dma_start3A_1470 = arith.constant 0 : i32
    %dma_start3A_1471 = tpu.memref_slice %arg3[%dma_start3A_1458, %add3A_1456, %dma_start3A_1470] : memref<4x8192x1024xf32, #tpu.memory_space<hbm>> -> memref<1x32x1024xf32, #tpu.memory_space<hbm>>
    %dma_start3A_1472 = tpu.memref_squeeze %dma_start3A_1471 : memref<1x32x1024xf32, #tpu.memory_space<hbm>> -> memref<32x1024xf32, #tpu.memory_space<hbm>>
    %dma_start3A_1473 = arith.constant 0 : i32
    %dma_start3A_1474 = arith.constant 0 : i32
    %dma_start3A_1475 = tpu.memref_slice %arg4[%dma_start3A_1457, %dma_start3A_1473, %dma_start3A_1474] : memref<2x32x1024xf32, #tpu.memory_space<vmem>> -> memref<1x32x1024xf32, #tpu.memory_space<vmem>>
    %dma_start3A_1476 = tpu.memref_squeeze %dma_start3A_1475 : memref<1x32x1024xf32, #tpu.memory_space<vmem>> -> memref<32x1024xf32, #tpu.memory_space<vmem>>
    tpu.enqueue_dma source(%dma_start3A_1476 : memref<32x1024xf32, #tpu.memory_space<vmem>>) target(%dma_start3A_1472 : memref<32x1024xf32, #tpu.memory_space<hbm>>) target_semaphore(%dma_start3A_1469 : memref<!tpu.dma_semaphore, #tpu.memory_space<semaphore_mem>>)
    %add3A_1477 = arith.constant 224 : i32
    %add3A_1478 = arith.addi %mul3A_2, %add3A_1477 : i32
    %dma_start3A_1479 = arith.constant 1 : i32
    %dma_start3A_1480 = arith.constant 2 : i32
    %dma_start3A_1481 = arith.constant 1 : i32
    %dma_start3A_1482 = arith.constant 2 : i32
    %dma_start3A_1483 = arith.constant 0 : i32
    %dma_start3A_1484 = arith.constant 0 : i32
    %dma_start3A_1485 = tpu.memref_slice %arg4[%dma_start3A_1479, %dma_start3A_1483, %dma_start3A_1484] : memref<2x32x1024xf32, #tpu.memory_space<vmem>> -> memref<1x32x1024xf32, #tpu.memory_space<vmem>>
    %dma_start3A_1486 = tpu.memref_squeeze %dma_start3A_1485 : memref<1x32x1024xf32, #tpu.memory_space<vmem>> -> memref<32x1024xf32, #tpu.memory_space<vmem>>
    %dma_start3A_1487 = arith.constant 0 : i32
    %dma_start3A_1488 = tpu.memref_slice %arg3[%dma_start3A_1480, %add3A_1478, %dma_start3A_1487] : memref<4x8192x1024xf32, #tpu.memory_space<hbm>> -> memref<1x32x1024xf32, #tpu.memory_space<hbm>>
    %dma_start3A_1489 = tpu.memref_squeeze %dma_start3A_1488 : memref<1x32x1024xf32, #tpu.memory_space<hbm>> -> memref<32x1024xf32, #tpu.memory_space<hbm>>
    %dma_start3A_1490 = tpu.memref_slice %arg6[%dma_start3A_1481, %dma_start3A_1482] : memref<2x4x!tpu.dma_semaphore, #tpu.memory_space<semaphore_mem>> -> memref<1x1x!tpu.dma_semaphore, #tpu.memory_space<semaphore_mem>>
    %dma_start3A_1491 = tpu.memref_squeeze %dma_start3A_1490 : memref<1x1x!tpu.dma_semaphore, #tpu.memory_space<semaphore_mem>> -> memref<!tpu.dma_semaphore, #tpu.memory_space<semaphore_mem>>
    %dma_start3A_1492 = arith.constant 0 : i32
    %dma_start3A_1493 = tpu.memref_slice %arg3[%dma_start3A_1480, %add3A_1478, %dma_start3A_1492] : memref<4x8192x1024xf32, #tpu.memory_space<hbm>> -> memref<1x32x1024xf32, #tpu.memory_space<hbm>>
    %dma_start3A_1494 = tpu.memref_squeeze %dma_start3A_1493 : memref<1x32x1024xf32, #tpu.memory_space<hbm>> -> memref<32x1024xf32, #tpu.memory_space<hbm>>
    %dma_start3A_1495 = arith.constant 0 : i32
    %dma_start3A_1496 = arith.constant 0 : i32
    %dma_start3A_1497 = tpu.memref_slice %arg4[%dma_start3A_1479, %dma_start3A_1495, %dma_start3A_1496] : memref<2x32x1024xf32, #tpu.memory_space<vmem>> -> memref<1x32x1024xf32, #tpu.memory_space<vmem>>
    %dma_start3A_1498 = tpu.memref_squeeze %dma_start3A_1497 : memref<1x32x1024xf32, #tpu.memory_space<vmem>> -> memref<32x1024xf32, #tpu.memory_space<vmem>>
    tpu.enqueue_dma source(%dma_start3A_1498 : memref<32x1024xf32, #tpu.memory_space<vmem>>) target(%dma_start3A_1494 : memref<32x1024xf32, #tpu.memory_space<hbm>>) target_semaphore(%dma_start3A_1491 : memref<!tpu.dma_semaphore, #tpu.memory_space<semaphore_mem>>)
    %add3A_1499 = arith.constant 224 : i32
    %add3A_1500 = arith.addi %mul3A_2, %add3A_1499 : i32
    %dma_start3A_1501 = arith.constant 1 : i32
    %dma_start3A_1502 = arith.constant 3 : i32
    %dma_start3A_1503 = arith.constant 1 : i32
    %dma_start3A_1504 = arith.constant 3 : i32
    %dma_start3A_1505 = arith.constant 0 : i32
    %dma_start3A_1506 = arith.constant 0 : i32
    %dma_start3A_1507 = tpu.memref_slice %arg4[%dma_start3A_1501, %dma_start3A_1505, %dma_start3A_1506] : memref<2x32x1024xf32, #tpu.memory_space<vmem>> -> memref<1x32x1024xf32, #tpu.memory_space<vmem>>
    %dma_start3A_1508 = tpu.memref_squeeze %dma_start3A_1507 : memref<1x32x1024xf32, #tpu.memory_space<vmem>> -> memref<32x1024xf32, #tpu.memory_space<vmem>>
    %dma_start3A_1509 = arith.constant 0 : i32
    %dma_start3A_1510 = tpu.memref_slice %arg3[%dma_start3A_1502, %add3A_1500, %dma_start3A_1509] : memref<4x8192x1024xf32, #tpu.memory_space<hbm>> -> memref<1x32x1024xf32, #tpu.memory_space<hbm>>
    %dma_start3A_1511 = tpu.memref_squeeze %dma_start3A_1510 : memref<1x32x1024xf32, #tpu.memory_space<hbm>> -> memref<32x1024xf32, #tpu.memory_space<hbm>>
    %dma_start3A_1512 = tpu.memref_slice %arg6[%dma_start3A_1503, %dma_start3A_1504] : memref<2x4x!tpu.dma_semaphore, #tpu.memory_space<semaphore_mem>> -> memref<1x1x!tpu.dma_semaphore, #tpu.memory_space<semaphore_mem>>
    %dma_start3A_1513 = tpu.memref_squeeze %dma_start3A_1512 : memref<1x1x!tpu.dma_semaphore, #tpu.memory_space<semaphore_mem>> -> memref<!tpu.dma_semaphore, #tpu.memory_space<semaphore_mem>>
    %dma_start3A_1514 = arith.constant 0 : i32
    %dma_start3A_1515 = tpu.memref_slice %arg3[%dma_start3A_1502, %add3A_1500, %dma_start3A_1514] : memref<4x8192x1024xf32, #tpu.memory_space<hbm>> -> memref<1x32x1024xf32, #tpu.memory_space<hbm>>
    %dma_start3A_1516 = tpu.memref_squeeze %dma_start3A_1515 : memref<1x32x1024xf32, #tpu.memory_space<hbm>> -> memref<32x1024xf32, #tpu.memory_space<hbm>>
    %dma_start3A_1517 = arith.constant 0 : i32
    %dma_start3A_1518 = arith.constant 0 : i32
    %dma_start3A_1519 = tpu.memref_slice %arg4[%dma_start3A_1501, %dma_start3A_1517, %dma_start3A_1518] : memref<2x32x1024xf32, #tpu.memory_space<vmem>> -> memref<1x32x1024xf32, #tpu.memory_space<vmem>>
    %dma_start3A_1520 = tpu.memref_squeeze %dma_start3A_1519 : memref<1x32x1024xf32, #tpu.memory_space<vmem>> -> memref<32x1024xf32, #tpu.memory_space<vmem>>
    tpu.enqueue_dma source(%dma_start3A_1520 : memref<32x1024xf32, #tpu.memory_space<vmem>>) target(%dma_start3A_1516 : memref<32x1024xf32, #tpu.memory_space<hbm>>) target_semaphore(%dma_start3A_1513 : memref<!tpu.dma_semaphore, #tpu.memory_space<semaphore_mem>>)
    %add3A_1521 = arith.constant 192 : i32
    %add3A_1522 = arith.addi %mul3A_2, %add3A_1521 : i32
    %dma_wait3A_1523 = arith.constant 0 : i32
    %dma_wait3A_1524 = arith.constant 0 : i32
    %dma_wait3A_1525 = arith.constant 0 : i32
    %dma_wait3A_1526 = arith.constant 0 : i32
    %dma_wait3A_1527 = arith.constant 0 : i32
    %dma_wait3A_1528 = arith.constant 0 : i32
    %dma_wait3A_1529 = tpu.memref_slice %arg4[%dma_wait3A_1523, %dma_wait3A_1527, %dma_wait3A_1528] : memref<2x32x1024xf32, #tpu.memory_space<vmem>> -> memref<1x32x1024xf32, #tpu.memory_space<vmem>>
    %dma_wait3A_1530 = tpu.memref_squeeze %dma_wait3A_1529 : memref<1x32x1024xf32, #tpu.memory_space<vmem>> -> memref<32x1024xf32, #tpu.memory_space<vmem>>
    %dma_wait3A_1531 = arith.constant 0 : i32
    %dma_wait3A_1532 = tpu.memref_slice %arg3[%dma_wait3A_1524, %add3A_1522, %dma_wait3A_1531] : memref<4x8192x1024xf32, #tpu.memory_space<hbm>> -> memref<1x32x1024xf32, #tpu.memory_space<hbm>>
    %dma_wait3A_1533 = tpu.memref_squeeze %dma_wait3A_1532 : memref<1x32x1024xf32, #tpu.memory_space<hbm>> -> memref<32x1024xf32, #tpu.memory_space<hbm>>
    %dma_wait3A_1534 = tpu.memref_slice %arg6[%dma_wait3A_1525, %dma_wait3A_1526] : memref<2x4x!tpu.dma_semaphore, #tpu.memory_space<semaphore_mem>> -> memref<1x1x!tpu.dma_semaphore, #tpu.memory_space<semaphore_mem>>
    %dma_wait3A_1535 = tpu.memref_squeeze %dma_wait3A_1534 : memref<1x1x!tpu.dma_semaphore, #tpu.memory_space<semaphore_mem>> -> memref<!tpu.dma_semaphore, #tpu.memory_space<semaphore_mem>>
    %dma_wait3A_1536 = arith.constant 0 : i32
    %dma_wait3A_1537 = tpu.memref_slice %arg3[%dma_wait3A_1524, %add3A_1522, %dma_wait3A_1536] : memref<4x8192x1024xf32, #tpu.memory_space<hbm>> -> memref<1x32x1024xf32, #tpu.memory_space<hbm>>
    %dma_wait3A_1538 = tpu.memref_squeeze %dma_wait3A_1537 : memref<1x32x1024xf32, #tpu.memory_space<hbm>> -> memref<32x1024xf32, #tpu.memory_space<hbm>>
    %dma_wait3A_1539 = arith.constant 0 : i32
    %dma_wait3A_1540 = arith.constant 0 : i32
    %dma_wait3A_1541 = tpu.memref_slice %arg4[%dma_wait3A_1523, %dma_wait3A_1539, %dma_wait3A_1540] : memref<2x32x1024xf32, #tpu.memory_space<vmem>> -> memref<1x32x1024xf32, #tpu.memory_space<vmem>>
    %dma_wait3A_1542 = tpu.memref_squeeze %dma_wait3A_1541 : memref<1x32x1024xf32, #tpu.memory_space<vmem>> -> memref<32x1024xf32, #tpu.memory_space<vmem>>
    tpu.wait_dma2 semaphore(%dma_wait3A_1535 : memref<!tpu.dma_semaphore, #tpu.memory_space<semaphore_mem>>) src(%dma_wait3A_1542 : memref<32x1024xf32, #tpu.memory_space<vmem>>) dst(%dma_wait3A_1538 : memref<32x1024xf32, #tpu.memory_space<hbm>>)
    %add3A_1543 = arith.constant 192 : i32
    %add3A_1544 = arith.addi %mul3A_2, %add3A_1543 : i32
    %dma_wait3A_1545 = arith.constant 0 : i32
    %dma_wait3A_1546 = arith.constant 1 : i32
    %dma_wait3A_1547 = arith.constant 0 : i32
    %dma_wait3A_1548 = arith.constant 1 : i32
    %dma_wait3A_1549 = arith.constant 0 : i32
    %dma_wait3A_1550 = arith.constant 0 : i32
    %dma_wait3A_1551 = tpu.memref_slice %arg4[%dma_wait3A_1545, %dma_wait3A_1549, %dma_wait3A_1550] : memref<2x32x1024xf32, #tpu.memory_space<vmem>> -> memref<1x32x1024xf32, #tpu.memory_space<vmem>>
    %dma_wait3A_1552 = tpu.memref_squeeze %dma_wait3A_1551 : memref<1x32x1024xf32, #tpu.memory_space<vmem>> -> memref<32x1024xf32, #tpu.memory_space<vmem>>
    %dma_wait3A_1553 = arith.constant 0 : i32
    %dma_wait3A_1554 = tpu.memref_slice %arg3[%dma_wait3A_1546, %add3A_1544, %dma_wait3A_1553] : memref<4x8192x1024xf32, #tpu.memory_space<hbm>> -> memref<1x32x1024xf32, #tpu.memory_space<hbm>>
    %dma_wait3A_1555 = tpu.memref_squeeze %dma_wait3A_1554 : memref<1x32x1024xf32, #tpu.memory_space<hbm>> -> memref<32x1024xf32, #tpu.memory_space<hbm>>
    %dma_wait3A_1556 = tpu.memref_slice %arg6[%dma_wait3A_1547, %dma_wait3A_1548] : memref<2x4x!tpu.dma_semaphore, #tpu.memory_space<semaphore_mem>> -> memref<1x1x!tpu.dma_semaphore, #tpu.memory_space<semaphore_mem>>
    %dma_wait3A_1557 = tpu.memref_squeeze %dma_wait3A_1556 : memref<1x1x!tpu.dma_semaphore, #tpu.memory_space<semaphore_mem>> -> memref<!tpu.dma_semaphore, #tpu.memory_space<semaphore_mem>>
    %dma_wait3A_1558 = arith.constant 0 : i32
    %dma_wait3A_1559 = tpu.memref_slice %arg3[%dma_wait3A_1546, %add3A_1544, %dma_wait3A_1558] : memref<4x8192x1024xf32, #tpu.memory_space<hbm>> -> memref<1x32x1024xf32, #tpu.memory_space<hbm>>
    %dma_wait3A_1560 = tpu.memref_squeeze %dma_wait3A_1559 : memref<1x32x1024xf32, #tpu.memory_space<hbm>> -> memref<32x1024xf32, #tpu.memory_space<hbm>>
    %dma_wait3A_1561 = arith.constant 0 : i32
    %dma_wait3A_1562 = arith.constant 0 : i32
    %dma_wait3A_1563 = tpu.memref_slice %arg4[%dma_wait3A_1545, %dma_wait3A_1561, %dma_wait3A_1562] : memref<2x32x1024xf32, #tpu.memory_space<vmem>> -> memref<1x32x1024xf32, #tpu.memory_space<vmem>>
    %dma_wait3A_1564 = tpu.memref_squeeze %dma_wait3A_1563 : memref<1x32x1024xf32, #tpu.memory_space<vmem>> -> memref<32x1024xf32, #tpu.memory_space<vmem>>
    tpu.wait_dma2 semaphore(%dma_wait3A_1557 : memref<!tpu.dma_semaphore, #tpu.memory_space<semaphore_mem>>) src(%dma_wait3A_1564 : memref<32x1024xf32, #tpu.memory_space<vmem>>) dst(%dma_wait3A_1560 : memref<32x1024xf32, #tpu.memory_space<hbm>>)
    %add3A_1565 = arith.constant 192 : i32
    %add3A_1566 = arith.addi %mul3A_2, %add3A_1565 : i32
    %dma_wait3A_1567 = arith.constant 0 : i32
    %dma_wait3A_1568 = arith.constant 2 : i32
    %dma_wait3A_1569 = arith.constant 0 : i32
    %dma_wait3A_1570 = arith.constant 2 : i32
    %dma_wait3A_1571 = arith.constant 0 : i32
    %dma_wait3A_1572 = arith.constant 0 : i32
    %dma_wait3A_1573 = tpu.memref_slice %arg4[%dma_wait3A_1567, %dma_wait3A_1571, %dma_wait3A_1572] : memref<2x32x1024xf32, #tpu.memory_space<vmem>> -> memref<1x32x1024xf32, #tpu.memory_space<vmem>>
    %dma_wait3A_1574 = tpu.memref_squeeze %dma_wait3A_1573 : memref<1x32x1024xf32, #tpu.memory_space<vmem>> -> memref<32x1024xf32, #tpu.memory_space<vmem>>
    %dma_wait3A_1575 = arith.constant 0 : i32
    %dma_wait3A_1576 = tpu.memref_slice %arg3[%dma_wait3A_1568, %add3A_1566, %dma_wait3A_1575] : memref<4x8192x1024xf32, #tpu.memory_space<hbm>> -> memref<1x32x1024xf32, #tpu.memory_space<hbm>>
    %dma_wait3A_1577 = tpu.memref_squeeze %dma_wait3A_1576 : memref<1x32x1024xf32, #tpu.memory_space<hbm>> -> memref<32x1024xf32, #tpu.memory_space<hbm>>
    %dma_wait3A_1578 = tpu.memref_slice %arg6[%dma_wait3A_1569, %dma_wait3A_1570] : memref<2x4x!tpu.dma_semaphore, #tpu.memory_space<semaphore_mem>> -> memref<1x1x!tpu.dma_semaphore, #tpu.memory_space<semaphore_mem>>
    %dma_wait3A_1579 = tpu.memref_squeeze %dma_wait3A_1578 : memref<1x1x!tpu.dma_semaphore, #tpu.memory_space<semaphore_mem>> -> memref<!tpu.dma_semaphore, #tpu.memory_space<semaphore_mem>>
    %dma_wait3A_1580 = arith.constant 0 : i32
    %dma_wait3A_1581 = tpu.memref_slice %arg3[%dma_wait3A_1568, %add3A_1566, %dma_wait3A_1580] : memref<4x8192x1024xf32, #tpu.memory_space<hbm>> -> memref<1x32x1024xf32, #tpu.memory_space<hbm>>
    %dma_wait3A_1582 = tpu.memref_squeeze %dma_wait3A_1581 : memref<1x32x1024xf32, #tpu.memory_space<hbm>> -> memref<32x1024xf32, #tpu.memory_space<hbm>>
    %dma_wait3A_1583 = arith.constant 0 : i32
    %dma_wait3A_1584 = arith.constant 0 : i32
    %dma_wait3A_1585 = tpu.memref_slice %arg4[%dma_wait3A_1567, %dma_wait3A_1583, %dma_wait3A_1584] : memref<2x32x1024xf32, #tpu.memory_space<vmem>> -> memref<1x32x1024xf32, #tpu.memory_space<vmem>>
    %dma_wait3A_1586 = tpu.memref_squeeze %dma_wait3A_1585 : memref<1x32x1024xf32, #tpu.memory_space<vmem>> -> memref<32x1024xf32, #tpu.memory_space<vmem>>
    tpu.wait_dma2 semaphore(%dma_wait3A_1579 : memref<!tpu.dma_semaphore, #tpu.memory_space<semaphore_mem>>) src(%dma_wait3A_1586 : memref<32x1024xf32, #tpu.memory_space<vmem>>) dst(%dma_wait3A_1582 : memref<32x1024xf32, #tpu.memory_space<hbm>>)
    %add3A_1587 = arith.constant 192 : i32
    %add3A_1588 = arith.addi %mul3A_2, %add3A_1587 : i32
    %dma_wait3A_1589 = arith.constant 0 : i32
    %dma_wait3A_1590 = arith.constant 3 : i32
    %dma_wait3A_1591 = arith.constant 0 : i32
    %dma_wait3A_1592 = arith.constant 3 : i32
    %dma_wait3A_1593 = arith.constant 0 : i32
    %dma_wait3A_1594 = arith.constant 0 : i32
    %dma_wait3A_1595 = tpu.memref_slice %arg4[%dma_wait3A_1589, %dma_wait3A_1593, %dma_wait3A_1594] : memref<2x32x1024xf32, #tpu.memory_space<vmem>> -> memref<1x32x1024xf32, #tpu.memory_space<vmem>>
    %dma_wait3A_1596 = tpu.memref_squeeze %dma_wait3A_1595 : memref<1x32x1024xf32, #tpu.memory_space<vmem>> -> memref<32x1024xf32, #tpu.memory_space<vmem>>
    %dma_wait3A_1597 = arith.constant 0 : i32
    %dma_wait3A_1598 = tpu.memref_slice %arg3[%dma_wait3A_1590, %add3A_1588, %dma_wait3A_1597] : memref<4x8192x1024xf32, #tpu.memory_space<hbm>> -> memref<1x32x1024xf32, #tpu.memory_space<hbm>>
    %dma_wait3A_1599 = tpu.memref_squeeze %dma_wait3A_1598 : memref<1x32x1024xf32, #tpu.memory_space<hbm>> -> memref<32x1024xf32, #tpu.memory_space<hbm>>
    %dma_wait3A_1600 = tpu.memref_slice %arg6[%dma_wait3A_1591, %dma_wait3A_1592] : memref<2x4x!tpu.dma_semaphore, #tpu.memory_space<semaphore_mem>> -> memref<1x1x!tpu.dma_semaphore, #tpu.memory_space<semaphore_mem>>
    %dma_wait3A_1601 = tpu.memref_squeeze %dma_wait3A_1600 : memref<1x1x!tpu.dma_semaphore, #tpu.memory_space<semaphore_mem>> -> memref<!tpu.dma_semaphore, #tpu.memory_space<semaphore_mem>>
    %dma_wait3A_1602 = arith.constant 0 : i32
    %dma_wait3A_1603 = tpu.memref_slice %arg3[%dma_wait3A_1590, %add3A_1588, %dma_wait3A_1602] : memref<4x8192x1024xf32, #tpu.memory_space<hbm>> -> memref<1x32x1024xf32, #tpu.memory_space<hbm>>
    %dma_wait3A_1604 = tpu.memref_squeeze %dma_wait3A_1603 : memref<1x32x1024xf32, #tpu.memory_space<hbm>> -> memref<32x1024xf32, #tpu.memory_space<hbm>>
    %dma_wait3A_1605 = arith.constant 0 : i32
    %dma_wait3A_1606 = arith.constant 0 : i32
    %dma_wait3A_1607 = tpu.memref_slice %arg4[%dma_wait3A_1589, %dma_wait3A_1605, %dma_wait3A_1606] : memref<2x32x1024xf32, #tpu.memory_space<vmem>> -> memref<1x32x1024xf32, #tpu.memory_space<vmem>>
    %dma_wait3A_1608 = tpu.memref_squeeze %dma_wait3A_1607 : memref<1x32x1024xf32, #tpu.memory_space<vmem>> -> memref<32x1024xf32, #tpu.memory_space<vmem>>
    tpu.wait_dma2 semaphore(%dma_wait3A_1601 : memref<!tpu.dma_semaphore, #tpu.memory_space<semaphore_mem>>) src(%dma_wait3A_1608 : memref<32x1024xf32, #tpu.memory_space<vmem>>) dst(%dma_wait3A_1604 : memref<32x1024xf32, #tpu.memory_space<hbm>>)
    %add3A_1609 = arith.constant 224 : i32
    %add3A_1610 = arith.addi %mul3A_2, %add3A_1609 : i32
    %dma_wait3A_1611 = arith.constant 1 : i32
    %dma_wait3A_1612 = arith.constant 0 : i32
    %dma_wait3A_1613 = arith.constant 1 : i32
    %dma_wait3A_1614 = arith.constant 0 : i32
    %dma_wait3A_1615 = arith.constant 0 : i32
    %dma_wait3A_1616 = arith.constant 0 : i32
    %dma_wait3A_1617 = tpu.memref_slice %arg4[%dma_wait3A_1611, %dma_wait3A_1615, %dma_wait3A_1616] : memref<2x32x1024xf32, #tpu.memory_space<vmem>> -> memref<1x32x1024xf32, #tpu.memory_space<vmem>>
    %dma_wait3A_1618 = tpu.memref_squeeze %dma_wait3A_1617 : memref<1x32x1024xf32, #tpu.memory_space<vmem>> -> memref<32x1024xf32, #tpu.memory_space<vmem>>
    %dma_wait3A_1619 = arith.constant 0 : i32
    %dma_wait3A_1620 = tpu.memref_slice %arg3[%dma_wait3A_1612, %add3A_1610, %dma_wait3A_1619] : memref<4x8192x1024xf32, #tpu.memory_space<hbm>> -> memref<1x32x1024xf32, #tpu.memory_space<hbm>>
    %dma_wait3A_1621 = tpu.memref_squeeze %dma_wait3A_1620 : memref<1x32x1024xf32, #tpu.memory_space<hbm>> -> memref<32x1024xf32, #tpu.memory_space<hbm>>
    %dma_wait3A_1622 = tpu.memref_slice %arg6[%dma_wait3A_1613, %dma_wait3A_1614] : memref<2x4x!tpu.dma_semaphore, #tpu.memory_space<semaphore_mem>> -> memref<1x1x!tpu.dma_semaphore, #tpu.memory_space<semaphore_mem>>
    %dma_wait3A_1623 = tpu.memref_squeeze %dma_wait3A_1622 : memref<1x1x!tpu.dma_semaphore, #tpu.memory_space<semaphore_mem>> -> memref<!tpu.dma_semaphore, #tpu.memory_space<semaphore_mem>>
    %dma_wait3A_1624 = arith.constant 0 : i32
    %dma_wait3A_1625 = tpu.memref_slice %arg3[%dma_wait3A_1612, %add3A_1610, %dma_wait3A_1624] : memref<4x8192x1024xf32, #tpu.memory_space<hbm>> -> memref<1x32x1024xf32, #tpu.memory_space<hbm>>
    %dma_wait3A_1626 = tpu.memref_squeeze %dma_wait3A_1625 : memref<1x32x1024xf32, #tpu.memory_space<hbm>> -> memref<32x1024xf32, #tpu.memory_space<hbm>>
    %dma_wait3A_1627 = arith.constant 0 : i32
    %dma_wait3A_1628 = arith.constant 0 : i32
    %dma_wait3A_1629 = tpu.memref_slice %arg4[%dma_wait3A_1611, %dma_wait3A_1627, %dma_wait3A_1628] : memref<2x32x1024xf32, #tpu.memory_space<vmem>> -> memref<1x32x1024xf32, #tpu.memory_space<vmem>>
    %dma_wait3A_1630 = tpu.memref_squeeze %dma_wait3A_1629 : memref<1x32x1024xf32, #tpu.memory_space<vmem>> -> memref<32x1024xf32, #tpu.memory_space<vmem>>
    tpu.wait_dma2 semaphore(%dma_wait3A_1623 : memref<!tpu.dma_semaphore, #tpu.memory_space<semaphore_mem>>) src(%dma_wait3A_1630 : memref<32x1024xf32, #tpu.memory_space<vmem>>) dst(%dma_wait3A_1626 : memref<32x1024xf32, #tpu.memory_space<hbm>>)
    %add3A_1631 = arith.constant 224 : i32
    %add3A_1632 = arith.addi %mul3A_2, %add3A_1631 : i32
    %dma_wait3A_1633 = arith.constant 1 : i32
    %dma_wait3A_1634 = arith.constant 1 : i32
    %dma_wait3A_1635 = arith.constant 1 : i32
    %dma_wait3A_1636 = arith.constant 1 : i32
    %dma_wait3A_1637 = arith.constant 0 : i32
    %dma_wait3A_1638 = arith.constant 0 : i32
    %dma_wait3A_1639 = tpu.memref_slice %arg4[%dma_wait3A_1633, %dma_wait3A_1637, %dma_wait3A_1638] : memref<2x32x1024xf32, #tpu.memory_space<vmem>> -> memref<1x32x1024xf32, #tpu.memory_space<vmem>>
    %dma_wait3A_1640 = tpu.memref_squeeze %dma_wait3A_1639 : memref<1x32x1024xf32, #tpu.memory_space<vmem>> -> memref<32x1024xf32, #tpu.memory_space<vmem>>
    %dma_wait3A_1641 = arith.constant 0 : i32
    %dma_wait3A_1642 = tpu.memref_slice %arg3[%dma_wait3A_1634, %add3A_1632, %dma_wait3A_1641] : memref<4x8192x1024xf32, #tpu.memory_space<hbm>> -> memref<1x32x1024xf32, #tpu.memory_space<hbm>>
    %dma_wait3A_1643 = tpu.memref_squeeze %dma_wait3A_1642 : memref<1x32x1024xf32, #tpu.memory_space<hbm>> -> memref<32x1024xf32, #tpu.memory_space<hbm>>
    %dma_wait3A_1644 = tpu.memref_slice %arg6[%dma_wait3A_1635, %dma_wait3A_1636] : memref<2x4x!tpu.dma_semaphore, #tpu.memory_space<semaphore_mem>> -> memref<1x1x!tpu.dma_semaphore, #tpu.memory_space<semaphore_mem>>
    %dma_wait3A_1645 = tpu.memref_squeeze %dma_wait3A_1644 : memref<1x1x!tpu.dma_semaphore, #tpu.memory_space<semaphore_mem>> -> memref<!tpu.dma_semaphore, #tpu.memory_space<semaphore_mem>>
    %dma_wait3A_1646 = arith.constant 0 : i32
    %dma_wait3A_1647 = tpu.memref_slice %arg3[%dma_wait3A_1634, %add3A_1632, %dma_wait3A_1646] : memref<4x8192x1024xf32, #tpu.memory_space<hbm>> -> memref<1x32x1024xf32, #tpu.memory_space<hbm>>
    %dma_wait3A_1648 = tpu.memref_squeeze %dma_wait3A_1647 : memref<1x32x1024xf32, #tpu.memory_space<hbm>> -> memref<32x1024xf32, #tpu.memory_space<hbm>>
    %dma_wait3A_1649 = arith.constant 0 : i32
    %dma_wait3A_1650 = arith.constant 0 : i32
    %dma_wait3A_1651 = tpu.memref_slice %arg4[%dma_wait3A_1633, %dma_wait3A_1649, %dma_wait3A_1650] : memref<2x32x1024xf32, #tpu.memory_space<vmem>> -> memref<1x32x1024xf32, #tpu.memory_space<vmem>>
    %dma_wait3A_1652 = tpu.memref_squeeze %dma_wait3A_1651 : memref<1x32x1024xf32, #tpu.memory_space<vmem>> -> memref<32x1024xf32, #tpu.memory_space<vmem>>
    tpu.wait_dma2 semaphore(%dma_wait3A_1645 : memref<!tpu.dma_semaphore, #tpu.memory_space<semaphore_mem>>) src(%dma_wait3A_1652 : memref<32x1024xf32, #tpu.memory_space<vmem>>) dst(%dma_wait3A_1648 : memref<32x1024xf32, #tpu.memory_space<hbm>>)
    %add3A_1653 = arith.constant 224 : i32
    %add3A_1654 = arith.addi %mul3A_2, %add3A_1653 : i32
    %dma_wait3A_1655 = arith.constant 1 : i32
    %dma_wait3A_1656 = arith.constant 2 : i32
    %dma_wait3A_1657 = arith.constant 1 : i32
    %dma_wait3A_1658 = arith.constant 2 : i32
    %dma_wait3A_1659 = arith.constant 0 : i32
    %dma_wait3A_1660 = arith.constant 0 : i32
    %dma_wait3A_1661 = tpu.memref_slice %arg4[%dma_wait3A_1655, %dma_wait3A_1659, %dma_wait3A_1660] : memref<2x32x1024xf32, #tpu.memory_space<vmem>> -> memref<1x32x1024xf32, #tpu.memory_space<vmem>>
    %dma_wait3A_1662 = tpu.memref_squeeze %dma_wait3A_1661 : memref<1x32x1024xf32, #tpu.memory_space<vmem>> -> memref<32x1024xf32, #tpu.memory_space<vmem>>
    %dma_wait3A_1663 = arith.constant 0 : i32
    %dma_wait3A_1664 = tpu.memref_slice %arg3[%dma_wait3A_1656, %add3A_1654, %dma_wait3A_1663] : memref<4x8192x1024xf32, #tpu.memory_space<hbm>> -> memref<1x32x1024xf32, #tpu.memory_space<hbm>>
    %dma_wait3A_1665 = tpu.memref_squeeze %dma_wait3A_1664 : memref<1x32x1024xf32, #tpu.memory_space<hbm>> -> memref<32x1024xf32, #tpu.memory_space<hbm>>
    %dma_wait3A_1666 = tpu.memref_slice %arg6[%dma_wait3A_1657, %dma_wait3A_1658] : memref<2x4x!tpu.dma_semaphore, #tpu.memory_space<semaphore_mem>> -> memref<1x1x!tpu.dma_semaphore, #tpu.memory_space<semaphore_mem>>
    %dma_wait3A_1667 = tpu.memref_squeeze %dma_wait3A_1666 : memref<1x1x!tpu.dma_semaphore, #tpu.memory_space<semaphore_mem>> -> memref<!tpu.dma_semaphore, #tpu.memory_space<semaphore_mem>>
    %dma_wait3A_1668 = arith.constant 0 : i32
    %dma_wait3A_1669 = tpu.memref_slice %arg3[%dma_wait3A_1656, %add3A_1654, %dma_wait3A_1668] : memref<4x8192x1024xf32, #tpu.memory_space<hbm>> -> memref<1x32x1024xf32, #tpu.memory_space<hbm>>
    %dma_wait3A_1670 = tpu.memref_squeeze %dma_wait3A_1669 : memref<1x32x1024xf32, #tpu.memory_space<hbm>> -> memref<32x1024xf32, #tpu.memory_space<hbm>>
    %dma_wait3A_1671 = arith.constant 0 : i32
    %dma_wait3A_1672 = arith.constant 0 : i32
    %dma_wait3A_1673 = tpu.memref_slice %arg4[%dma_wait3A_1655, %dma_wait3A_1671, %dma_wait3A_1672] : memref<2x32x1024xf32, #tpu.memory_space<vmem>> -> memref<1x32x1024xf32, #tpu.memory_space<vmem>>
    %dma_wait3A_1674 = tpu.memref_squeeze %dma_wait3A_1673 : memref<1x32x1024xf32, #tpu.memory_space<vmem>> -> memref<32x1024xf32, #tpu.memory_space<vmem>>
    tpu.wait_dma2 semaphore(%dma_wait3A_1667 : memref<!tpu.dma_semaphore, #tpu.memory_space<semaphore_mem>>) src(%dma_wait3A_1674 : memref<32x1024xf32, #tpu.memory_space<vmem>>) dst(%dma_wait3A_1670 : memref<32x1024xf32, #tpu.memory_space<hbm>>)
    %add3A_1675 = arith.constant 224 : i32
    %add3A_1676 = arith.addi %mul3A_2, %add3A_1675 : i32
    %dma_wait3A_1677 = arith.constant 1 : i32
    %dma_wait3A_1678 = arith.constant 3 : i32
    %dma_wait3A_1679 = arith.constant 1 : i32
    %dma_wait3A_1680 = arith.constant 3 : i32
    %dma_wait3A_1681 = arith.constant 0 : i32
    %dma_wait3A_1682 = arith.constant 0 : i32
    %dma_wait3A_1683 = tpu.memref_slice %arg4[%dma_wait3A_1677, %dma_wait3A_1681, %dma_wait3A_1682] : memref<2x32x1024xf32, #tpu.memory_space<vmem>> -> memref<1x32x1024xf32, #tpu.memory_space<vmem>>
    %dma_wait3A_1684 = tpu.memref_squeeze %dma_wait3A_1683 : memref<1x32x1024xf32, #tpu.memory_space<vmem>> -> memref<32x1024xf32, #tpu.memory_space<vmem>>
    %dma_wait3A_1685 = arith.constant 0 : i32
    %dma_wait3A_1686 = tpu.memref_slice %arg3[%dma_wait3A_1678, %add3A_1676, %dma_wait3A_1685] : memref<4x8192x1024xf32, #tpu.memory_space<hbm>> -> memref<1x32x1024xf32, #tpu.memory_space<hbm>>
    %dma_wait3A_1687 = tpu.memref_squeeze %dma_wait3A_1686 : memref<1x32x1024xf32, #tpu.memory_space<hbm>> -> memref<32x1024xf32, #tpu.memory_space<hbm>>
    %dma_wait3A_1688 = tpu.memref_slice %arg6[%dma_wait3A_1679, %dma_wait3A_1680] : memref<2x4x!tpu.dma_semaphore, #tpu.memory_space<semaphore_mem>> -> memref<1x1x!tpu.dma_semaphore, #tpu.memory_space<semaphore_mem>>
    %dma_wait3A_1689 = tpu.memref_squeeze %dma_wait3A_1688 : memref<1x1x!tpu.dma_semaphore, #tpu.memory_space<semaphore_mem>> -> memref<!tpu.dma_semaphore, #tpu.memory_space<semaphore_mem>>
    %dma_wait3A_1690 = arith.constant 0 : i32
    %dma_wait3A_1691 = tpu.memref_slice %arg3[%dma_wait3A_1678, %add3A_1676, %dma_wait3A_1690] : memref<4x8192x1024xf32, #tpu.memory_space<hbm>> -> memref<1x32x1024xf32, #tpu.memory_space<hbm>>
    %dma_wait3A_1692 = tpu.memref_squeeze %dma_wait3A_1691 : memref<1x32x1024xf32, #tpu.memory_space<hbm>> -> memref<32x1024xf32, #tpu.memory_space<hbm>>
    %dma_wait3A_1693 = arith.constant 0 : i32
    %dma_wait3A_1694 = arith.constant 0 : i32
    %dma_wait3A_1695 = tpu.memref_slice %arg4[%dma_wait3A_1677, %dma_wait3A_1693, %dma_wait3A_1694] : memref<2x32x1024xf32, #tpu.memory_space<vmem>> -> memref<1x32x1024xf32, #tpu.memory_space<vmem>>
    %dma_wait3A_1696 = tpu.memref_squeeze %dma_wait3A_1695 : memref<1x32x1024xf32, #tpu.memory_space<vmem>> -> memref<32x1024xf32, #tpu.memory_space<vmem>>
    tpu.wait_dma2 semaphore(%dma_wait3A_1689 : memref<!tpu.dma_semaphore, #tpu.memory_space<semaphore_mem>>) src(%dma_wait3A_1696 : memref<32x1024xf32, #tpu.memory_space<vmem>>) dst(%dma_wait3A_1692 : memref<32x1024xf32, #tpu.memory_space<hbm>>)
    return
  }
}

</mosaic_0001>

<sc_bundles>
// kernel: kernel.3.cloned.1.call-start
scs
__scs_entry_jumppad:
0x0: {  	(pc) =	sbr.rel $0x88, $3  }
0x1: {  	(tag) =	ssettag $0x0;
	lr =	simm.s32 $0x1  }
0x2: {  	[smem:$0x3FA0] =	sst lr;
	_ =	strace $0xD0000000  }
0x3: {  	_ = 	snop  }
0x4: {  	_ = 	snop  }
0x5: {  	_ = 	snop  }
0x6: {  	_ = 	snop  }
0x7: {  	_ = 	snop  }
__scs_overlays_trampoline_lowered:
0x8: {  	[smem:$0x3FAF] =	sst s0  }
0x9: {  	[smem:$0x3FB0] =	sst s1  }
0xa: {  	[smem:$0x3FB1] =	sst s2  }
0xb: {  	[smem:$0x3FB2] =	sst s3  }
0xc: {  	[smem:$0x3FB3] =	sst s4  }
0xd: {  	[smem:$0x3FB4] =	sst s5  }
0xe: {  	[smem:$0x3FB5] =	sst s6  }
0xf: {  	[smem:$0x3FB6] =	sst s7  }
0x10: {  	[smem:$0x3FB7] =	sst s8  }
0x11: {  	[smem:$0x3FB8] =	sst s9;
	s0 =	simm.s32 @!p0 $0x0  }
0x12: {  	s1 =	sld [smem:$0x3F9E];
	s0 =	simm.s32 @p0 $0x1  }
0x13: {  	[smem:$0x3FB9] =	sst s0;
	s0 =	simm.s32 @!p1 $0x0  }
0x14: {  	s2 =	sld [smem:$0x3F9D];
	s0 =	simm.s32 @p1 $0x1  }
0x15: {  	[smem:$0x3FBA] =	sst s0;
	s0 =	simm.s32 @!p2 $0x0  }
0x16: {  	s3 =	sld [smem:$0x3FDB];
	s0 =	simm.s32 @p2 $0x1  }
0x17: {  	s4 =	simm.s32 $0x1BF5;
	[smem:$0x3FBC] =	sst s0  }
0x18: {  	s0 =	sld [smem:$0x3F9F];
	_ =	swait.ge [sflag:s4], $0x0  }
0x19: {  	s7 =	sld [smem:$0x3FA0]  }
0x1a: {  	s8 =	sadd.s32 $0xFFFFE003, lr  }
0x1b: {  	s9 =	sadd.s32 $0xFFFFFEF7, lr;
	s5 =	simm.s32 $0xFFFFFFFF;
	p2 =	slt.u32 s8, $0xFFFFF086  }
0x1c: {  	p1 =	slt.u32 s9, $0xF7A;
	s5 =	simm.s32 @!p2 $0x0  }
0x1d: {  	s5 =	simm.s32 @p1 $0x1;
	p0 =	seq.s32 s7, s2  }
0x1e: {  	s7 =	smul.u32 @!p0 $0xF7A, s2;
	p2 =	seq.s32 @!p0 s5, $0x0  }
0x1f: {  	s9 =	smul.u32 $0xF7A, s1;
	s8 =	simm.s32 @!p0 $0x1BF5;
	p2 =	por !p2, p0  }
0x20: {  	[sflag:s8] =	ssyncset.s32 @!p0 $0xFFFFF086;
	s6 =	sadd.s32 @!p0 s3, s7;
	s7 =	simm.s32 @!p0 $0x108  }
0x21: {  	s3 =	sadd.s32 s3, s9;
	s6 =	sadd.s32 @!p0 $0x88, s6;
	s7 =	simm.s32 @p2 $0x1082  }
0x22: {  	[simem:s7], [sflag:s8] =	dma.local @!p0 [hbm:s6], $0xF7A  }
0x23: {  	s9 =	sor.u32 $0xD0000000, s2;
	s6 =	simm.s32 $0x108;
	_ =	swait.ge @!p0 [sflag:s8], $0x0  }
0x24: {  	s3 =	sadd.s32 $0x88, s3;
	s6 =	simm.s32 @!p1 $0x1082;
	[sflag:s4] =	ssyncset.s32 $0xFFFFF086  }
0x25: {  	[simem:s6], [sflag:s4] =	dma.local [hbm:s3], $0xF7A  }
0x26: {  	[smem:$0x3FA0] =	sst s1;
	(tag) =	ssettag s2;
	_ =	strace s9  }
0x27: {  	s1 =	sld [smem:$0x3FB0]  }
0x28: {  	s2 =	sld [smem:$0x3FB1]  }
0x29: {  	s4 =	sld [smem:$0x3FB3]  }
0x2a: {  	p0 =	seq.s32 s5, $0x0;
	s5 =	sld [smem:$0x3FB4]  }
0x2b: {  	s6 =	sld [smem:$0x3FB5]  }
0x2c: {  	s7 =	sld [smem:$0x3FB6]  }
0x2d: {  	s3 =	simm.s32 $0x108;
	s8 =	sld [smem:$0x3FB7]  }
0x2e: {  	s3 =	simm.s32 @!p0 $0x1082;
	s9 =	sld [smem:$0x3FB8]  }
0x2f: {  	lr =	sadd.s32 s0, s3;
	s0 =	sld [smem:$0x3FAF]  }
0x30: {  	s3 =	sld [smem:$0x3FB2]  }
0x31: {  	[smem:$0x3FBB] =	sst s10  }
0x32: {  	s10 =	sld [smem:$0x3FB9];
	_ =	sdelay $0x3  }
0x33: {  	p0 =	seq.s32 s10, $0x1;
	s10 =	sld [smem:$0x3FBB];
	_ =	sdelay $0x3  }
0x34: {  	[smem:$0x3FBB] =	sst s10  }
0x35: {  	s10 =	sld [smem:$0x3FBA];
	_ =	sdelay $0x3  }
0x36: {  	p1 =	seq.s32 s10, $0x1;
	s10 =	sld [smem:$0x3FBB];
	_ =	sdelay $0x3  }
0x37: {  	[smem:$0x3FBB] =	sst s10  }
0x38: {  	s10 =	sld [smem:$0x3FBC]  }
0x39: {  	_ = 	snop;
	(pc) =	sbr.ind lr, $3  }
0x3a: {  	_ = 	snop  }
0x3b: {  	_ = 	snop  }
0x3c: {  	p2 =	seq.s32 s10, $0x1;
	s10 =	sld [smem:$0x3FBB]  }
0x3d: {  	_ =	shalt  }
0x3e: {  	_ =	shalt  }
0x3f: {  	_ =	shalt  }
0x40: {  	_ =	shalt  }
0x41: {  	_ =	shalt  }
0x42: {  	_ =	shalt  }
0x43: {  	_ =	shalt  }
0x44: {  	_ =	shalt  }
0x45: {  	_ =	shalt  }
0x46: {  	_ =	shalt  }
0x47: {  	_ =	shalt  }
0x48: {  	_ =	shalt  }
0x49: {  	_ =	shalt  }
0x4a: {  	_ =	shalt  }
0x4b: {  	_ =	shalt  }
0x4c: {  	_ =	shalt  }
0x4d: {  	_ =	shalt  }
0x4e: {  	_ =	shalt  }
0x4f: {  	_ =	shalt  }
0x50: {  	_ =	shalt  }
0x51: {  	_ =	shalt  }
0x52: {  	_ =	shalt  }
0x53: {  	_ =	shalt  }
0x54: {  	_ =	shalt  }
0x55: {  	_ =	shalt  }
0x56: {  	_ =	shalt  }
0x57: {  	_ =	shalt  }
0x58: {  	_ =	shalt  }
0x59: {  	_ =	shalt  }
0x5a: {  	_ =	shalt  }
0x5b: {  	_ =	shalt  }
0x5c: {  	_ =	shalt  }
0x5d: {  	_ =	shalt  }
0x5e: {  	_ =	shalt  }
0x5f: {  	_ =	shalt  }
0x60: {  	_ =	shalt  }
0x61: {  	_ =	shalt  }
0x62: {  	_ =	shalt  }
0x63: {  	_ =	shalt  }
0x64: {  	_ =	shalt  }
0x65: {  	_ =	shalt  }
0x66: {  	_ =	shalt  }
0x67: {  	_ =	shalt  }
0x68: {  	_ =	shalt  }
0x69: {  	_ =	shalt  }
0x6a: {  	_ =	shalt  }
0x6b: {  	_ =	shalt  }
0x6c: {  	_ =	shalt  }
0x6d: {  	_ =	shalt  }
0x6e: {  	_ =	shalt  }
0x6f: {  	_ =	shalt  }
0x70: {  	_ =	shalt  }
0x71: {  	_ =	shalt  }
0x72: {  	_ =	shalt  }
0x73: {  	_ =	shalt  }
0x74: {  	_ =	shalt  }
0x75: {  	_ =	shalt  }
0x76: {  	_ =	shalt  }
0x77: {  	_ =	shalt  }
0x78: {  	_ =	shalt  }
0x79: {  	_ =	shalt  }
0x7a: {  	_ =	shalt  }
0x7b: {  	_ =	shalt  }
0x7c: {  	_ =	shalt  }
0x7d: {  	_ =	shalt  }
0x7e: {  	_ =	shalt  }
0x7f: {  	_ =	shalt  }
0x80: {  	_ =	shalt  }
0x81: {  	_ =	shalt  }
0x82: {  	_ =	shalt  }
0x83: {  	_ =	shalt  }
0x84: {  	_ =	shalt  }
0x85: {  	_ =	shalt  }
0x86: {  	_ =	shalt  }
0x87: {  	_ =	shalt  }
.Lfunc_end0:
.L_simem_size_0:
called_computation_lowered:
.L_overlay_start_0:
0x88: {  	s2 =	sld [smem:$0x3FD9]  }
0x89: {  	s3 =	sld [smem:$0x3FFE];
	_ =	sdelay $0x1  }
0x8a: {  	s1 =	srdreg.scid  }
0x8b: {  	s0 =	sand.u32 $0x1, s1  }
0x8c: {  	s18 =	sshll.u32 s0, $0xA;
	s2 =	sadd.s32 s3, s2  }
0x8d: {  	s2 =	sadd.s32 s2, s18  }
0x8e: {  	[smem:$0x3FC7] =	sst s2  }
0x8f: {  	_ = 	snop  }
0x90: {  	s2 =	sld [smem:$0x3FC9]  }
0x91: {  	s19 =	sld [smem:$0x3FD0];
	(tm) =	ssettm $0x1  }
0x92: {  	s4 =	sld [smem:$0x3FFB];
	_ =	sdelay $0x3  }
0x93: {  	_ =	strace s4  }
0x94: {  	s4 =	sld [smem:$0x3FFC];
	_ =	sdelay $0x3  }
0x95: {  	_ =	strace s4  }
0x96: {  	s4 =	sld [smem:$0x3FFD];
	_ =	sdelay $0x3  }
0x97: {  	_ =	strace s4  }
0x98: {  	_ =	strace $0x8FFFFFFF  }
0x99: {  	s20 =	sld [smem:$0x3FDB];
	_ =	sdelay $0x1  }
0x9a: {  	s5 =	simm.s32 $_scs_section_size  }
0x9b: {  	s6 =	simm.s32 $_size__tile_overlayer_lowered;
	s7 =	simm.s32 $_tile_overlayer_lowered  }
0x9c: {  	s23 =	simm.s32 $0x1BFF;
	s22 =	sshll.u32 s7, $0x1;
	s4 =	sadd.s32 s5, s20  }
0x9d: {  	s8 =	simm.s32 $0x0;
	s21 =	sshll.u32 s6, $0x1;
	s6 =	sadd.s32 s22, s4  }
0x9e: {  	[timem:s8], [sflag:s23] =	dma.local [hbm:s6], s21  }
0x9f: {  	_ =	swait.ge [sflag:s23], s21  }
0xa0: {  	s5 =	ssub.s32 $0x0, s21;
	[sflag:s23] =	ssyncset.done $0x0  }
0xa1: {  	[sflag:s23] =	ssyncadd.s32 s5;
	_ =	sdelay $0x1  }
0xa2: {  	s24 =	simm.s32 $0x1B8B  }
0xa3: {  	_ =	swait.ge [sflag:s24], $0x1  }
0xa4: {  	[sflag:s24] =	ssyncset.done $0x0  }
0xa5: {  	s25 =	simm.s32 $0x1B8E;
	[sflag:s24] =	ssyncadd.s32 $0xFFFFFFFF  }
0xa6: {  	s26 =	simm.s32 $execute0_lowered;
	[smem:$0x3FD2] =	sst s25  }
0xa7: {  	s5 =	sshll.u32 s26, $0x1;
	_ =	strace $0x80000046;
	[dreg:$0x1] =	wrdreg $0xFFFFFFFF  }
0xa8: {  	s28 =	simm.s32 $_size_execute0_lowered;
	s4 =	sadd.s32 s4, s5;
	[dreg:$0x0] =	wrdreg $0x0  }
0xa9: {  	s5 =	sshll.u32 s28, $0x1;
	[dreg:$0x2] =	wrdreg s4  }
0xaa: {  	[dreg:$0x3] =	wrdreg s5  }
0xab: {  	[dreg:$0x4] =	wrdreg $0xC0  }
0xac: {  	_ =	task [dreg:s8], $0x5FFFF  }
0xad: {  	[dreg:$0x1] =	wrdreg $0xFFFFFFFF  }
0xae: {  	[dreg:$0x0] =	wrdreg $0x60  }
0xaf: {  	[dreg:$0x2] =	wrdreg s2  }
0xb0: {  	[dreg:$0x3] =	wrdreg s19  }
0xb1: {  	[dreg:$0x4] =	wrdreg $0x9  }
0xb2: {  	_ =	task.clear_ibuf [dreg:s8], $0x5FFFF;
	_ =	strace $0x90000046  }
0xb3: {  	s29 =	simm.s32 $0x9;
	_ =	strace $0x80000048  }
0xb4: {  	_ =	swait.ge [sflag:s29], $0x1  }
0xb5: {  	[sflag:s29] =	ssyncadd.s32 $0xFFFFFFFF  }
0xb6: {  	_ =	strace $0x90000048  }
0xb7: {  	_ =	sfence  }
0xb8: {  	s30 =	sld [smem:$0x0];
	_ =	sdelay $0x2  }
0xb9: {  	s31 =	sshll.u32 s1, $0xD;
	s1 =	sshrl.u32 s1, $0x2  }
0xba: {  	s3 =	sand.u32 $0x4000, s31;
	s1 =	sadd.s32 s1, s30  }
0xbb: {  	s0 =	sor.u32 s3, s0;
	s1 =	sshll.u32 s1, $0x11  }
0xbc: {  	s0 =	sor.u32 s1, s0  }
0xbd: {  	s0 =	sadd.s32 $0x8F2B, s0  }
0xbe: {  	[sflag:s0] =	ssyncadd.remote.s32 $0x1  }
0xbf: {  	_ =	sfence.sel $0xFFFF  }
0xc0: {  	[dreg:$0x0] =	wrdreg $0xFFFFFFFF;
	(pc) =	sbr.abs _section_cstart, $3  }
0xc1: {  	[dreg:$0x1] =	wrdreg $0xFFFFFFFF  }
0xc2: {  	_ =	task.clear_ibuf [dreg:s8], $0x2FFFF;
	_ =	strace $0x9FFFFFFF  }
0xc3: {  	(tm) =	ssettm $0x7FFFFFFF  }
tec
execute0_lowered:
.L_overlay_start_1:
0x0: {  	(tag) =	ssettag $0x1  }
0x1: {  	s1 =	srdreg.scid  }
0x2: {  	s0 =	rddreg [dreg:$0x0];
	s4 =	stileid.u32;
	s1 =	sand.u32 $0x1, s1  }
0x3: {  	s3 =	rddreg [dreg:$0x1];
	s4 =	sshll.u32 s4, $0x10;
	s5 =	sshll.u32 s1, $0xF  }
0x4: {  	s8 =	rddreg [dreg:$0x2];
	s2 =	simm.s32 $0x0;
	s4 =	sor.u32 s5, s4  }
0x5: {  	[smem:$0x7FF] =	sst s2;
	s5 =	sadd.s32 s0, s4;
	s7 =	sadd.s32 s3, s4  }
0x6: {  	_ =	strace $0x80000047;
	[dreg:$0x3] =	wrdreg s5;
	s22 =	sadd.s32 $0x100000, s7  }
0x7: {  	s23 =	sadd.s32 $0x200000, s7;
	[dreg:$0x4] =	wrdreg s22  }
0x8: {  	s6 =	sor.u32 $0x1000, s4;
	s24 =	sadd.s32 $0x300000, s7;
	[dreg:$0x5] =	wrdreg s23  }
0x9: {  	s25 =	sadd.s32 s0, s6;
	[dreg:$0x6] =	wrdreg s24  }
0xa: {  	s26 =	sadd.s32 s3, s6;
	[dreg:$0x7] =	wrdreg s25  }
0xb: {  	s6 =	sadd.s32 $0x101000, s7;
	[dreg:$0x8] =	wrdreg s26  }
0xc: {  	s9 =	sadd.s32 $0x201000, s7;
	[dreg:$0x9] =	wrdreg s6  }
0xd: {  	s11 =	sor.u32 $0x2000, s4;
	s10 =	sadd.s32 $0x301000, s7;
	[dreg:$0xa] =	wrdreg s9  }
0xe: {  	s12 =	sadd.s32 s0, s11;
	[dreg:$0xb] =	wrdreg s10  }
0xf: {  	s13 =	sadd.s32 s3, s11;
	[dreg:$0xc] =	wrdreg s12  }
0x10: {  	p0 =	por $0x0, $0x0;
	s14 =	sadd.s32 $0x102000, s7;
	[dreg:$0xd] =	wrdreg s13  }
0x11: {  	s1 =	ssub.s32 $0x2, s1;
	s15 =	sadd.s32 $0x202000, s7;
	[dreg:$0xe] =	wrdreg s14  }
0x12: {  	s17 =	sor.u32 $0x3000, s4;
	s16 =	sadd.s32 $0x302000, s7;
	[dreg:$0xf] =	wrdreg s15  }
0x13: {  	s18 =	sadd.s32 s0, s17;
	s19 =	sadd.s32 s3, s17;
	[dreg:$0x10] =	wrdreg s16  }
0x14: {  	s20 =	sadd.s32 $0x103000, s7;
	s21 =	sadd.s32 $0x203000, s7;
	[dreg:$0x11] =	wrdreg s18  }
0x15: {  	s31 =	sadd.s32 $0x304000, s7;
	s11 =	sor.u32 $0x5000, s4;
	[dreg:$0x12] =	wrdreg s19  }
0x16: {  	s28 =	sadd.s32 $0x205000, s7;
	s29 =	sadd.s32 $0x305000, s7;
	[dreg:$0x13] =	wrdreg s20  }
0x17: {  	s17 =	simm.s32 $0x2;
	[dreg:$0x14] =	wrdreg s21;
	s22 =	sadd.s32 $0x303000, s7  }
0x18: {  	s23 =	sor.u32 $0x4000, s4;
	s26 =	sshrl.u32 s1, $0x1;
	s9 =	sadd.s32 $0x104000, s7  }
0x19: {  	s10 =	sadd.s32 $0x204000, s7;
	s30 =	sadd.s32 s0, s11;
	s5 =	sadd.s32 s3, s11  }
0x1a: {  	s12 =	sor.u32 $0x6000, s4;
	s20 =	sadd.s32 $0x106000, s7;
	s21 =	sadd.s32 $0x206000, s7  }
0x1b: {  	s4 =	sor.u32 $0x7000, s4;
	s11 =	sadd.s32 $0x207000, s7;
	s15 =	sadd.s32 $0x307000, s7  }
0x1c: {  	s16 =	simm.s32 $0x8000;
	s14 =	simm.s32 $0x3;
	[dreg:$0x15] =	wrdreg s22  }
0x1d: {  	s6 =	simm.s32 $0x7;
	s24 =	sadd.s32 s0, s23;
	[dreg:$0x18] =	wrdreg s9  }
0x1e: {  	s25 =	sadd.s32 s3, s23;
	s1 =	ssub.s32 s1, s26;
	[dreg:$0x19] =	wrdreg s10  }
0x1f: {  	[dreg:$0x1a] =	wrdreg s5;
	s26 =	sadd.s32 $0x105000, s7;
	s19 =	sadd.s32 s3, s12  }
0x20: {  	s22 =	sadd.s32 $0x306000, s7;
	s18 =	sadd.s32 s0, s4;
	s13 =	smax.u32 s1, $0x1  }
0x21: {  	s9 =	sadd.s32 s3, s4;
	s10 =	sadd.s32 $0x107000, s7;
	p1 =	sne.s32 s13, $0x1  }
.Ltmp0:
0x22: {  	s23 =	simm.s32 $0x1;
	s5 =	simm.s32 $0x8;
	(pc) =	sbr.rel @!p1 .LBB2_1-.Ltmp0, $4  }
0x23: {  	s4 =	simm.s32 $0x9;
	s3 =	simm.s32 $0xA;
	[dreg:$0x16] =	wrdreg s24  }
0x24: {  	[dreg:$0x17] =	wrdreg s25;
	s24 =	sadd.s32 s0, s12;
	s25 =	smov.u32 s7  }
0x25: {  	s12 =	simm.s32 $0x4;
	s7 =	simm.s32 $0x6;
	s1 =	rddreg [dreg:$0x3]  }
0x26: {  	s0 =	sadd.s32 $0xFFFFFFFF, s13;
	s13 =	simm.s32 $0x5;
	[dreg:$0x1b] =	wrdreg s25  }
0x27: {  	[tilespmem:s2], [sflag:$0x1] =	stream.linear.gather [hbm4b:s1+s2], $0x8000, $0x38;
	[tilespmem:$0x10000] =	vst v63  }
0x28: {  	_ =	swait.ge [sflag:s23], $0x8000  }
0x29: {  	[sflag:s23] =	ssyncset.done $0x0  }
0x2a: {  	[sflag:s23] =	ssyncadd.s32 $0xFFFF8000  }
0x2b: {  	[hbm4b:s25+s2] =	stream.linear.scatter [tilespmem:s2], [sflag:$0x3], $0x8000, $0x38;
	[tilespmem:$0x10000] =	vst v63  }
0x2c: {  	s1 =	rddreg [dreg:$0x4]  }
0x2d: {  	[hbm4b:s1+s2] =	stream.linear.scatter [tilespmem:s2], [sflag:$0x4], $0x8000, $0x38;
	[tilespmem:$0x10000] =	vst v63  }
0x2e: {  	s8 =	smov.u32 s0;
	s0 =	rddreg [dreg:$0x5]  }
0x2f: {  	[hbm4b:s0+s2] =	stream.linear.scatter [tilespmem:s2], [sflag:$0x5], $0x8000, $0x38;
	[tilespmem:$0x10000] =	vst v63  }
0x30: {  	s1 =	rddreg [dreg:$0x6]  }
0x31: {  	[hbm4b:s1+s2] =	stream.linear.scatter [tilespmem:s2], [sflag:$0x6], $0x8000, $0x38;
	[tilespmem:$0x10000] =	vst v63  }
0x32: {  	s0 =	rddreg [dreg:$0x7]  }
0x33: {  	[tilespmem:s16], [sflag:$0x2] =	stream.linear.gather [hbm4b:s0+s2], $0x8000, $0x38;
	[tilespmem:$0x10000] =	vst v63  }
0x34: {  	_ =	swait.ge [sflag:s17], $0x8000  }
0x35: {  	[sflag:s17] =	ssyncset.done $0x0  }
0x36: {  	s0 =	rddreg [dreg:$0x8];
	[sflag:s17] =	ssyncadd.s32 $0xFFFF8000  }
0x37: {  	[hbm4b:s0+s2] =	stream.linear.scatter [tilespmem:s16], [sflag:$0x7], $0x8000, $0x38;
	[tilespmem:$0x10000] =	vst v63  }
0x38: {  	s1 =	rddreg [dreg:$0x9]  }
0x39: {  	[hbm4b:s1+s2] =	stream.linear.scatter [tilespmem:s16], [sflag:$0x8], $0x8000, $0x38;
	[tilespmem:$0x10000] =	vst v63  }
0x3a: {  	s0 =	rddreg [dreg:$0xa]  }
0x3b: {  	[hbm4b:s0+s2] =	stream.linear.scatter [tilespmem:s16], [sflag:$0x9], $0x8000, $0x38;
	[tilespmem:$0x10000] =	vst v63  }
0x3c: {  	s1 =	rddreg [dreg:$0xb]  }
0x3d: {  	[hbm4b:s1+s2] =	stream.linear.scatter [tilespmem:s16], [sflag:$0xA], $0x8000, $0x38;
	[tilespmem:$0x10000] =	vst v63  }
0x3e: {  	_ =	swait.ge [sflag:s14], $0x8000  }
0x3f: {  	[sflag:s14] =	ssyncset.done $0x0  }
0x40: {  	[sflag:s14] =	ssyncadd.s32 $0xFFFF8000  }
0x41: {  	_ =	swait.ge [sflag:s12], $0x8000  }
0x42: {  	[sflag:s12] =	ssyncset.done $0x0  }
0x43: {  	[sflag:s12] =	ssyncadd.s32 $0xFFFF8000  }
0x44: {  	_ =	swait.ge [sflag:s13], $0x8000  }
0x45: {  	[sflag:s13] =	ssyncset.done $0x0  }
0x46: {  	[sflag:s13] =	ssyncadd.s32 $0xFFFF8000  }
0x47: {  	_ =	swait.ge [sflag:s7], $0x8000  }
0x48: {  	[sflag:s7] =	ssyncset.done $0x0  }
0x49: {  	s1 =	rddreg [dreg:$0xc];
	[sflag:s7] =	ssyncadd.s32 $0xFFFF8000  }
0x4a: {  	[tilespmem:s2], [sflag:$0x1] =	stream.linear.gather [hbm4b:s1+s2], $0x8000, $0x38;
	[tilespmem:$0x10000] =	vst v63  }
0x4b: {  	_ =	swait.ge [sflag:s23], $0x8000  }
0x4c: {  	[sflag:s23] =	ssyncset.done $0x0  }
0x4d: {  	s0 =	rddreg [dreg:$0xd];
	[sflag:s23] =	ssyncadd.s32 $0xFFFF8000  }
0x4e: {  	[hbm4b:s0+s2] =	stream.linear.scatter [tilespmem:s2], [sflag:$0x3], $0x8000, $0x38;
	[tilespmem:$0x10000] =	vst v63  }
0x4f: {  	s1 =	rddreg [dreg:$0xe]  }
0x50: {  	[hbm4b:s1+s2] =	stream.linear.scatter [tilespmem:s2], [sflag:$0x4], $0x8000, $0x38;
	[tilespmem:$0x10000] =	vst v63  }
0x51: {  	s0 =	rddreg [dreg:$0xf]  }
0x52: {  	[hbm4b:s0+s2] =	stream.linear.scatter [tilespmem:s2], [sflag:$0x5], $0x8000, $0x38;
	[tilespmem:$0x10000] =	vst v63  }
0x53: {  	s1 =	rddreg [dreg:$0x10]  }
0x54: {  	[hbm4b:s1+s2] =	stream.linear.scatter [tilespmem:s2], [sflag:$0x6], $0x8000, $0x38;
	[tilespmem:$0x10000] =	vst v63  }
0x55: {  	_ =	swait.ge [sflag:s6], $0x8000  }
0x56: {  	[sflag:s6] =	ssyncset.done $0x0  }
0x57: {  	[sflag:s6] =	ssyncadd.s32 $0xFFFF8000  }
0x58: {  	_ =	swait.ge [sflag:s5], $0x8000  }
0x59: {  	[sflag:s5] =	ssyncset.done $0x0  }
0x5a: {  	[sflag:s5] =	ssyncadd.s32 $0xFFFF8000  }
0x5b: {  	_ =	swait.ge [sflag:s4], $0x8000  }
0x5c: {  	[sflag:s4] =	ssyncset.done $0x0  }
0x5d: {  	[sflag:s4] =	ssyncadd.s32 $0xFFFF8000  }
0x5e: {  	_ =	swait.ge [sflag:s3], $0x8000  }
0x5f: {  	[sflag:s3] =	ssyncset.done $0x0  }
0x60: {  	s1 =	rddreg [dreg:$0x11];
	[sflag:s3] =	ssyncadd.s32 $0xFFFF8000  }
0x61: {  	[tilespmem:s16], [sflag:$0x2] =	stream.linear.gather [hbm4b:s1+s2], $0x8000, $0x38;
	[tilespmem:$0x10000] =	vst v63  }
0x62: {  	_ =	swait.ge [sflag:s17], $0x8000  }
0x63: {  	[sflag:s17] =	ssyncset.done $0x0  }
0x64: {  	s0 =	rddreg [dreg:$0x12];
	[sflag:s17] =	ssyncadd.s32 $0xFFFF8000  }
0x65: {  	[hbm4b:s0+s2] =	stream.linear.scatter [tilespmem:s16], [sflag:$0x7], $0x8000, $0x38;
	[tilespmem:$0x10000] =	vst v63  }
0x66: {  	s1 =	rddreg [dreg:$0x13]  }
0x67: {  	[hbm4b:s1+s2] =	stream.linear.scatter [tilespmem:s16], [sflag:$0x8], $0x8000, $0x38;
	[tilespmem:$0x10000] =	vst v63  }
0x68: {  	s0 =	rddreg [dreg:$0x14]  }
0x69: {  	[hbm4b:s0+s2] =	stream.linear.scatter [tilespmem:s16], [sflag:$0x9], $0x8000, $0x38;
	[tilespmem:$0x10000] =	vst v63  }
0x6a: {  	s1 =	rddreg [dreg:$0x15]  }
0x6b: {  	[hbm4b:s1+s2] =	stream.linear.scatter [tilespmem:s16], [sflag:$0xA], $0x8000, $0x38;
	[tilespmem:$0x10000] =	vst v63  }
0x6c: {  	_ =	swait.ge [sflag:s14], $0x8000  }
0x6d: {  	[sflag:s14] =	ssyncset.done $0x0  }
0x6e: {  	[sflag:s14] =	ssyncadd.s32 $0xFFFF8000  }
0x6f: {  	_ =	swait.ge [sflag:s12], $0x8000  }
0x70: {  	[sflag:s12] =	ssyncset.done $0x0  }
0x71: {  	[sflag:s12] =	ssyncadd.s32 $0xFFFF8000  }
0x72: {  	_ =	swait.ge [sflag:s13], $0x8000  }
0x73: {  	[sflag:s13] =	ssyncset.done $0x0  }
0x74: {  	[sflag:s13] =	ssyncadd.s32 $0xFFFF8000  }
0x75: {  	_ =	swait.ge [sflag:s7], $0x8000  }
0x76: {  	[sflag:s7] =	ssyncset.done $0x0  }
0x77: {  	s1 =	rddreg [dreg:$0x16];
	[sflag:s7] =	ssyncadd.s32 $0xFFFF8000  }
0x78: {  	[tilespmem:s2], [sflag:$0x1] =	stream.linear.gather [hbm4b:s1+s2], $0x8000, $0x38;
	[tilespmem:$0x10000] =	vst v63  }
0x79: {  	_ =	swait.ge [sflag:s23], $0x8000  }
0x7a: {  	[sflag:s23] =	ssyncset.done $0x0  }
0x7b: {  	s0 =	rddreg [dreg:$0x17];
	[sflag:s23] =	ssyncadd.s32 $0xFFFF8000  }
0x7c: {  	[hbm4b:s0+s2] =	stream.linear.scatter [tilespmem:s2], [sflag:$0x3], $0x8000, $0x38;
	[tilespmem:$0x10000] =	vst v63  }
0x7d: {  	s1 =	rddreg [dreg:$0x18]  }
0x7e: {  	[hbm4b:s1+s2] =	stream.linear.scatter [tilespmem:s2], [sflag:$0x4], $0x8000, $0x38;
	[tilespmem:$0x10000] =	vst v63  }
0x7f: {  	s0 =	rddreg [dreg:$0x19]  }
0x80: {  	[hbm4b:s0+s2] =	stream.linear.scatter [tilespmem:s2], [sflag:$0x5], $0x8000, $0x38;
	[tilespmem:$0x10000] =	vst v63  }
0x81: {  	_ = 	snop  }
0x82: {  	[hbm4b:s31+s2] =	stream.linear.scatter [tilespmem:s2], [sflag:$0x6], $0x8000, $0x38;
	[tilespmem:$0x10000] =	vst v63  }
0x83: {  	_ =	swait.ge [sflag:s6], $0x8000  }
0x84: {  	[sflag:s6] =	ssyncset.done $0x0  }
0x85: {  	[sflag:s6] =	ssyncadd.s32 $0xFFFF8000  }
0x86: {  	_ =	swait.ge [sflag:s5], $0x8000  }
0x87: {  	[sflag:s5] =	ssyncset.done $0x0  }
0x88: {  	[sflag:s5] =	ssyncadd.s32 $0xFFFF8000  }
0x89: {  	_ =	swait.ge [sflag:s4], $0x8000  }
0x8a: {  	[sflag:s4] =	ssyncset.done $0x0  }
0x8b: {  	[sflag:s4] =	ssyncadd.s32 $0xFFFF8000  }
0x8c: {  	_ =	swait.ge [sflag:s3], $0x8000  }
0x8d: {  	[sflag:s3] =	ssyncset.done $0x0  }
0x8e: {  	[sflag:s3] =	ssyncadd.s32 $0xFFFF8000  }
0x8f: {  	[tilespmem:s16], [sflag:$0x2] =	stream.linear.gather [hbm4b:s30+s2], $0x8000, $0x38;
	[tilespmem:$0x10000] =	vst v63  }
0x90: {  	_ =	swait.ge [sflag:s17], $0x8000  }
0x91: {  	[sflag:s17] =	ssyncset.done $0x0  }
0x92: {  	s1 =	rddreg [dreg:$0x1a];
	[sflag:s17] =	ssyncadd.s32 $0xFFFF8000  }
0x93: {  	[hbm4b:s1+s2] =	stream.linear.scatter [tilespmem:s16], [sflag:$0x7], $0x8000, $0x38;
	[tilespmem:$0x10000] =	vst v63  }
0x94: {  	_ = 	snop  }
0x95: {  	[hbm4b:s26+s2] =	stream.linear.scatter [tilespmem:s16], [sflag:$0x8], $0x8000, $0x38;
	[tilespmem:$0x10000] =	vst v63  }
0x96: {  	_ = 	snop  }
0x97: {  	[hbm4b:s28+s2] =	stream.linear.scatter [tilespmem:s16], [sflag:$0x9], $0x8000, $0x38;
	[tilespmem:$0x10000] =	vst v63  }
0x98: {  	_ = 	snop  }
0x99: {  	[hbm4b:s29+s2] =	stream.linear.scatter [tilespmem:s16], [sflag:$0xA], $0x8000, $0x38;
	[tilespmem:$0x10000] =	vst v63  }
0x9a: {  	_ =	swait.ge [sflag:s14], $0x8000  }
0x9b: {  	[sflag:s14] =	ssyncset.done $0x0  }
0x9c: {  	[sflag:s14] =	ssyncadd.s32 $0xFFFF8000  }
0x9d: {  	_ =	swait.ge [sflag:s12], $0x8000  }
0x9e: {  	[sflag:s12] =	ssyncset.done $0x0  }
0x9f: {  	[sflag:s12] =	ssyncadd.s32 $0xFFFF8000  }
0xa0: {  	_ =	swait.ge [sflag:s13], $0x8000  }
0xa1: {  	[sflag:s13] =	ssyncset.done $0x0  }
0xa2: {  	[sflag:s13] =	ssyncadd.s32 $0xFFFF8000  }
0xa3: {  	_ =	swait.ge [sflag:s7], $0x8000  }
0xa4: {  	[sflag:s7] =	ssyncset.done $0x0  }
0xa5: {  	[sflag:s7] =	ssyncadd.s32 $0xFFFF8000  }
0xa6: {  	[tilespmem:s2], [sflag:$0x1] =	stream.linear.gather [hbm4b:s24+s2], $0x8000, $0x38;
	[tilespmem:$0x10000] =	vst v63  }
0xa7: {  	_ =	swait.ge [sflag:s23], $0x8000  }
0xa8: {  	[sflag:s23] =	ssyncset.done $0x0  }
0xa9: {  	[sflag:s23] =	ssyncadd.s32 $0xFFFF8000  }
0xaa: {  	[hbm4b:s19+s2] =	stream.linear.scatter [tilespmem:s2], [sflag:$0x3], $0x8000, $0x38;
	[tilespmem:$0x10000] =	vst v63  }
0xab: {  	_ = 	snop  }
0xac: {  	[hbm4b:s20+s2] =	stream.linear.scatter [tilespmem:s2], [sflag:$0x4], $0x8000, $0x38;
	[tilespmem:$0x10000] =	vst v63  }
0xad: {  	_ = 	snop  }
0xae: {  	[hbm4b:s21+s2] =	stream.linear.scatter [tilespmem:s2], [sflag:$0x5], $0x8000, $0x38;
	[tilespmem:$0x10000] =	vst v63  }
0xaf: {  	_ = 	snop  }
0xb0: {  	[hbm4b:s22+s2] =	stream.linear.scatter [tilespmem:s2], [sflag:$0x6], $0x8000, $0x38;
	[tilespmem:$0x10000] =	vst v63  }
0xb1: {  	_ =	swait.ge [sflag:s6], $0x8000  }
0xb2: {  	[sflag:s6] =	ssyncset.done $0x0  }
0xb3: {  	[sflag:s6] =	ssyncadd.s32 $0xFFFF8000  }
0xb4: {  	_ =	swait.ge [sflag:s5], $0x8000  }
0xb5: {  	[sflag:s5] =	ssyncset.done $0x0  }
0xb6: {  	[sflag:s5] =	ssyncadd.s32 $0xFFFF8000  }
0xb7: {  	_ =	swait.ge [sflag:s4], $0x8000  }
0xb8: {  	[sflag:s4] =	ssyncset.done $0x0  }
0xb9: {  	[sflag:s4] =	ssyncadd.s32 $0xFFFF8000  }
0xba: {  	_ =	swait.ge [sflag:s3], $0x8000  }
0xbb: {  	[sflag:s3] =	ssyncset.done $0x0  }
0xbc: {  	[sflag:s3] =	ssyncadd.s32 $0xFFFF8000  }
0xbd: {  	[tilespmem:s16], [sflag:$0x2] =	stream.linear.gather [hbm4b:s18+s2], $0x8000, $0x38;
	[tilespmem:$0x10000] =	vst v63  }
0xbe: {  	_ =	swait.ge [sflag:s17], $0x8000  }
0xbf: {  	[sflag:s17] =	ssyncset.done $0x0  }
0xc0: {  	[sflag:s17] =	ssyncadd.s32 $0xFFFF8000  }
0xc1: {  	[hbm4b:s9+s2] =	stream.linear.scatter [tilespmem:s16], [sflag:$0x7], $0x8000, $0x38;
	[tilespmem:$0x10000] =	vst v63  }
0xc2: {  	_ = 	snop  }
0xc3: {  	[hbm4b:s10+s2] =	stream.linear.scatter [tilespmem:s16], [sflag:$0x8], $0x8000, $0x38;
	[tilespmem:$0x10000] =	vst v63  }
0xc4: {  	_ = 	snop  }
0xc5: {  	[hbm4b:s11+s2] =	stream.linear.scatter [tilespmem:s16], [sflag:$0x9], $0x8000, $0x38;
	[tilespmem:$0x10000] =	vst v63  }
0xc6: {  	_ = 	snop  }
0xc7: {  	[hbm4b:s15+s2] =	stream.linear.scatter [tilespmem:s16], [sflag:$0xA], $0x8000, $0x38;
	[tilespmem:$0x10000] =	vst v63  }
0xc8: {  	_ =	swait.ge [sflag:s14], $0x8000  }
0xc9: {  	[sflag:s14] =	ssyncset.done $0x0  }
0xca: {  	[sflag:s14] =	ssyncadd.s32 $0xFFFF8000  }
0xcb: {  	_ =	swait.ge [sflag:s12], $0x8000  }
0xcc: {  	[sflag:s12] =	ssyncset.done $0x0  }
0xcd: {  	[sflag:s12] =	ssyncadd.s32 $0xFFFF8000  }
0xce: {  	_ =	swait.ge [sflag:s13], $0x8000  }
0xcf: {  	[sflag:s13] =	ssyncset.done $0x0  }
0xd0: {  	[sflag:s13] =	ssyncadd.s32 $0xFFFF8000  }
0xd1: {  	_ =	swait.ge [sflag:s7], $0x8000  }
0xd2: {  	[sflag:s7] =	ssyncset.done $0x0  }
0xd3: {  	[sflag:s7] =	ssyncadd.s32 $0xFFFF8000  }
0xd4: {  	_ =	swait.ge [sflag:s6], $0x8000  }
0xd5: {  	[sflag:s6] =	ssyncset.done $0x0  }
0xd6: {  	[sflag:s6] =	ssyncadd.s32 $0xFFFF8000  }
0xd7: {  	_ =	swait.ge [sflag:s5], $0x8000  }
0xd8: {  	[sflag:s5] =	ssyncset.done $0x0  }
0xd9: {  	p1 =	sne.s32 s8, $0x1;
	[sflag:s5] =	ssyncadd.s32 $0xFFFF8000  }
.Ltmp1:
0xda: {  	_ =	swait.ge [sflag:s4], $0x8000;
	(pc) =	sbr.rel @!p1 .LBB2_3-.Ltmp1, $4  }
0xdb: {  	[sflag:s4] =	ssyncset.done $0x0  }
0xdc: {  	[sflag:s4] =	ssyncadd.s32 $0xFFFF8000  }
0xdd: {  	p0 =	por $0x1, $0x1;
	_ =	swait.ge [sflag:s3], $0x8000  }
0xde: {  	s0 =	sadd.s32 $0xFFFFFFFF, s8;
	s1 =	rddreg [dreg:$0x3];
	[sflag:s3] =	ssyncset.done $0x0  }
.LBB2_4:
0xdf: {  	[sflag:s3] =	ssyncadd.s32 $0xFFFF8000  }
0xe0: {  	[tilespmem:s2], [sflag:$0x1] =	stream.linear.gather [hbm4b:s1+s2], $0x8000, $0x38;
	[tilespmem:$0x10000] =	vst v63  }
0xe1: {  	_ =	swait.ge [sflag:s23], $0x8000  }
0xe2: {  	[sflag:s23] =	ssyncset.done $0x0  }
0xe3: {  	[sflag:s23] =	ssyncadd.s32 $0xFFFF8000  }
0xe4: {  	[hbm4b:s25+s2] =	stream.linear.scatter [tilespmem:s2], [sflag:$0x3], $0x8000, $0x38;
	[tilespmem:$0x10000] =	vst v63  }
0xe5: {  	s1 =	rddreg [dreg:$0x4]  }
0xe6: {  	[hbm4b:s1+s2] =	stream.linear.scatter [tilespmem:s2], [sflag:$0x4], $0x8000, $0x38;
	[tilespmem:$0x10000] =	vst v63  }
0xe7: {  	s8 =	rddreg [dreg:$0x5]  }
0xe8: {  	[hbm4b:s8+s2] =	stream.linear.scatter [tilespmem:s2], [sflag:$0x5], $0x8000, $0x38;
	[tilespmem:$0x10000] =	vst v63  }
0xe9: {  	s1 =	rddreg [dreg:$0x6]  }
0xea: {  	[hbm4b:s1+s2] =	stream.linear.scatter [tilespmem:s2], [sflag:$0x6], $0x8000, $0x38;
	[tilespmem:$0x10000] =	vst v63  }
0xeb: {  	s8 =	rddreg [dreg:$0x7]  }
0xec: {  	[tilespmem:s16], [sflag:$0x2] =	stream.linear.gather [hbm4b:s8+s2], $0x8000, $0x38;
	[tilespmem:$0x10000] =	vst v63  }
0xed: {  	_ =	swait.ge [sflag:s17], $0x8000  }
0xee: {  	[sflag:s17] =	ssyncset.done $0x0  }
0xef: {  	s1 =	rddreg [dreg:$0x8];
	[sflag:s17] =	ssyncadd.s32 $0xFFFF8000  }
0xf0: {  	[hbm4b:s1+s2] =	stream.linear.scatter [tilespmem:s16], [sflag:$0x7], $0x8000, $0x38;
	[tilespmem:$0x10000] =	vst v63  }
0xf1: {  	s8 =	rddreg [dreg:$0x9]  }
0xf2: {  	[hbm4b:s8+s2] =	stream.linear.scatter [tilespmem:s16], [sflag:$0x8], $0x8000, $0x38;
	[tilespmem:$0x10000] =	vst v63  }
0xf3: {  	s1 =	rddreg [dreg:$0xa]  }
0xf4: {  	[hbm4b:s1+s2] =	stream.linear.scatter [tilespmem:s16], [sflag:$0x9], $0x8000, $0x38;
	[tilespmem:$0x10000] =	vst v63  }
0xf5: {  	s8 =	rddreg [dreg:$0xb]  }
0xf6: {  	[hbm4b:s8+s2] =	stream.linear.scatter [tilespmem:s16], [sflag:$0xA], $0x8000, $0x38;
	[tilespmem:$0x10000] =	vst v63  }
0xf7: {  	_ =	swait.ge [sflag:s14], $0x8000  }
0xf8: {  	[sflag:s14] =	ssyncset.done $0x0  }
0xf9: {  	[sflag:s14] =	ssyncadd.s32 $0xFFFF8000  }
0xfa: {  	_ =	swait.ge [sflag:s12], $0x8000  }
0xfb: {  	[sflag:s12] =	ssyncset.done $0x0  }
0xfc: {  	[sflag:s12] =	ssyncadd.s32 $0xFFFF8000  }
0xfd: {  	_ =	swait.ge [sflag:s13], $0x8000  }
0xfe: {  	[sflag:s13] =	ssyncset.done $0x0  }
0xff: {  	[sflag:s13] =	ssyncadd.s32 $0xFFFF8000  }
0x100: {  	_ =	swait.ge [sflag:s7], $0x8000  }
0x101: {  	[sflag:s7] =	ssyncset.done $0x0  }
0x102: {  	s8 =	rddreg [dreg:$0xc];
	[sflag:s7] =	ssyncadd.s32 $0xFFFF8000  }
0x103: {  	[tilespmem:s2], [sflag:$0x1] =	stream.linear.gather [hbm4b:s8+s2], $0x8000, $0x38;
	[tilespmem:$0x10000] =	vst v63  }
0x104: {  	_ =	swait.ge [sflag:s23], $0x8000  }
0x105: {  	[sflag:s23] =	ssyncset.done $0x0  }
0x106: {  	s1 =	rddreg [dreg:$0xd];
	[sflag:s23] =	ssyncadd.s32 $0xFFFF8000  }
0x107: {  	[hbm4b:s1+s2] =	stream.linear.scatter [tilespmem:s2], [sflag:$0x3], $0x8000, $0x38;
	[tilespmem:$0x10000] =	vst v63  }
0x108: {  	s8 =	rddreg [dreg:$0xe]  }
0x109: {  	[hbm4b:s8+s2] =	stream.linear.scatter [tilespmem:s2], [sflag:$0x4], $0x8000, $0x38;
	[tilespmem:$0x10000] =	vst v63  }
0x10a: {  	s1 =	rddreg [dreg:$0xf]  }
0x10b: {  	[hbm4b:s1+s2] =	stream.linear.scatter [tilespmem:s2], [sflag:$0x5], $0x8000, $0x38;
	[tilespmem:$0x10000] =	vst v63  }
0x10c: {  	s8 =	rddreg [dreg:$0x10]  }
0x10d: {  	[hbm4b:s8+s2] =	stream.linear.scatter [tilespmem:s2], [sflag:$0x6], $0x8000, $0x38;
	[tilespmem:$0x10000] =	vst v63  }
0x10e: {  	_ =	swait.ge [sflag:s6], $0x8000  }
0x10f: {  	[sflag:s6] =	ssyncset.done $0x0  }
0x110: {  	[sflag:s6] =	ssyncadd.s32 $0xFFFF8000  }
0x111: {  	_ =	swait.ge [sflag:s5], $0x8000  }
0x112: {  	[sflag:s5] =	ssyncset.done $0x0  }
0x113: {  	[sflag:s5] =	ssyncadd.s32 $0xFFFF8000  }
0x114: {  	_ =	swait.ge [sflag:s4], $0x8000  }
0x115: {  	[sflag:s4] =	ssyncset.done $0x0  }
0x116: {  	[sflag:s4] =	ssyncadd.s32 $0xFFFF8000  }
0x117: {  	_ =	swait.ge [sflag:s3], $0x8000  }
0x118: {  	[sflag:s3] =	ssyncset.done $0x0  }
0x119: {  	s8 =	rddreg [dreg:$0x11];
	[sflag:s3] =	ssyncadd.s32 $0xFFFF8000  }
0x11a: {  	[tilespmem:s16], [sflag:$0x2] =	stream.linear.gather [hbm4b:s8+s2], $0x8000, $0x38;
	[tilespmem:$0x10000] =	vst v63  }
0x11b: {  	_ =	swait.ge [sflag:s17], $0x8000  }
0x11c: {  	[sflag:s17] =	ssyncset.done $0x0  }
0x11d: {  	s1 =	rddreg [dreg:$0x12];
	[sflag:s17] =	ssyncadd.s32 $0xFFFF8000  }
0x11e: {  	[hbm4b:s1+s2] =	stream.linear.scatter [tilespmem:s16], [sflag:$0x7], $0x8000, $0x38;
	[tilespmem:$0x10000] =	vst v63  }
0x11f: {  	s8 =	rddreg [dreg:$0x13]  }
0x120: {  	[hbm4b:s8+s2] =	stream.linear.scatter [tilespmem:s16], [sflag:$0x8], $0x8000, $0x38;
	[tilespmem:$0x10000] =	vst v63  }
0x121: {  	s1 =	rddreg [dreg:$0x14]  }
0x122: {  	[hbm4b:s1+s2] =	stream.linear.scatter [tilespmem:s16], [sflag:$0x9], $0x8000, $0x38;
	[tilespmem:$0x10000] =	vst v63  }
0x123: {  	s8 =	rddreg [dreg:$0x15]  }
0x124: {  	[hbm4b:s8+s2] =	stream.linear.scatter [tilespmem:s16], [sflag:$0xA], $0x8000, $0x38;
	[tilespmem:$0x10000] =	vst v63  }
0x125: {  	_ =	swait.ge [sflag:s14], $0x8000  }
0x126: {  	[sflag:s14] =	ssyncset.done $0x0  }
0x127: {  	[sflag:s14] =	ssyncadd.s32 $0xFFFF8000  }
0x128: {  	_ =	swait.ge [sflag:s12], $0x8000  }
0x129: {  	[sflag:s12] =	ssyncset.done $0x0  }
0x12a: {  	[sflag:s12] =	ssyncadd.s32 $0xFFFF8000  }
0x12b: {  	_ =	swait.ge [sflag:s13], $0x8000  }
0x12c: {  	[sflag:s13] =	ssyncset.done $0x0  }
0x12d: {  	[sflag:s13] =	ssyncadd.s32 $0xFFFF8000  }
0x12e: {  	_ =	swait.ge [sflag:s7], $0x8000  }
0x12f: {  	[sflag:s7] =	ssyncset.done $0x0  }
0x130: {  	s8 =	rddreg [dreg:$0x16];
	[sflag:s7] =	ssyncadd.s32 $0xFFFF8000  }
0x131: {  	[tilespmem:s2], [sflag:$0x1] =	stream.linear.gather [hbm4b:s8+s2], $0x8000, $0x38;
	[tilespmem:$0x10000] =	vst v63  }
0x132: {  	_ =	swait.ge [sflag:s23], $0x8000  }
0x133: {  	[sflag:s23] =	ssyncset.done $0x0  }
0x134: {  	s1 =	rddreg [dreg:$0x17];
	[sflag:s23] =	ssyncadd.s32 $0xFFFF8000  }
0x135: {  	[hbm4b:s1+s2] =	stream.linear.scatter [tilespmem:s2], [sflag:$0x3], $0x8000, $0x38;
	[tilespmem:$0x10000] =	vst v63  }
0x136: {  	s8 =	rddreg [dreg:$0x18]  }
0x137: {  	[hbm4b:s8+s2] =	stream.linear.scatter [tilespmem:s2], [sflag:$0x4], $0x8000, $0x38;
	[tilespmem:$0x10000] =	vst v63  }
0x138: {  	s1 =	rddreg [dreg:$0x19]  }
0x139: {  	[hbm4b:s1+s2] =	stream.linear.scatter [tilespmem:s2], [sflag:$0x5], $0x8000, $0x38;
	[tilespmem:$0x10000] =	vst v63  }
0x13a: {  	_ = 	snop  }
0x13b: {  	[hbm4b:s31+s2] =	stream.linear.scatter [tilespmem:s2], [sflag:$0x6], $0x8000, $0x38;
	[tilespmem:$0x10000] =	vst v63  }
0x13c: {  	_ =	swait.ge [sflag:s6], $0x8000  }
0x13d: {  	[sflag:s6] =	ssyncset.done $0x0  }
0x13e: {  	[sflag:s6] =	ssyncadd.s32 $0xFFFF8000  }
0x13f: {  	_ =	swait.ge [sflag:s5], $0x8000  }
0x140: {  	[sflag:s5] =	ssyncset.done $0x0  }
0x141: {  	[sflag:s5] =	ssyncadd.s32 $0xFFFF8000  }
0x142: {  	_ =	swait.ge [sflag:s4], $0x8000  }
0x143: {  	[sflag:s4] =	ssyncset.done $0x0  }
0x144: {  	[sflag:s4] =	ssyncadd.s32 $0xFFFF8000  }
0x145: {  	_ =	swait.ge [sflag:s3], $0x8000  }
0x146: {  	[sflag:s3] =	ssyncset.done $0x0  }
0x147: {  	[sflag:s3] =	ssyncadd.s32 $0xFFFF8000  }
0x148: {  	[tilespmem:s16], [sflag:$0x2] =	stream.linear.gather [hbm4b:s30+s2], $0x8000, $0x38;
	[tilespmem:$0x10000] =	vst v63  }
0x149: {  	_ =	swait.ge [sflag:s17], $0x8000  }
0x14a: {  	[sflag:s17] =	ssyncset.done $0x0  }
0x14b: {  	s8 =	rddreg [dreg:$0x1a];
	[sflag:s17] =	ssyncadd.s32 $0xFFFF8000  }
0x14c: {  	[hbm4b:s8+s2] =	stream.linear.scatter [tilespmem:s16], [sflag:$0x7], $0x8000, $0x38;
	[tilespmem:$0x10000] =	vst v63  }
0x14d: {  	_ = 	snop  }
0x14e: {  	[hbm4b:s26+s2] =	stream.linear.scatter [tilespmem:s16], [sflag:$0x8], $0x8000, $0x38;
	[tilespmem:$0x10000] =	vst v63  }
0x14f: {  	_ = 	snop  }
0x150: {  	[hbm4b:s28+s2] =	stream.linear.scatter [tilespmem:s16], [sflag:$0x9], $0x8000, $0x38;
	[tilespmem:$0x10000] =	vst v63  }
0x151: {  	_ = 	snop  }
0x152: {  	[hbm4b:s29+s2] =	stream.linear.scatter [tilespmem:s16], [sflag:$0xA], $0x8000, $0x38;
	[tilespmem:$0x10000] =	vst v63  }
0x153: {  	_ =	swait.ge [sflag:s14], $0x8000  }
0x154: {  	[sflag:s14] =	ssyncset.done $0x0  }
0x155: {  	[sflag:s14] =	ssyncadd.s32 $0xFFFF8000  }
0x156: {  	_ =	swait.ge [sflag:s12], $0x8000  }
0x157: {  	[sflag:s12] =	ssyncset.done $0x0  }
0x158: {  	[sflag:s12] =	ssyncadd.s32 $0xFFFF8000  }
0x159: {  	_ =	swait.ge [sflag:s13], $0x8000  }
0x15a: {  	[sflag:s13] =	ssyncset.done $0x0  }
0x15b: {  	[sflag:s13] =	ssyncadd.s32 $0xFFFF8000  }
0x15c: {  	_ =	swait.ge [sflag:s7], $0x8000  }
0x15d: {  	[sflag:s7] =	ssyncset.done $0x0  }
0x15e: {  	[sflag:s7] =	ssyncadd.s32 $0xFFFF8000  }
0x15f: {  	[tilespmem:s2], [sflag:$0x1] =	stream.linear.gather [hbm4b:s24+s2], $0x8000, $0x38;
	[tilespmem:$0x10000] =	vst v63  }
0x160: {  	_ =	swait.ge [sflag:s23], $0x8000  }
0x161: {  	[sflag:s23] =	ssyncset.done $0x0  }
0x162: {  	[sflag:s23] =	ssyncadd.s32 $0xFFFF8000  }
0x163: {  	[hbm4b:s19+s2] =	stream.linear.scatter [tilespmem:s2], [sflag:$0x3], $0x8000, $0x38;
	[tilespmem:$0x10000] =	vst v63  }
0x164: {  	_ = 	snop  }
0x165: {  	[hbm4b:s20+s2] =	stream.linear.scatter [tilespmem:s2], [sflag:$0x4], $0x8000, $0x38;
	[tilespmem:$0x10000] =	vst v63  }
0x166: {  	_ = 	snop  }
0x167: {  	[hbm4b:s21+s2] =	stream.linear.scatter [tilespmem:s2], [sflag:$0x5], $0x8000, $0x38;
	[tilespmem:$0x10000] =	vst v63  }
0x168: {  	_ = 	snop  }
0x169: {  	[hbm4b:s22+s2] =	stream.linear.scatter [tilespmem:s2], [sflag:$0x6], $0x8000, $0x38;
	[tilespmem:$0x10000] =	vst v63  }
0x16a: {  	_ =	swait.ge [sflag:s6], $0x8000  }
0x16b: {  	[sflag:s6] =	ssyncset.done $0x0  }
0x16c: {  	[sflag:s6] =	ssyncadd.s32 $0xFFFF8000  }
0x16d: {  	_ =	swait.ge [sflag:s5], $0x8000  }
0x16e: {  	[sflag:s5] =	ssyncset.done $0x0  }
0x16f: {  	[sflag:s5] =	ssyncadd.s32 $0xFFFF8000  }
0x170: {  	_ =	swait.ge [sflag:s4], $0x8000  }
0x171: {  	[sflag:s4] =	ssyncset.done $0x0  }
0x172: {  	[sflag:s4] =	ssyncadd.s32 $0xFFFF8000  }
0x173: {  	_ =	swait.ge [sflag:s3], $0x8000  }
0x174: {  	[sflag:s3] =	ssyncset.done $0x0  }
0x175: {  	[sflag:s3] =	ssyncadd.s32 $0xFFFF8000  }
0x176: {  	[tilespmem:s16], [sflag:$0x2] =	stream.linear.gather [hbm4b:s18+s2], $0x8000, $0x38;
	[tilespmem:$0x10000] =	vst v63  }
0x177: {  	_ =	swait.ge [sflag:s17], $0x8000  }
0x178: {  	[sflag:s17] =	ssyncset.done $0x0  }
0x179: {  	[sflag:s17] =	ssyncadd.s32 $0xFFFF8000  }
0x17a: {  	[hbm4b:s9+s2] =	stream.linear.scatter [tilespmem:s16], [sflag:$0x7], $0x8000, $0x38;
	[tilespmem:$0x10000] =	vst v63  }
0x17b: {  	_ = 	snop  }
0x17c: {  	[hbm4b:s10+s2] =	stream.linear.scatter [tilespmem:s16], [sflag:$0x8], $0x8000, $0x38;
	[tilespmem:$0x10000] =	vst v63  }
0x17d: {  	_ = 	snop  }
0x17e: {  	[hbm4b:s11+s2] =	stream.linear.scatter [tilespmem:s16], [sflag:$0x9], $0x8000, $0x38;
	[tilespmem:$0x10000] =	vst v63  }
0x17f: {  	_ = 	snop  }
0x180: {  	[hbm4b:s15+s2] =	stream.linear.scatter [tilespmem:s16], [sflag:$0xA], $0x8000, $0x38;
	[tilespmem:$0x10000] =	vst v63  }
0x181: {  	_ =	swait.ge [sflag:s14], $0x8000  }
0x182: {  	[sflag:s14] =	ssyncset.done $0x0  }
0x183: {  	[sflag:s14] =	ssyncadd.s32 $0xFFFF8000  }
0x184: {  	_ =	swait.ge [sflag:s12], $0x8000  }
0x185: {  	[sflag:s12] =	ssyncset.done $0x0  }
0x186: {  	[sflag:s12] =	ssyncadd.s32 $0xFFFF8000  }
0x187: {  	_ =	swait.ge [sflag:s13], $0x8000  }
0x188: {  	[sflag:s13] =	ssyncset.done $0x0  }
0x189: {  	[sflag:s13] =	ssyncadd.s32 $0xFFFF8000  }
0x18a: {  	_ =	swait.ge [sflag:s7], $0x8000  }
0x18b: {  	[sflag:s7] =	ssyncset.done $0x0  }
0x18c: {  	[sflag:s7] =	ssyncadd.s32 $0xFFFF8000  }
0x18d: {  	_ =	swait.ge [sflag:s6], $0x8000  }
0x18e: {  	[sflag:s6] =	ssyncset.done $0x0  }
0x18f: {  	[sflag:s6] =	ssyncadd.s32 $0xFFFF8000  }
0x190: {  	_ =	swait.ge [sflag:s5], $0x8000  }
0x191: {  	[sflag:s5] =	ssyncset.done $0x0  }
0x192: {  	p1 =	sne.s32 s0, $0x1;
	[sflag:s5] =	ssyncadd.s32 $0xFFFF8000  }
.Ltmp2:
0x193: {  	_ =	swait.ge [sflag:s4], $0x8000;
	(pc) =	sbr.rel @p1 .LBB2_4-.Ltmp2, $4  }
0x194: {  	[sflag:s4] =	ssyncset.done $0x0  }
0x195: {  	[sflag:s4] =	ssyncadd.s32 $0xFFFF8000  }
0x196: {  	_ =	swait.ge [sflag:s3], $0x8000  }
0x197: {  	s0 =	sadd.s32 $0xFFFFFFFF, s0;
	s1 =	rddreg [dreg:$0x3];
	[sflag:s3] =	ssyncset.done $0x0  }
0x198: {  	s25 =	rddreg [dreg:$0x1a]  }
0x199: {  	s8 =	rddreg [dreg:$0x2]  }
.LBB2_6:
0x19a: {  	[sflag:s3] =	ssyncadd.s32 @p0 $0xFFFF8000  }
0x19b: {  	[tilespmem:s2], [sflag:$0x1] =	stream.linear.gather [hbm4b:s1+s2], $0x8000, $0x38;
	[tilespmem:$0x10000] =	vst v63  }
0x19c: {  	_ =	swait.ge [sflag:s23], $0x8000  }
0x19d: {  	[sflag:s23] =	ssyncset.done $0x0  }
0x19e: {  	s1 =	rddreg [dreg:$0x1b];
	[sflag:s23] =	ssyncadd.s32 $0xFFFF8000  }
0x19f: {  	[hbm4b:s1+s2] =	stream.linear.scatter [tilespmem:s2], [sflag:$0x3], $0x8000, $0x38;
	[tilespmem:$0x10000] =	vst v63  }
0x1a0: {  	s0 =	rddreg [dreg:$0x4]  }
0x1a1: {  	[hbm4b:s0+s2] =	stream.linear.scatter [tilespmem:s2], [sflag:$0x4], $0x8000, $0x38;
	[tilespmem:$0x10000] =	vst v63  }
0x1a2: {  	s1 =	rddreg [dreg:$0x5]  }
0x1a3: {  	[hbm4b:s1+s2] =	stream.linear.scatter [tilespmem:s2], [sflag:$0x5], $0x8000, $0x38;
	[tilespmem:$0x10000] =	vst v63  }
0x1a4: {  	s0 =	rddreg [dreg:$0x6]  }
0x1a5: {  	[hbm4b:s0+s2] =	stream.linear.scatter [tilespmem:s2], [sflag:$0x6], $0x8000, $0x38;
	[tilespmem:$0x10000] =	vst v63  }
0x1a6: {  	s1 =	rddreg [dreg:$0x7]  }
0x1a7: {  	[tilespmem:s16], [sflag:$0x2] =	stream.linear.gather [hbm4b:s1+s2], $0x8000, $0x38;
	[tilespmem:$0x10000] =	vst v63  }
0x1a8: {  	_ =	swait.ge [sflag:s17], $0x8000  }
0x1a9: {  	[sflag:s17] =	ssyncset.done $0x0  }
0x1aa: {  	s0 =	rddreg [dreg:$0x8];
	[sflag:s17] =	ssyncadd.s32 $0xFFFF8000  }
0x1ab: {  	[hbm4b:s0+s2] =	stream.linear.scatter [tilespmem:s16], [sflag:$0x7], $0x8000, $0x38;
	[tilespmem:$0x10000] =	vst v63  }
0x1ac: {  	s1 =	rddreg [dreg:$0x9]  }
0x1ad: {  	[hbm4b:s1+s2] =	stream.linear.scatter [tilespmem:s16], [sflag:$0x8], $0x8000, $0x38;
	[tilespmem:$0x10000] =	vst v63  }
0x1ae: {  	s0 =	rddreg [dreg:$0xa]  }
0x1af: {  	[hbm4b:s0+s2] =	stream.linear.scatter [tilespmem:s16], [sflag:$0x9], $0x8000, $0x38;
	[tilespmem:$0x10000] =	vst v63  }
0x1b0: {  	s1 =	rddreg [dreg:$0xb]  }
0x1b1: {  	[hbm4b:s1+s2] =	stream.linear.scatter [tilespmem:s16], [sflag:$0xA], $0x8000, $0x38;
	[tilespmem:$0x10000] =	vst v63  }
0x1b2: {  	_ =	swait.ge [sflag:s14], $0x8000  }
0x1b3: {  	[sflag:s14] =	ssyncset.done $0x0  }
0x1b4: {  	[sflag:s14] =	ssyncadd.s32 $0xFFFF8000  }
0x1b5: {  	_ =	swait.ge [sflag:s12], $0x8000  }
0x1b6: {  	[sflag:s12] =	ssyncset.done $0x0  }
0x1b7: {  	[sflag:s12] =	ssyncadd.s32 $0xFFFF8000  }
0x1b8: {  	_ =	swait.ge [sflag:s13], $0x8000  }
0x1b9: {  	[sflag:s13] =	ssyncset.done $0x0  }
0x1ba: {  	[sflag:s13] =	ssyncadd.s32 $0xFFFF8000  }
0x1bb: {  	_ =	swait.ge [sflag:s7], $0x8000  }
0x1bc: {  	[sflag:s7] =	ssyncset.done $0x0  }
0x1bd: {  	s1 =	rddreg [dreg:$0xc];
	[sflag:s7] =	ssyncadd.s32 $0xFFFF8000  }
0x1be: {  	[tilespmem:s2], [sflag:$0x1] =	stream.linear.gather [hbm4b:s1+s2], $0x8000, $0x38;
	[tilespmem:$0x10000] =	vst v63  }
0x1bf: {  	_ =	swait.ge [sflag:s23], $0x8000  }
0x1c0: {  	[sflag:s23] =	ssyncset.done $0x0  }
0x1c1: {  	s0 =	rddreg [dreg:$0xd];
	[sflag:s23] =	ssyncadd.s32 $0xFFFF8000  }
0x1c2: {  	[hbm4b:s0+s2] =	stream.linear.scatter [tilespmem:s2], [sflag:$0x3], $0x8000, $0x38;
	[tilespmem:$0x10000] =	vst v63  }
0x1c3: {  	s1 =	rddreg [dreg:$0xe]  }
0x1c4: {  	[hbm4b:s1+s2] =	stream.linear.scatter [tilespmem:s2], [sflag:$0x4], $0x8000, $0x38;
	[tilespmem:$0x10000] =	vst v63  }
0x1c5: {  	s0 =	rddreg [dreg:$0xf]  }
0x1c6: {  	[hbm4b:s0+s2] =	stream.linear.scatter [tilespmem:s2], [sflag:$0x5], $0x8000, $0x38;
	[tilespmem:$0x10000] =	vst v63  }
0x1c7: {  	s1 =	rddreg [dreg:$0x10]  }
0x1c8: {  	[hbm4b:s1+s2] =	stream.linear.scatter [tilespmem:s2], [sflag:$0x6], $0x8000, $0x38;
	[tilespmem:$0x10000] =	vst v63  }
0x1c9: {  	_ =	swait.ge [sflag:s6], $0x8000  }
0x1ca: {  	[sflag:s6] =	ssyncset.done $0x0  }
0x1cb: {  	[sflag:s6] =	ssyncadd.s32 $0xFFFF8000  }
0x1cc: {  	_ =	swait.ge [sflag:s5], $0x8000  }
0x1cd: {  	[sflag:s5] =	ssyncset.done $0x0  }
0x1ce: {  	[sflag:s5] =	ssyncadd.s32 $0xFFFF8000  }
0x1cf: {  	_ =	swait.ge [sflag:s4], $0x8000  }
0x1d0: {  	[sflag:s4] =	ssyncset.done $0x0  }
0x1d1: {  	[sflag:s4] =	ssyncadd.s32 $0xFFFF8000  }
0x1d2: {  	_ =	swait.ge [sflag:s3], $0x8000  }
0x1d3: {  	[sflag:s3] =	ssyncset.done $0x0  }
0x1d4: {  	s1 =	rddreg [dreg:$0x11];
	[sflag:s3] =	ssyncadd.s32 $0xFFFF8000  }
0x1d5: {  	[tilespmem:s16], [sflag:$0x2] =	stream.linear.gather [hbm4b:s1+s2], $0x8000, $0x38;
	[tilespmem:$0x10000] =	vst v63  }
0x1d6: {  	_ =	swait.ge [sflag:s17], $0x8000  }
0x1d7: {  	[sflag:s17] =	ssyncset.done $0x0  }
0x1d8: {  	s0 =	rddreg [dreg:$0x12];
	[sflag:s17] =	ssyncadd.s32 $0xFFFF8000  }
0x1d9: {  	[hbm4b:s0+s2] =	stream.linear.scatter [tilespmem:s16], [sflag:$0x7], $0x8000, $0x38;
	[tilespmem:$0x10000] =	vst v63  }
0x1da: {  	s1 =	rddreg [dreg:$0x13]  }
0x1db: {  	[hbm4b:s1+s2] =	stream.linear.scatter [tilespmem:s16], [sflag:$0x8], $0x8000, $0x38;
	[tilespmem:$0x10000] =	vst v63  }
0x1dc: {  	s0 =	rddreg [dreg:$0x14]  }
0x1dd: {  	[hbm4b:s0+s2] =	stream.linear.scatter [tilespmem:s16], [sflag:$0x9], $0x8000, $0x38;
	[tilespmem:$0x10000] =	vst v63  }
0x1de: {  	s1 =	rddreg [dreg:$0x15]  }
0x1df: {  	[hbm4b:s1+s2] =	stream.linear.scatter [tilespmem:s16], [sflag:$0xA], $0x8000, $0x38;
	[tilespmem:$0x10000] =	vst v63  }
0x1e0: {  	_ =	swait.ge [sflag:s14], $0x8000  }
0x1e1: {  	[sflag:s14] =	ssyncset.done $0x0  }
0x1e2: {  	[sflag:s14] =	ssyncadd.s32 $0xFFFF8000  }
0x1e3: {  	_ =	swait.ge [sflag:s12], $0x8000  }
0x1e4: {  	[sflag:s12] =	ssyncset.done $0x0  }
0x1e5: {  	[sflag:s12] =	ssyncadd.s32 $0xFFFF8000  }
0x1e6: {  	_ =	swait.ge [sflag:s13], $0x8000  }
0x1e7: {  	[sflag:s13] =	ssyncset.done $0x0  }
0x1e8: {  	[sflag:s13] =	ssyncadd.s32 $0xFFFF8000  }
0x1e9: {  	_ =	swait.ge [sflag:s7], $0x8000  }
0x1ea: {  	[sflag:s7] =	ssyncset.done $0x0  }
0x1eb: {  	s1 =	rddreg [dreg:$0x16];
	[sflag:s7] =	ssyncadd.s32 $0xFFFF8000  }
0x1ec: {  	[tilespmem:s2], [sflag:$0x1] =	stream.linear.gather [hbm4b:s1+s2], $0x8000, $0x38;
	[tilespmem:$0x10000] =	vst v63  }
0x1ed: {  	_ =	swait.ge [sflag:s23], $0x8000  }
0x1ee: {  	[sflag:s23] =	ssyncset.done $0x0  }
0x1ef: {  	s0 =	rddreg [dreg:$0x17];
	[sflag:s23] =	ssyncadd.s32 $0xFFFF8000  }
0x1f0: {  	[hbm4b:s0+s2] =	stream.linear.scatter [tilespmem:s2], [sflag:$0x3], $0x8000, $0x38;
	[tilespmem:$0x10000] =	vst v63  }
0x1f1: {  	s1 =	rddreg [dreg:$0x18]  }
0x1f2: {  	[hbm4b:s1+s2] =	stream.linear.scatter [tilespmem:s2], [sflag:$0x4], $0x8000, $0x38;
	[tilespmem:$0x10000] =	vst v63  }
0x1f3: {  	s0 =	rddreg [dreg:$0x19]  }
0x1f4: {  	[hbm4b:s0+s2] =	stream.linear.scatter [tilespmem:s2], [sflag:$0x5], $0x8000, $0x38;
	[tilespmem:$0x10000] =	vst v63  }
0x1f5: {  	_ = 	snop  }
0x1f6: {  	[hbm4b:s31+s2] =	stream.linear.scatter [tilespmem:s2], [sflag:$0x6], $0x8000, $0x38;
	[tilespmem:$0x10000] =	vst v63  }
0x1f7: {  	_ =	swait.ge [sflag:s6], $0x8000  }
0x1f8: {  	[sflag:s6] =	ssyncset.done $0x0  }
0x1f9: {  	[sflag:s6] =	ssyncadd.s32 $0xFFFF8000  }
0x1fa: {  	_ =	swait.ge [sflag:s5], $0x8000  }
0x1fb: {  	[sflag:s5] =	ssyncset.done $0x0  }
0x1fc: {  	[sflag:s5] =	ssyncadd.s32 $0xFFFF8000  }
0x1fd: {  	_ =	swait.ge [sflag:s4], $0x8000  }
0x1fe: {  	[sflag:s4] =	ssyncset.done $0x0  }
0x1ff: {  	[sflag:s4] =	ssyncadd.s32 $0xFFFF8000  }
0x200: {  	_ =	swait.ge [sflag:s3], $0x8000  }
0x201: {  	[sflag:s3] =	ssyncset.done $0x0  }
0x202: {  	[sflag:s3] =	ssyncadd.s32 $0xFFFF8000  }
0x203: {  	[tilespmem:s16], [sflag:$0x2] =	stream.linear.gather [hbm4b:s30+s2], $0x8000, $0x38;
	[tilespmem:$0x10000] =	vst v63  }
0x204: {  	_ =	swait.ge [sflag:s17], $0x8000  }
0x205: {  	[sflag:s17] =	ssyncset.done $0x0  }
0x206: {  	[sflag:s17] =	ssyncadd.s32 $0xFFFF8000  }
0x207: {  	[hbm4b:s25+s2] =	stream.linear.scatter [tilespmem:s16], [sflag:$0x7], $0x8000, $0x38;
	[tilespmem:$0x10000] =	vst v63  }
0x208: {  	_ = 	snop  }
0x209: {  	[hbm4b:s26+s2] =	stream.linear.scatter [tilespmem:s16], [sflag:$0x8], $0x8000, $0x38;
	[tilespmem:$0x10000] =	vst v63  }
0x20a: {  	_ = 	snop  }
0x20b: {  	[hbm4b:s28+s2] =	stream.linear.scatter [tilespmem:s16], [sflag:$0x9], $0x8000, $0x38;
	[tilespmem:$0x10000] =	vst v63  }
0x20c: {  	_ = 	snop  }
0x20d: {  	[hbm4b:s29+s2] =	stream.linear.scatter [tilespmem:s16], [sflag:$0xA], $0x8000, $0x38;
	[tilespmem:$0x10000] =	vst v63  }
0x20e: {  	_ =	swait.ge [sflag:s14], $0x8000  }
0x20f: {  	[sflag:s14] =	ssyncset.done $0x0  }
0x210: {  	[sflag:s14] =	ssyncadd.s32 $0xFFFF8000  }
0x211: {  	_ =	swait.ge [sflag:s12], $0x8000  }
0x212: {  	[sflag:s12] =	ssyncset.done $0x0  }
0x213: {  	[sflag:s12] =	ssyncadd.s32 $0xFFFF8000  }
0x214: {  	_ =	swait.ge [sflag:s13], $0x8000  }
0x215: {  	[sflag:s13] =	ssyncset.done $0x0  }
0x216: {  	[sflag:s13] =	ssyncadd.s32 $0xFFFF8000  }
0x217: {  	_ =	swait.ge [sflag:s7], $0x8000  }
0x218: {  	[sflag:s7] =	ssyncset.done $0x0  }
0x219: {  	[sflag:s7] =	ssyncadd.s32 $0xFFFF8000  }
0x21a: {  	[tilespmem:s2], [sflag:$0x1] =	stream.linear.gather [hbm4b:s24+s2], $0x8000, $0x38;
	[tilespmem:$0x10000] =	vst v63  }
0x21b: {  	_ =	swait.ge [sflag:s23], $0x8000  }
0x21c: {  	[sflag:s23] =	ssyncset.done $0x0  }
0x21d: {  	[sflag:s23] =	ssyncadd.s32 $0xFFFF8000  }
0x21e: {  	[hbm4b:s19+s2] =	stream.linear.scatter [tilespmem:s2], [sflag:$0x3], $0x8000, $0x38;
	[tilespmem:$0x10000] =	vst v63  }
0x21f: {  	_ = 	snop  }
0x220: {  	[hbm4b:s20+s2] =	stream.linear.scatter [tilespmem:s2], [sflag:$0x4], $0x8000, $0x38;
	[tilespmem:$0x10000] =	vst v63  }
0x221: {  	_ = 	snop  }
0x222: {  	[hbm4b:s21+s2] =	stream.linear.scatter [tilespmem:s2], [sflag:$0x5], $0x8000, $0x38;
	[tilespmem:$0x10000] =	vst v63  }
0x223: {  	_ = 	snop  }
0x224: {  	[hbm4b:s22+s2] =	stream.linear.scatter [tilespmem:s2], [sflag:$0x6], $0x8000, $0x38;
	[tilespmem:$0x10000] =	vst v63  }
0x225: {  	_ =	swait.ge [sflag:s6], $0x8000  }
0x226: {  	[sflag:s6] =	ssyncset.done $0x0  }
0x227: {  	[sflag:s6] =	ssyncadd.s32 $0xFFFF8000  }
0x228: {  	_ =	swait.ge [sflag:s5], $0x8000  }
0x229: {  	[sflag:s5] =	ssyncset.done $0x0  }
0x22a: {  	[sflag:s5] =	ssyncadd.s32 $0xFFFF8000  }
0x22b: {  	_ =	swait.ge [sflag:s4], $0x8000  }
0x22c: {  	[sflag:s4] =	ssyncset.done $0x0  }
0x22d: {  	[sflag:s4] =	ssyncadd.s32 $0xFFFF8000  }
0x22e: {  	_ =	swait.ge [sflag:s3], $0x8000  }
0x22f: {  	[sflag:s3] =	ssyncset.done $0x0  }
0x230: {  	[sflag:s3] =	ssyncadd.s32 $0xFFFF8000  }
0x231: {  	[tilespmem:s16], [sflag:$0x2] =	stream.linear.gather [hbm4b:s18+s2], $0x8000, $0x38;
	[tilespmem:$0x10000] =	vst v63  }
0x232: {  	_ =	swait.ge [sflag:s17], $0x8000  }
0x233: {  	[sflag:s17] =	ssyncset.done $0x0  }
0x234: {  	[sflag:s17] =	ssyncadd.s32 $0xFFFF8000  }
0x235: {  	[hbm4b:s9+s2] =	stream.linear.scatter [tilespmem:s16], [sflag:$0x7], $0x8000, $0x38;
	[tilespmem:$0x10000] =	vst v63  }
0x236: {  	_ = 	snop  }
0x237: {  	[hbm4b:s10+s2] =	stream.linear.scatter [tilespmem:s16], [sflag:$0x8], $0x8000, $0x38;
	[tilespmem:$0x10000] =	vst v63  }
0x238: {  	_ = 	snop  }
0x239: {  	[hbm4b:s11+s2] =	stream.linear.scatter [tilespmem:s16], [sflag:$0x9], $0x8000, $0x38;
	[tilespmem:$0x10000] =	vst v63  }
0x23a: {  	_ = 	snop  }
0x23b: {  	[hbm4b:s15+s2] =	stream.linear.scatter [tilespmem:s16], [sflag:$0xA], $0x8000, $0x38;
	[tilespmem:$0x10000] =	vst v63  }
0x23c: {  	_ =	swait.ge [sflag:s14], $0x8000  }
0x23d: {  	[sflag:s14] =	ssyncset.done $0x0  }
0x23e: {  	[sflag:s14] =	ssyncadd.s32 $0xFFFF8000  }
0x23f: {  	_ =	swait.ge [sflag:s12], $0x8000  }
0x240: {  	[sflag:s12] =	ssyncset.done $0x0  }
0x241: {  	[sflag:s12] =	ssyncadd.s32 $0xFFFF8000  }
0x242: {  	_ =	swait.ge [sflag:s13], $0x8000  }
0x243: {  	[sflag:s13] =	ssyncset.done $0x0  }
0x244: {  	[sflag:s13] =	ssyncadd.s32 $0xFFFF8000  }
0x245: {  	_ =	swait.ge [sflag:s7], $0x8000  }
0x246: {  	[sflag:s7] =	ssyncset.done $0x0  }
0x247: {  	[sflag:s7] =	ssyncadd.s32 $0xFFFF8000  }
0x248: {  	_ =	swait.ge [sflag:s6], $0x8000  }
0x249: {  	[sflag:s6] =	ssyncset.done $0x0  }
0x24a: {  	[sflag:s6] =	ssyncadd.s32 $0xFFFF8000  }
0x24b: {  	_ =	swait.ge [sflag:s5], $0x8000  }
0x24c: {  	[sflag:s5] =	ssyncset.done $0x0  }
0x24d: {  	[sflag:s5] =	ssyncadd.s32 $0xFFFF8000  }
0x24e: {  	_ =	swait.ge [sflag:s4], $0x8000  }
0x24f: {  	[sflag:s4] =	ssyncset.done $0x0  }
0x250: {  	[sflag:s4] =	ssyncadd.s32 $0xFFFF8000  }
0x251: {  	_ =	swait.ge [sflag:s3], $0x8000  }
0x252: {  	[sflag:s3] =	ssyncset.done $0x0  }
0x253: {  	[sflag:s3] =	ssyncadd.s32 $0xFFFF8000  }
0x254: {  	_ =	sfence.sel $0x180000  }
0x255: {  	s31 =	stileid.u32;
	[bflag:$0x0] =	sbarrier.arrive $0xFFFF  }
0x256: {  	p0 =	sne.s32 s31, $0x0;
	_ =	strace $0x90000047  }
0x257: {  	s0 =	sadd.s32 @!p0 $0x100000, s8;
	[bflag:$0x2] =	sbarrier.arrive $0xFFFF  }
0x258: {  	[sflag:s0] =	ssyncadd.tile.s32 @!p0 $0x1;
	_ =	shalt  }
.LBB2_1:
.Ltmp3:
0x259: {  	(pc) =	sbr.rel .LBB2_6-.Ltmp3, $2  }
0x25a: {  	_ =	sdelay $0x2  }
0x25b: {  	s25 =	rddreg [dreg:$0x1a]  }
.LBB2_3:
.Ltmp4:
0x25c: {  	(pc) =	sbr.rel .LBB2_6-.Ltmp4, $3  }
0x25d: {  	_ =	sdelay $0x1  }
0x25e: {  	s25 =	rddreg [dreg:$0x1a]  }
0x25f: {  	s8 =	rddreg [dreg:$0x2]  }
.Lfunc_end2:
_tile_overlayer_lowered:
.L_overlay_start_2:
0x260: {  	(tag) =	ssettag $0x2  }
0x261: {  	s0 =	rddreg [dreg:$0x0];
	s2 =	stileid.u32  }
0x262: {  	s1 =	rddreg [dreg:$0x1];
	p0 =	sne.s32 s2, $0x0  }
0x263: {  	s3 =	rddreg [dreg:$0x2];
	[bflag:$0x3] =	sbarrier.arrive $0xFFFF;
	s2 =	simm.s32 @!p0 $0x1C0B  }
0x264: {  	[timem:s3], [sflag:s2] =	dma.local @!p0 [hbm:s0], s1  }
0x265: {  	s0 =	simm.s32 @!p0 $0xB  }
0x266: {  	_ =	swait.ge @!p0 [sflag:s0], s1  }
0x267: {  	s1 =	ssub.s32 @!p0 $0x0, s1;
	[sflag:s0] =	ssyncset.done @!p0 $0x0  }
0x268: {  	[sflag:s0] =	ssyncadd.s32 @!p0 s1  }
0x269: {  	[bflag:$0x3] =	sbarrier.arrive $0xFFFF  }
0x26a: {  	_ =	shalt  }

</sc_bundles>
